<compile_context>
chip_gen: v7x
topology: tpu7x:2x2x1
jax: 0.10.2.dev20260603
libtpu: 0.0.44.dev20260713+nightly
codegen_flags: <defaults>
</compile_context>

<pallas_src>
import functools

import jax
import jax.numpy as jnp
from jax import lax
from jax.experimental import pallas as pl
from jax.experimental.pallas import tpu as pltpu
from jax.experimental.pallas import tpu_sc as plsc

B, T, D = 1024, 200, 64
N = B * T
N_CAT, N_NUM = 6, 4
NW = 32
C = 64
JPT = B // C
NCH = T * JPT // NW
SB = B // NW
W704 = 11 * D


def _prep_body(x4_ref, time_ref, lab_ref, w_ref, b_ref, bnw_ref, bnb_ref,
               wp_ref, bp_ref, delta_ref):
    t = time_ref[...]
    dt = t - jnp.concatenate([t[:1, :], t[:-1, :]], axis=0)
    delta_ref[...] = dt

    def emit(f, x):
        m = jnp.mean(x)
        v = jnp.mean(x * x) - m * m
        istd = lax.rsqrt(v + 1e-5)
        scale = bnw_ref[f, :] * istd
        w = w_ref[f, :]
        wp_ref[f, :] = w * scale
        bp_ref[f, :] = (bnb_ref[f, :] - m * scale) * w + b_ref[f, :]

    for f in range(N_NUM):
        emit(f, x4_ref[f])
    emit(4, dt)
    emit(5, lab_ref[...])


def _run_prep(x4, timeT, lab2d, w6, b6, bnw6, bnb6):
    return pl.pallas_call(
        _prep_body,
        out_shape=(
            jax.ShapeDtypeStruct((6, D), jnp.float32),
            jax.ShapeDtypeStruct((6, D), jnp.float32),
            jax.ShapeDtypeStruct((T, B), jnp.float32),
        ),
    )(x4, timeT, lab2d, w6, b6, bnw6, bnb6)


def _sc_body(t0, t1, t2, t3, t4, t5, idx6, x5, labtab, labidx, acttab,
             actidx, labx, wp, bp, seq_out, stat_out,
             ib0, ib1, xb0, xb1, gb0, gb1, ns0, ns1, silab, siact, xlab,
             wv6, bv6, nlab, gsem, osem0, osem1):
    tabs = (t0, t1, t2, t3, t4, t5)
    wid = lax.axis_index("s") * 2 + lax.axis_index("c")

    sbase = wid * SB
    pltpu.sync_copy(labidx.at[pl.ds(sbase, SB)], silab)
    pltpu.sync_copy(actidx.at[pl.ds(sbase, SB)], siact)
    pltpu.sync_copy(labx.at[pl.ds(sbase, SB)], xlab)
    pltpu.sync_copy(wp, wv6)
    pltpu.sync_copy(bp, bv6)
    pltpu.async_copy(labtab.at[silab], nlab, gsem).wait()
    pltpu.sync_copy(nlab, stat_out.at[pl.ds(sbase, SB), pl.ds(0, D)])
    pltpu.async_copy(acttab.at[siact], nlab, gsem).wait()
    pltpu.sync_copy(nlab, stat_out.at[pl.ds(sbase, SB), pl.ds(D, D)])

    lwv = [wv6[5, pl.ds(c * 16, 16)] for c in range(4)]
    lbv = [bv6[5, pl.ds(c * 16, 16)] for c in range(4)]

    def srow(r, carry):
        xs = plsc.load_gather(xlab, [jnp.full((16,), r, jnp.int32)])
        for c in range(4):
            nlab[r, pl.ds(c * 16, 16)] = xs * lwv[c] + lbv[c]
        return carry

    lax.fori_loop(0, SB, srow, 0)
    pltpu.sync_copy(nlab, stat_out.at[pl.ds(sbase, SB), pl.ds(2 * D, D)])

    nwv = [[wv6[f, pl.ds(c * 16, 16)] for c in range(4)] for f in range(5)]
    nbv = [[bv6[f, pl.ds(c * 16, 16)] for c in range(4)] for f in range(5)]

    ibufs = (ib0, ib1)
    xbufs = (xb0, xb1)
    gbufs = (gb0, gb1)
    nstgs = (ns0, ns1)
    osems = (osem0, osem1)

    def drain(slot):
        for f in range(N_CAT):
            pltpu.make_async_copy(
                gbufs[slot][f],
                seq_out.at[pl.ds(0, C), pl.ds(f * D, D)], osems[slot]).wait()
        pltpu.make_async_copy(
            nstgs[slot],
            seq_out.at[pl.ds(0, C), pl.ds(N_CAT * D, 5 * D)],
            osems[slot]).wait()

    def do_tile(k, slot):
        q = wid * NCH + k * 2 + slot
        base = q * C
        ibuf, xbuf, nstg, osem = (ibufs[slot], xbufs[slot], nstgs[slot],
                                  osems[slot])

        @pl.when(k > 0)
        def _drain():
            drain(slot)

        pltpu.sync_copy(idx6.at[:, pl.ds(base, C)], ibuf)
        pltpu.sync_copy(x5.at[:, pl.ds(base, C)], xbuf)
        hs = [pltpu.async_copy(
                  tabs[f].at[ibuf.at[f]], gbufs[slot][f], gsem)
              for f in range(N_CAT)]

        def nrow(r, carry):
            for f in range(5):
                xs = plsc.load_gather(
                    xbuf.at[f], [jnp.full((16,), r, jnp.int32)])
                for c in range(4):
                    nstg[r, pl.ds(f * D + c * 16, 16)] = (
                        xs * nwv[f][c] + nbv[f][c])
            return carry

        lax.fori_loop(0, C, nrow, 0)
        for f in range(N_CAT):
            hs[f].wait()
        for f in range(N_CAT):
            pltpu.async_copy(
                gbufs[slot][f],
                seq_out.at[pl.ds(base, C), pl.ds(f * D, D)], osem)
        pltpu.async_copy(
            nstg, seq_out.at[pl.ds(base, C), pl.ds(N_CAT * D, 5 * D)], osem)

    def chunk(k, carry):
        do_tile(k, 0)
        do_tile(k, 1)
        return carry

    lax.fori_loop(0, NCH // 2, chunk, 0)
    drain(0)
    drain(1)


@functools.cache
def _get_sc_kernel():
    return functools.partial(
        pl.kernel,
        mesh=plsc.VectorSubcoreMesh(core_axis_name="c", subcore_axis_name="s"),
        out_type=(
            jax.ShapeDtypeStruct((N, W704), jnp.float32),
            jax.ShapeDtypeStruct((B, 3 * D), jnp.float32),
        ),
        scratch_types=[
            pltpu.VMEM((N_CAT, C), jnp.int32),
            pltpu.VMEM((N_CAT, C), jnp.int32),
            pltpu.VMEM((5, C), jnp.float32),
            pltpu.VMEM((5, C), jnp.float32),
            [pltpu.VMEM((C, D), jnp.float32) for _ in range(N_CAT)],
            [pltpu.VMEM((C, D), jnp.float32) for _ in range(N_CAT)],
            pltpu.VMEM((C, 5 * D), jnp.float32),
            pltpu.VMEM((C, 5 * D), jnp.float32),
            pltpu.VMEM((SB,), jnp.int32),
            pltpu.VMEM((SB,), jnp.int32),
            pltpu.VMEM((SB,), jnp.float32),
            pltpu.VMEM((6, D), jnp.float32),
            pltpu.VMEM((6, D), jnp.float32),
            pltpu.VMEM((SB, D), jnp.float32),
            pltpu.SemaphoreType.DMA,
            pltpu.SemaphoreType.DMA,
            pltpu.SemaphoreType.DMA,
        ],
        compiler_params=pltpu.CompilerParams(
            use_tc_tiling_on_sc=False, needs_layout_passes=False),
    )(_sc_body)


def kernel(cat_0, cat_1, cat_2, cat_3, cat_4, cat_5, num_0, num_1, num_2,
           num_3, time, lab_cat_0, is_active, lab_num_0, params):
    f32 = jnp.float32
    i32 = jnp.int32
    names = [f"num_{i}" for i in range(N_NUM)] + ["time", "lab_num_0"]
    w6 = jnp.concatenate([params["W_" + n] for n in names], axis=0)
    b6 = jnp.stack([params["b_" + n] for n in names], axis=0)
    bnw6 = jnp.stack([jnp.broadcast_to(params["bnw_" + n], (D,))
                      for n in names], axis=0)
    bnb6 = jnp.stack([jnp.broadcast_to(params["bnb_" + n], (D,))
                      for n in names], axis=0)
    x4T = jnp.stack([num_0.T, num_1.T, num_2.T, num_3.T]).astype(f32)
    lab2d = lab_num_0.astype(f32).reshape(8, 128)

    wp, bp, deltaT = _run_prep(x4T, time.T.astype(f32), lab2d,
                               w6, b6, bnw6, bnb6)

    idx6 = jnp.stack([cat_0.T, cat_1.T, cat_2.T, cat_3.T, cat_4.T, cat_5.T]
                     ).astype(i32).reshape(N_CAT, N)
    x5 = jnp.concatenate([x4T, deltaT[None]], axis=0).reshape(5, N)
    seq2, stat = _get_sc_kernel()(
        params["emb_cat_0"], params["emb_cat_1"], params["emb_cat_2"],
        params["emb_cat_3"], params["emb_cat_4"], params["emb_cat_5"],
        idx6, x5, params["emb_lab_cat_0"], lab_cat_0.astype(i32),
        params["emb_is_active"], is_active.astype(i32),
        lab_num_0.astype(f32), wp, bp)
    return stat, seq2.reshape(T, B, W704).swapaxes(0, 1)

# --- scband reference (transcript-rebuilt; emitter-appended) ---
"""Pipeline reference for scband-encoder-32650341384386 (READ-ONLY COPY).

The authoritative reference and input builder live on the scoring server;
editing this copy changes nothing except your own understanding.
"""

import jax, jax.numpy as jnp
import numpy as np

B, T, D = 1024, 200, 64
N_CAT, N_NUM = 6, 4
CAT_VOCAB, LAB_VOCAB = 100000, 1000


def setup_inputs() -> dict:
    keys = iter(jax.random.split(jax.random.key(0), 80))
    inp = {}
    for i in range(N_CAT):
        inp[f"cat_{i}"] = jax.random.randint(next(keys), (B, T), 0, CAT_VOCAB)
    for i in range(N_NUM):
        inp[f"num_{i}"] = jax.random.normal(next(keys), (B, T), dtype=jnp.float32)
    # monotonically increasing timestamps so Diff() produces positive deltas
    inp["time"] = jnp.cumsum(jax.random.uniform(next(keys), (B, T), dtype=jnp.float32), axis=1)
    inp["lab_cat_0"] = jax.random.randint(next(keys), (B,), 0, LAB_VOCAB)
    inp["is_active"] = jax.random.randint(next(keys), (B,), 0, 2)
    inp["lab_num_0"] = jax.random.normal(next(keys), (B,), dtype=jnp.float32)
    params = {}
    for i in range(N_CAT):
        # NaNEmbedding(v, D): v rows + 1 extra row for NaN bucket
        params[f"emb_cat_{i}"] = jax.random.normal(next(keys), (CAT_VOCAB + 1, D), dtype=jnp.float32) * 0.02
    params["emb_lab_cat_0"] = jax.random.normal(next(keys), (LAB_VOCAB + 1, D), dtype=jnp.float32) * 0.02
    params["emb_is_active"] = jax.random.normal(next(keys), (3, D), dtype=jnp.float32) * 0.02
    for name in [f"num_{i}" for i in range(N_NUM)] + ["time", "lab_num_0"]:
        params["W_" + name] = jax.random.normal(next(keys), (1, D), dtype=jnp.float32) * 0.1
        params["b_" + name] = jnp.zeros((D,), dtype=jnp.float32)
        params["bnw_" + name] = jnp.ones((1,), dtype=jnp.float32)
        params["bnb_" + name] = jnp.zeros((1,), dtype=jnp.float32)
    inp["params"] = params
    return inp


def _numeric_branch(x, params, name, diff=False):
    # Unsqueeze() -> [optional Diff()] -> NaNBatchNorm(1) -> NaNLinear(1, D)
    x = x[..., None]
    if diff:
        x = jnp.diff(x, axis=1, prepend=x[:, :1])
    x = jnp.nan_to_num(x)
    red = tuple(range(x.ndim - 1))
    mean = jnp.mean(x, axis=red, keepdims=True)
    var = jnp.var(x, axis=red, keepdims=True)
    x = (x - mean) / jnp.sqrt(var + 1e-5) * params["bnw_" + name] + params["bnb_" + name]
    return x @ params["W_" + name] + params["b_" + name]


def _forward(cats, nums, time, lab_cat_0, is_active, lab_num_0, params):
    # static (label) encoders: category, binary, numeric (order of construction)
    stat_emb = [
        jnp.take(params["emb_lab_cat_0"], lab_cat_0, axis=0),
        jnp.take(params["emb_is_active"], is_active, axis=0),
        _numeric_branch(lab_num_0, params, "lab_num_0"),
    ]
    # sequential encoders: categories, numerics, then time
    seq_emb = [jnp.take(params[f"emb_cat_{i}"], cats[i], axis=0) for i in range(N_CAT)]
    seq_emb += [_numeric_branch(nums[i], params, f"num_{i}") for i in range(N_NUM)]
    seq_emb.append(_numeric_branch(time, params, "time", diff=True))
    return jnp.concatenate(stat_emb, axis=-1), jnp.concatenate(seq_emb, axis=-1)


def reference(cat_0, cat_1, cat_2, cat_3, cat_4, cat_5, num_0, num_1, num_2, num_3, time, lab_cat_0, is_active, lab_num_0, params):
    cats = [cat_0, cat_1, cat_2, cat_3, cat_4, cat_5]
    nums = [num_0, num_1, num_2, num_3]
    return _forward(cats, nums, time, lab_cat_0, is_active, lab_num_0, params)

if __name__ == "__main__":
    import jax
    _d = setup_inputs()
    print(jax.jit(kernel)(*tuple(_d.values())))

</pallas_src>

<mosaic_0001>
#map = affine_map<(d0, d1) -> (0, 0)>
#map1 = affine_map<(d0, d1) -> (0)>
module attributes {stable_mosaic.version = 14 : i64} {
  func.func @_sc_body(%arg0: i32, %arg1: i32, %arg2: memref<100001x64xf32, #tpu.memory_space<hbm>>, %arg3: memref<100001x64xf32, #tpu.memory_space<hbm>>, %arg4: memref<100001x64xf32, #tpu.memory_space<hbm>>, %arg5: memref<100001x64xf32, #tpu.memory_space<hbm>>, %arg6: memref<100001x64xf32, #tpu.memory_space<hbm>>, %arg7: memref<100001x64xf32, #tpu.memory_space<hbm>>, %arg8: memref<6x204800xi32, #tpu.memory_space<hbm>>, %arg9: memref<5x204800xf32, #tpu.memory_space<hbm>>, %arg10: memref<1001x64xf32, #tpu.memory_space<hbm>>, %arg11: memref<1024xi32, #tpu.memory_space<hbm>>, %arg12: memref<3x64xf32, #tpu.memory_space<hbm>>, %arg13: memref<1024xi32, #tpu.memory_space<hbm>>, %arg14: memref<1024xf32, #tpu.memory_space<hbm>>, %arg15: memref<6x64xf32, #tpu.memory_space<hbm>>, %arg16: memref<6x64xf32, #tpu.memory_space<hbm>>, %arg17: memref<204800x704xf32, #tpu.memory_space<hbm>>, %arg18: memref<1024x192xf32, #tpu.memory_space<hbm>>, %arg19: memref<6x64xi32, #tpu.memory_space<vmem>>, %arg20: memref<6x64xi32, #tpu.memory_space<vmem>>, %arg21: memref<5x64xf32, #tpu.memory_space<vmem>>, %arg22: memref<5x64xf32, #tpu.memory_space<vmem>>, %arg23: memref<64x64xf32, #tpu.memory_space<vmem>>, %arg24: memref<64x64xf32, #tpu.memory_space<vmem>>, %arg25: memref<64x64xf32, #tpu.memory_space<vmem>>, %arg26: memref<64x64xf32, #tpu.memory_space<vmem>>, %arg27: memref<64x64xf32, #tpu.memory_space<vmem>>, %arg28: memref<64x64xf32, #tpu.memory_space<vmem>>, %arg29: memref<64x64xf32, #tpu.memory_space<vmem>>, %arg30: memref<64x64xf32, #tpu.memory_space<vmem>>, %arg31: memref<64x64xf32, #tpu.memory_space<vmem>>, %arg32: memref<64x64xf32, #tpu.memory_space<vmem>>, %arg33: memref<64x64xf32, #tpu.memory_space<vmem>>, %arg34: memref<64x64xf32, #tpu.memory_space<vmem>>, %arg35: memref<64x320xf32, #tpu.memory_space<vmem>>, %arg36: memref<64x320xf32, #tpu.memory_space<vmem>>, %arg37: memref<32xi32, #tpu.memory_space<vmem>>, %arg38: memref<32xi32, #tpu.memory_space<vmem>>, %arg39: memref<32xf32, #tpu.memory_space<vmem>>, %arg40: memref<6x64xf32, #tpu.memory_space<vmem>>, %arg41: memref<6x64xf32, #tpu.memory_space<vmem>>, %arg42: memref<32x64xf32, #tpu.memory_space<vmem>>, %arg43: memref<!tpu.dma_semaphore, #tpu.memory_space<semaphore_mem>>, %arg44: memref<!tpu.dma_semaphore, #tpu.memory_space<semaphore_mem>>, %arg45: memref<!tpu.dma_semaphore, #tpu.memory_space<semaphore_mem>>) attributes {dimension_semantics = [#tpu.dimension_semantics<core_parallel>, #tpu.dimension_semantics<subcore_parallel>], iteration_bounds = array<i64: 2, 16>, scalar_prefetch = 0 : i64, scratch_operands = 27 : i64, tpu.core_type = #tpu.core_type<sc_vector_subcore>, window_params = [{transform_indices = #map}, {transform_indices = #map}, {transform_indices = #map}, {transform_indices = #map}, {transform_indices = #map}, {transform_indices = #map}, {transform_indices = #map}, {transform_indices = #map}, {transform_indices = #map}, {transform_indices = #map1}, {transform_indices = #map}, {transform_indices = #map1}, {transform_indices = #map1}, {transform_indices = #map}, {transform_indices = #map}, {transform_indices = #map}, {transform_indices = #map}]} {
    %mul3A = arith.constant 2 : i32
    %mul3A_0 = arith.muli %arg1, %mul3A : i32
    %add3A = arith.addi %mul3A_0, %arg0 : i32
    %mul3A_1 = arith.constant 32 : i32
    %mul3A_2 = arith.muli %add3A, %mul3A_1 : i32
    "tpu.region"() ({
      %run_scoped3A = tpu.sem_alloc : memref<!tpu.dma_semaphore, #tpu.memory_space<semaphore_mem>>
      %dma_start3A_299 = tpu.memref_slice %arg11[%mul3A_2] : memref<1024xi32, #tpu.memory_space<hbm>> -> memref<32xi32, #tpu.memory_space<hbm>>
      %dma_start3A_300 = tpu.memref_slice %arg11[%mul3A_2] : memref<1024xi32, #tpu.memory_space<hbm>> -> memref<32xi32, #tpu.memory_space<hbm>>
      tpu.enqueue_dma source(%dma_start3A_300 : memref<32xi32, #tpu.memory_space<hbm>>) target(%arg37 : memref<32xi32, #tpu.memory_space<vmem>>) target_semaphore(%run_scoped3A : memref<!tpu.dma_semaphore, #tpu.memory_space<semaphore_mem>>)
      %dma_wait3A_301 = tpu.memref_slice %arg11[%mul3A_2] : memref<1024xi32, #tpu.memory_space<hbm>> -> memref<32xi32, #tpu.memory_space<hbm>>
      %dma_wait3A_302 = tpu.memref_slice %arg11[%mul3A_2] : memref<1024xi32, #tpu.memory_space<hbm>> -> memref<32xi32, #tpu.memory_space<hbm>>
      tpu.wait_dma2 semaphore(%run_scoped3A : memref<!tpu.dma_semaphore, #tpu.memory_space<semaphore_mem>>) src(%dma_wait3A_302 : memref<32xi32, #tpu.memory_space<hbm>>) dst(%arg37 : memref<32xi32, #tpu.memory_space<vmem>>)
      tpu.yield
    }) : () -> ()
    "tpu.region"() ({
      %run_scoped3A = tpu.sem_alloc : memref<!tpu.dma_semaphore, #tpu.memory_space<semaphore_mem>>
      %dma_start3A_299 = tpu.memref_slice %arg13[%mul3A_2] : memref<1024xi32, #tpu.memory_space<hbm>> -> memref<32xi32, #tpu.memory_space<hbm>>
      %dma_start3A_300 = tpu.memref_slice %arg13[%mul3A_2] : memref<1024xi32, #tpu.memory_space<hbm>> -> memref<32xi32, #tpu.memory_space<hbm>>
      tpu.enqueue_dma source(%dma_start3A_300 : memref<32xi32, #tpu.memory_space<hbm>>) target(%arg38 : memref<32xi32, #tpu.memory_space<vmem>>) target_semaphore(%run_scoped3A : memref<!tpu.dma_semaphore, #tpu.memory_space<semaphore_mem>>)
      %dma_wait3A_301 = tpu.memref_slice %arg13[%mul3A_2] : memref<1024xi32, #tpu.memory_space<hbm>> -> memref<32xi32, #tpu.memory_space<hbm>>
      %dma_wait3A_302 = tpu.memref_slice %arg13[%mul3A_2] : memref<1024xi32, #tpu.memory_space<hbm>> -> memref<32xi32, #tpu.memory_space<hbm>>
      tpu.wait_dma2 semaphore(%run_scoped3A : memref<!tpu.dma_semaphore, #tpu.memory_space<semaphore_mem>>) src(%dma_wait3A_302 : memref<32xi32, #tpu.memory_space<hbm>>) dst(%arg38 : memref<32xi32, #tpu.memory_space<vmem>>)
      tpu.yield
    }) : () -> ()
    "tpu.region"() ({
      %run_scoped3A = tpu.sem_alloc : memref<!tpu.dma_semaphore, #tpu.memory_space<semaphore_mem>>
      %dma_start3A_299 = tpu.memref_slice %arg14[%mul3A_2] : memref<1024xf32, #tpu.memory_space<hbm>> -> memref<32xf32, #tpu.memory_space<hbm>>
      %dma_start3A_300 = tpu.memref_slice %arg14[%mul3A_2] : memref<1024xf32, #tpu.memory_space<hbm>> -> memref<32xf32, #tpu.memory_space<hbm>>
      tpu.enqueue_dma source(%dma_start3A_300 : memref<32xf32, #tpu.memory_space<hbm>>) target(%arg39 : memref<32xf32, #tpu.memory_space<vmem>>) target_semaphore(%run_scoped3A : memref<!tpu.dma_semaphore, #tpu.memory_space<semaphore_mem>>)
      %dma_wait3A_301 = tpu.memref_slice %arg14[%mul3A_2] : memref<1024xf32, #tpu.memory_space<hbm>> -> memref<32xf32, #tpu.memory_space<hbm>>
      %dma_wait3A_302 = tpu.memref_slice %arg14[%mul3A_2] : memref<1024xf32, #tpu.memory_space<hbm>> -> memref<32xf32, #tpu.memory_space<hbm>>
      tpu.wait_dma2 semaphore(%run_scoped3A : memref<!tpu.dma_semaphore, #tpu.memory_space<semaphore_mem>>) src(%dma_wait3A_302 : memref<32xf32, #tpu.memory_space<hbm>>) dst(%arg39 : memref<32xf32, #tpu.memory_space<vmem>>)
      tpu.yield
    }) : () -> ()
    "tpu.region"() ({
      %run_scoped3A = tpu.sem_alloc : memref<!tpu.dma_semaphore, #tpu.memory_space<semaphore_mem>>
      tpu.enqueue_dma source(%arg15 : memref<6x64xf32, #tpu.memory_space<hbm>>) target(%arg40 : memref<6x64xf32, #tpu.memory_space<vmem>>) target_semaphore(%run_scoped3A : memref<!tpu.dma_semaphore, #tpu.memory_space<semaphore_mem>>)
      tpu.wait_dma2 semaphore(%run_scoped3A : memref<!tpu.dma_semaphore, #tpu.memory_space<semaphore_mem>>) src(%arg15 : memref<6x64xf32, #tpu.memory_space<hbm>>) dst(%arg40 : memref<6x64xf32, #tpu.memory_space<vmem>>)
      tpu.yield
    }) : () -> ()
    "tpu.region"() ({
      %run_scoped3A = tpu.sem_alloc : memref<!tpu.dma_semaphore, #tpu.memory_space<semaphore_mem>>
      tpu.enqueue_dma source(%arg16 : memref<6x64xf32, #tpu.memory_space<hbm>>) target(%arg41 : memref<6x64xf32, #tpu.memory_space<vmem>>) target_semaphore(%run_scoped3A : memref<!tpu.dma_semaphore, #tpu.memory_space<semaphore_mem>>)
      tpu.wait_dma2 semaphore(%run_scoped3A : memref<!tpu.dma_semaphore, #tpu.memory_space<semaphore_mem>>) src(%arg16 : memref<6x64xf32, #tpu.memory_space<hbm>>) dst(%arg41 : memref<6x64xf32, #tpu.memory_space<vmem>>)
      tpu.yield
    }) : () -> ()
    %dma_start3A = arith.constant 0 : i32
    %dma_start3A_3 = arith.constant 0 : i32
    %dma_start3A_4 = tpu.memref_slice %arg10[%dma_start3A, %dma_start3A_3] : memref<1001x64xf32, #tpu.memory_space<hbm>> -> memref<1001x64xf32, #tpu.memory_space<hbm>>
    tpu.enqueue_indirect_dma source(%dma_start3A_4 : memref<1001x64xf32, #tpu.memory_space<hbm>>) target(%arg42 : memref<32x64xf32, #tpu.memory_space<vmem>>) offsets(%arg37 : memref<32xi32, #tpu.memory_space<vmem>>) semaphore(%arg43 : memref<!tpu.dma_semaphore, #tpu.memory_space<semaphore_mem>>)
    %dma_wait3A = arith.constant 0 : i32
    %dma_wait3A_5 = arith.constant 0 : i32
    %dma_wait3A_6 = tpu.memref_slice %arg10[%dma_wait3A, %dma_wait3A_5] : memref<1001x64xf32, #tpu.memory_space<hbm>> -> memref<1001x64xf32, #tpu.memory_space<hbm>>
    tpu.wait_indirect_dma semaphore(%arg43 : memref<!tpu.dma_semaphore, #tpu.memory_space<semaphore_mem>>) src(%dma_wait3A_6 : memref<1001x64xf32, #tpu.memory_space<hbm>>) dst(%arg42 : memref<32x64xf32, #tpu.memory_space<vmem>>)
    "tpu.region"() ({
      %run_scoped3A = tpu.sem_alloc : memref<!tpu.dma_semaphore, #tpu.memory_space<semaphore_mem>>
      %dma_start3A_299 = arith.constant 0 : i32
      %dma_start3A_300 = tpu.memref_slice %arg18[%mul3A_2, %dma_start3A_299] : memref<1024x192xf32, #tpu.memory_space<hbm>> -> memref<32x64xf32, #tpu.memory_space<hbm>>
      %dma_start3A_301 = arith.constant 0 : i32
      %dma_start3A_302 = tpu.memref_slice %arg18[%mul3A_2, %dma_start3A_301] : memref<1024x192xf32, #tpu.memory_space<hbm>> -> memref<32x64xf32, #tpu.memory_space<hbm>>
      tpu.enqueue_dma source(%arg42 : memref<32x64xf32, #tpu.memory_space<vmem>>) target(%dma_start3A_302 : memref<32x64xf32, #tpu.memory_space<hbm>>) target_semaphore(%run_scoped3A : memref<!tpu.dma_semaphore, #tpu.memory_space<semaphore_mem>>)
      %dma_wait3A_303 = arith.constant 0 : i32
      %dma_wait3A_304 = tpu.memref_slice %arg18[%mul3A_2, %dma_wait3A_303] : memref<1024x192xf32, #tpu.memory_space<hbm>> -> memref<32x64xf32, #tpu.memory_space<hbm>>
      %dma_wait3A_305 = arith.constant 0 : i32
      %dma_wait3A_306 = tpu.memref_slice %arg18[%mul3A_2, %dma_wait3A_305] : memref<1024x192xf32, #tpu.memory_space<hbm>> -> memref<32x64xf32, #tpu.memory_space<hbm>>
      tpu.wait_dma2 semaphore(%run_scoped3A : memref<!tpu.dma_semaphore, #tpu.memory_space<semaphore_mem>>) src(%arg42 : memref<32x64xf32, #tpu.memory_space<vmem>>) dst(%dma_wait3A_306 : memref<32x64xf32, #tpu.memory_space<hbm>>)
      tpu.yield
    }) : () -> ()
    %dma_start3A_7 = arith.constant 0 : i32
    %dma_start3A_8 = arith.constant 0 : i32
    %dma_start3A_9 = tpu.memref_slice %arg12[%dma_start3A_7, %dma_start3A_8] : memref<3x64xf32, #tpu.memory_space<hbm>> -> memref<3x64xf32, #tpu.memory_space<hbm>>
    tpu.enqueue_indirect_dma source(%dma_start3A_9 : memref<3x64xf32, #tpu.memory_space<hbm>>) target(%arg42 : memref<32x64xf32, #tpu.memory_space<vmem>>) offsets(%arg38 : memref<32xi32, #tpu.memory_space<vmem>>) semaphore(%arg43 : memref<!tpu.dma_semaphore, #tpu.memory_space<semaphore_mem>>)
    %dma_wait3A_10 = arith.constant 0 : i32
    %dma_wait3A_11 = arith.constant 0 : i32
    %dma_wait3A_12 = tpu.memref_slice %arg12[%dma_wait3A_10, %dma_wait3A_11] : memref<3x64xf32, #tpu.memory_space<hbm>> -> memref<3x64xf32, #tpu.memory_space<hbm>>
    tpu.wait_indirect_dma semaphore(%arg43 : memref<!tpu.dma_semaphore, #tpu.memory_space<semaphore_mem>>) src(%dma_wait3A_12 : memref<3x64xf32, #tpu.memory_space<hbm>>) dst(%arg42 : memref<32x64xf32, #tpu.memory_space<vmem>>)
    "tpu.region"() ({
      %run_scoped3A = tpu.sem_alloc : memref<!tpu.dma_semaphore, #tpu.memory_space<semaphore_mem>>
      %dma_start3A_299 = arith.constant 64 : i32
      %dma_start3A_300 = tpu.memref_slice %arg18[%mul3A_2, %dma_start3A_299] : memref<1024x192xf32, #tpu.memory_space<hbm>> -> memref<32x64xf32, #tpu.memory_space<hbm>>
      %dma_start3A_301 = arith.constant 64 : i32
      %dma_start3A_302 = tpu.memref_slice %arg18[%mul3A_2, %dma_start3A_301] : memref<1024x192xf32, #tpu.memory_space<hbm>> -> memref<32x64xf32, #tpu.memory_space<hbm>>
      tpu.enqueue_dma source(%arg42 : memref<32x64xf32, #tpu.memory_space<vmem>>) target(%dma_start3A_302 : memref<32x64xf32, #tpu.memory_space<hbm>>) target_semaphore(%run_scoped3A : memref<!tpu.dma_semaphore, #tpu.memory_space<semaphore_mem>>)
      %dma_wait3A_303 = arith.constant 64 : i32
      %dma_wait3A_304 = tpu.memref_slice %arg18[%mul3A_2, %dma_wait3A_303] : memref<1024x192xf32, #tpu.memory_space<hbm>> -> memref<32x64xf32, #tpu.memory_space<hbm>>
      %dma_wait3A_305 = arith.constant 64 : i32
      %dma_wait3A_306 = tpu.memref_slice %arg18[%mul3A_2, %dma_wait3A_305] : memref<1024x192xf32, #tpu.memory_space<hbm>> -> memref<32x64xf32, #tpu.memory_space<hbm>>
      tpu.wait_dma2 semaphore(%run_scoped3A : memref<!tpu.dma_semaphore, #tpu.memory_space<semaphore_mem>>) src(%arg42 : memref<32x64xf32, #tpu.memory_space<vmem>>) dst(%dma_wait3A_306 : memref<32x64xf32, #tpu.memory_space<hbm>>)
      tpu.yield
    }) : () -> ()
    %get3A = arith.constant 5 : i32
    %get3A_13 = arith.index_cast %get3A : i32 to index
    %get3A_14 = arith.constant 0 : index
    %get3A_15 = tpu.vector_load %arg40[%get3A_13, %get3A_14] {strides = array<i32>} : memref<6x64xf32, #tpu.memory_space<vmem>>, vector<16xf32>,
    %get3A_16 = arith.constant 5 : i32
    %get3A_17 = arith.index_cast %get3A_16 : i32 to index
    %get3A_18 = arith.constant 16 : index
    %get3A_19 = tpu.vector_load %arg40[%get3A_17, %get3A_18] {strides = array<i32>} : memref<6x64xf32, #tpu.memory_space<vmem>>, vector<16xf32>,
    %get3A_20 = arith.constant 5 : i32
    %get3A_21 = arith.index_cast %get3A_20 : i32 to index
    %get3A_22 = arith.constant 32 : index
    %get3A_23 = tpu.vector_load %arg40[%get3A_21, %get3A_22] {strides = array<i32>} : memref<6x64xf32, #tpu.memory_space<vmem>>, vector<16xf32>,
    %get3A_24 = arith.constant 5 : i32
    %get3A_25 = arith.index_cast %get3A_24 : i32 to index
    %get3A_26 = arith.constant 48 : index
    %get3A_27 = tpu.vector_load %arg40[%get3A_25, %get3A_26] {strides = array<i32>} : memref<6x64xf32, #tpu.memory_space<vmem>>, vector<16xf32>,
    %get3A_28 = arith.constant 5 : i32
    %get3A_29 = arith.index_cast %get3A_28 : i32 to index
    %get3A_30 = arith.constant 0 : index
    %get3A_31 = tpu.vector_load %arg41[%get3A_29, %get3A_30] {strides = array<i32>} : memref<6x64xf32, #tpu.memory_space<vmem>>, vector<16xf32>,
    %get3A_32 = arith.constant 5 : i32
    %get3A_33 = arith.index_cast %get3A_32 : i32 to index
    %get3A_34 = arith.constant 16 : index
    %get3A_35 = tpu.vector_load %arg41[%get3A_33, %get3A_34] {strides = array<i32>} : memref<6x64xf32, #tpu.memory_space<vmem>>, vector<16xf32>,
    %get3A_36 = arith.constant 5 : i32
    %get3A_37 = arith.index_cast %get3A_36 : i32 to index
    %get3A_38 = arith.constant 32 : index
    %get3A_39 = tpu.vector_load %arg41[%get3A_37, %get3A_38] {strides = array<i32>} : memref<6x64xf32, #tpu.memory_space<vmem>>, vector<16xf32>,
    %get3A_40 = arith.constant 5 : i32
    %get3A_41 = arith.index_cast %get3A_40 : i32 to index
    %get3A_42 = arith.constant 48 : index
    %get3A_43 = tpu.vector_load %arg41[%get3A_41, %get3A_42] {strides = array<i32>} : memref<6x64xf32, #tpu.memory_space<vmem>>, vector<16xf32>,
    %scan3A = arith.constant 0 : i32
    %scan3A_44 = arith.constant 0 : i32
    %scan3A_45 = arith.constant 32 : i32
    %scan3A_46 = arith.addi %scan3A_44, %scan3A_45 : i32
    %scan3A_47 = arith.constant 1 : i32
    scf.for %scan3A_299 = %scan3A_44 to %scan3A_46 step %scan3A_47  : i32 {
      %broadcast_in_dim3A = vector.broadcast %scan3A_299 : i32 to vector<16xi32>
      %gather3A = tpu.vector_load_idx %arg39[%broadcast_in_dim3A] : memref<32xf32, #tpu.memory_space<vmem>>[vector<16xi32>], vector<16xf32>,
      %mul3A_300 = arith.mulf %gather3A, %get3A_15 : vector<16xf32>
      %add3A_301 = arith.addf %mul3A_300, %get3A_31 : vector<16xf32>
      %swap3A = arith.index_cast %scan3A_299 : i32 to index
      %swap3A_302 = arith.constant 0 : index
      %swap3A_303 = tpu.vector_load %arg42[%swap3A, %swap3A_302] {strides = array<i32>} : memref<32x64xf32, #tpu.memory_space<vmem>>, vector<16xf32>,
      tpu.vector_store %arg42[%swap3A, %swap3A_302], %add3A_301 {strides = array<i32>} : memref<32x64xf32, #tpu.memory_space<vmem>>, vector<16xf32>,
      %mul3A_304 = arith.mulf %gather3A, %get3A_19 : vector<16xf32>
      %add3A_305 = arith.addf %mul3A_304, %get3A_35 : vector<16xf32>
      %swap3A_306 = arith.index_cast %scan3A_299 : i32 to index
      %swap3A_307 = arith.constant 16 : index
      %swap3A_308 = tpu.vector_load %arg42[%swap3A_306, %swap3A_307] {strides = array<i32>} : memref<32x64xf32, #tpu.memory_space<vmem>>, vector<16xf32>,
      tpu.vector_store %arg42[%swap3A_306, %swap3A_307], %add3A_305 {strides = array<i32>} : memref<32x64xf32, #tpu.memory_space<vmem>>, vector<16xf32>,
      %mul3A_309 = arith.mulf %gather3A, %get3A_23 : vector<16xf32>
      %add3A_310 = arith.addf %mul3A_309, %get3A_39 : vector<16xf32>
      %swap3A_311 = arith.index_cast %scan3A_299 : i32 to index
      %swap3A_312 = arith.constant 32 : index
      %swap3A_313 = tpu.vector_load %arg42[%swap3A_311, %swap3A_312] {strides = array<i32>} : memref<32x64xf32, #tpu.memory_space<vmem>>, vector<16xf32>,
      tpu.vector_store %arg42[%swap3A_311, %swap3A_312], %add3A_310 {strides = array<i32>} : memref<32x64xf32, #tpu.memory_space<vmem>>, vector<16xf32>,
      %mul3A_314 = arith.mulf %gather3A, %get3A_27 : vector<16xf32>
      %add3A_315 = arith.addf %mul3A_314, %get3A_43 : vector<16xf32>
      %swap3A_316 = arith.index_cast %scan3A_299 : i32 to index
      %swap3A_317 = arith.constant 48 : index
      %swap3A_318 = tpu.vector_load %arg42[%swap3A_316, %swap3A_317] {strides = array<i32>} : memref<32x64xf32, #tpu.memory_space<vmem>>, vector<16xf32>,
      tpu.vector_store %arg42[%swap3A_316, %swap3A_317], %add3A_315 {strides = array<i32>} : memref<32x64xf32, #tpu.memory_space<vmem>>, vector<16xf32>,
    }
    %scan3A_48 = arith.constant 32 : i32
    "tpu.region"() ({
      %run_scoped3A = tpu.sem_alloc : memref<!tpu.dma_semaphore, #tpu.memory_space<semaphore_mem>>
      %dma_start3A_299 = arith.constant 128 : i32
      %dma_start3A_300 = tpu.memref_slice %arg18[%mul3A_2, %dma_start3A_299] : memref<1024x192xf32, #tpu.memory_space<hbm>> -> memref<32x64xf32, #tpu.memory_space<hbm>>
      %dma_start3A_301 = arith.constant 128 : i32
      %dma_start3A_302 = tpu.memref_slice %arg18[%mul3A_2, %dma_start3A_301] : memref<1024x192xf32, #tpu.memory_space<hbm>> -> memref<32x64xf32, #tpu.memory_space<hbm>>
      tpu.enqueue_dma source(%arg42 : memref<32x64xf32, #tpu.memory_space<vmem>>) target(%dma_start3A_302 : memref<32x64xf32, #tpu.memory_space<hbm>>) target_semaphore(%run_scoped3A : memref<!tpu.dma_semaphore, #tpu.memory_space<semaphore_mem>>)
      %dma_wait3A_303 = arith.constant 128 : i32
      %dma_wait3A_304 = tpu.memref_slice %arg18[%mul3A_2, %dma_wait3A_303] : memref<1024x192xf32, #tpu.memory_space<hbm>> -> memref<32x64xf32, #tpu.memory_space<hbm>>
      %dma_wait3A_305 = arith.constant 128 : i32
      %dma_wait3A_306 = tpu.memref_slice %arg18[%mul3A_2, %dma_wait3A_305] : memref<1024x192xf32, #tpu.memory_space<hbm>> -> memref<32x64xf32, #tpu.memory_space<hbm>>
      tpu.wait_dma2 semaphore(%run_scoped3A : memref<!tpu.dma_semaphore, #tpu.memory_space<semaphore_mem>>) src(%arg42 : memref<32x64xf32, #tpu.memory_space<vmem>>) dst(%dma_wait3A_306 : memref<32x64xf32, #tpu.memory_space<hbm>>)
      tpu.yield
    }) : () -> ()
    %get3A_49 = arith.constant 0 : i32
    %get3A_50 = arith.index_cast %get3A_49 : i32 to index
    %get3A_51 = arith.constant 0 : index
    %get3A_52 = tpu.vector_load %arg40[%get3A_50, %get3A_51] {strides = array<i32>} : memref<6x64xf32, #tpu.memory_space<vmem>>, vector<16xf32>,
    %get3A_53 = arith.constant 0 : i32
    %get3A_54 = arith.index_cast %get3A_53 : i32 to index
    %get3A_55 = arith.constant 16 : index
    %get3A_56 = tpu.vector_load %arg40[%get3A_54, %get3A_55] {strides = array<i32>} : memref<6x64xf32, #tpu.memory_space<vmem>>, vector<16xf32>,
    %get3A_57 = arith.constant 0 : i32
    %get3A_58 = arith.index_cast %get3A_57 : i32 to index
    %get3A_59 = arith.constant 32 : index
    %get3A_60 = tpu.vector_load %arg40[%get3A_58, %get3A_59] {strides = array<i32>} : memref<6x64xf32, #tpu.memory_space<vmem>>, vector<16xf32>,
    %get3A_61 = arith.constant 0 : i32
    %get3A_62 = arith.index_cast %get3A_61 : i32 to index
    %get3A_63 = arith.constant 48 : index
    %get3A_64 = tpu.vector_load %arg40[%get3A_62, %get3A_63] {strides = array<i32>} : memref<6x64xf32, #tpu.memory_space<vmem>>, vector<16xf32>,
    %get3A_65 = arith.constant 1 : i32
    %get3A_66 = arith.index_cast %get3A_65 : i32 to index
    %get3A_67 = arith.constant 0 : index
    %get3A_68 = tpu.vector_load %arg40[%get3A_66, %get3A_67] {strides = array<i32>} : memref<6x64xf32, #tpu.memory_space<vmem>>, vector<16xf32>,
    %get3A_69 = arith.constant 1 : i32
    %get3A_70 = arith.index_cast %get3A_69 : i32 to index
    %get3A_71 = arith.constant 16 : index
    %get3A_72 = tpu.vector_load %arg40[%get3A_70, %get3A_71] {strides = array<i32>} : memref<6x64xf32, #tpu.memory_space<vmem>>, vector<16xf32>,
    %get3A_73 = arith.constant 1 : i32
    %get3A_74 = arith.index_cast %get3A_73 : i32 to index
    %get3A_75 = arith.constant 32 : index
    %get3A_76 = tpu.vector_load %arg40[%get3A_74, %get3A_75] {strides = array<i32>} : memref<6x64xf32, #tpu.memory_space<vmem>>, vector<16xf32>,
    %get3A_77 = arith.constant 1 : i32
    %get3A_78 = arith.index_cast %get3A_77 : i32 to index
    %get3A_79 = arith.constant 48 : index
    %get3A_80 = tpu.vector_load %arg40[%get3A_78, %get3A_79] {strides = array<i32>} : memref<6x64xf32, #tpu.memory_space<vmem>>, vector<16xf32>,
    %get3A_81 = arith.constant 2 : i32
    %get3A_82 = arith.index_cast %get3A_81 : i32 to index
    %get3A_83 = arith.constant 0 : index
    %get3A_84 = tpu.vector_load %arg40[%get3A_82, %get3A_83] {strides = array<i32>} : memref<6x64xf32, #tpu.memory_space<vmem>>, vector<16xf32>,
    %get3A_85 = arith.constant 2 : i32
    %get3A_86 = arith.index_cast %get3A_85 : i32 to index
    %get3A_87 = arith.constant 16 : index
    %get3A_88 = tpu.vector_load %arg40[%get3A_86, %get3A_87] {strides = array<i32>} : memref<6x64xf32, #tpu.memory_space<vmem>>, vector<16xf32>,
    %get3A_89 = arith.constant 2 : i32
    %get3A_90 = arith.index_cast %get3A_89 : i32 to index
    %get3A_91 = arith.constant 32 : index
    %get3A_92 = tpu.vector_load %arg40[%get3A_90, %get3A_91] {strides = array<i32>} : memref<6x64xf32, #tpu.memory_space<vmem>>, vector<16xf32>,
    %get3A_93 = arith.constant 2 : i32
    %get3A_94 = arith.index_cast %get3A_93 : i32 to index
    %get3A_95 = arith.constant 48 : index
    %get3A_96 = tpu.vector_load %arg40[%get3A_94, %get3A_95] {strides = array<i32>} : memref<6x64xf32, #tpu.memory_space<vmem>>, vector<16xf32>,
    %get3A_97 = arith.constant 3 : i32
    %get3A_98 = arith.index_cast %get3A_97 : i32 to index
    %get3A_99 = arith.constant 0 : index
    %get3A_100 = tpu.vector_load %arg40[%get3A_98, %get3A_99] {strides = array<i32>} : memref<6x64xf32, #tpu.memory_space<vmem>>, vector<16xf32>,
    %get3A_101 = arith.constant 3 : i32
    %get3A_102 = arith.index_cast %get3A_101 : i32 to index
    %get3A_103 = arith.constant 16 : index
    %get3A_104 = tpu.vector_load %arg40[%get3A_102, %get3A_103] {strides = array<i32>} : memref<6x64xf32, #tpu.memory_space<vmem>>, vector<16xf32>,
    %get3A_105 = arith.constant 3 : i32
    %get3A_106 = arith.index_cast %get3A_105 : i32 to index
    %get3A_107 = arith.constant 32 : index
    %get3A_108 = tpu.vector_load %arg40[%get3A_106, %get3A_107] {strides = array<i32>} : memref<6x64xf32, #tpu.memory_space<vmem>>, vector<16xf32>,
    %get3A_109 = arith.constant 3 : i32
    %get3A_110 = arith.index_cast %get3A_109 : i32 to index
    %get3A_111 = arith.constant 48 : index
    %get3A_112 = tpu.vector_load %arg40[%get3A_110, %get3A_111] {strides = array<i32>} : memref<6x64xf32, #tpu.memory_space<vmem>>, vector<16xf32>,
    %get3A_113 = arith.constant 4 : i32
    %get3A_114 = arith.index_cast %get3A_113 : i32 to index
    %get3A_115 = arith.constant 0 : index
    %get3A_116 = tpu.vector_load %arg40[%get3A_114, %get3A_115] {strides = array<i32>} : memref<6x64xf32, #tpu.memory_space<vmem>>, vector<16xf32>,
    %get3A_117 = arith.constant 4 : i32
    %get3A_118 = arith.index_cast %get3A_117 : i32 to index
    %get3A_119 = arith.constant 16 : index
    %get3A_120 = tpu.vector_load %arg40[%get3A_118, %get3A_119] {strides = array<i32>} : memref<6x64xf32, #tpu.memory_space<vmem>>, vector<16xf32>,
    %get3A_121 = arith.constant 4 : i32
    %get3A_122 = arith.index_cast %get3A_121 : i32 to index
    %get3A_123 = arith.constant 32 : index
    %get3A_124 = tpu.vector_load %arg40[%get3A_122, %get3A_123] {strides = array<i32>} : memref<6x64xf32, #tpu.memory_space<vmem>>, vector<16xf32>,
    %get3A_125 = arith.constant 4 : i32
    %get3A_126 = arith.index_cast %get3A_125 : i32 to index
    %get3A_127 = arith.constant 48 : index
    %get3A_128 = tpu.vector_load %arg40[%get3A_126, %get3A_127] {strides = array<i32>} : memref<6x64xf32, #tpu.memory_space<vmem>>, vector<16xf32>,
    %get3A_129 = arith.constant 0 : i32
    %get3A_130 = arith.index_cast %get3A_129 : i32 to index
    %get3A_131 = arith.constant 0 : index
    %get3A_132 = tpu.vector_load %arg41[%get3A_130, %get3A_131] {strides = array<i32>} : memref<6x64xf32, #tpu.memory_space<vmem>>, vector<16xf32>,
    %get3A_133 = arith.constant 0 : i32
    %get3A_134 = arith.index_cast %get3A_133 : i32 to index
    %get3A_135 = arith.constant 16 : index
    %get3A_136 = tpu.vector_load %arg41[%get3A_134, %get3A_135] {strides = array<i32>} : memref<6x64xf32, #tpu.memory_space<vmem>>, vector<16xf32>,
    %get3A_137 = arith.constant 0 : i32
    %get3A_138 = arith.index_cast %get3A_137 : i32 to index
    %get3A_139 = arith.constant 32 : index
    %get3A_140 = tpu.vector_load %arg41[%get3A_138, %get3A_139] {strides = array<i32>} : memref<6x64xf32, #tpu.memory_space<vmem>>, vector<16xf32>,
    %get3A_141 = arith.constant 0 : i32
    %get3A_142 = arith.index_cast %get3A_141 : i32 to index
    %get3A_143 = arith.constant 48 : index
    %get3A_144 = tpu.vector_load %arg41[%get3A_142, %get3A_143] {strides = array<i32>} : memref<6x64xf32, #tpu.memory_space<vmem>>, vector<16xf32>,
    %get3A_145 = arith.constant 1 : i32
    %get3A_146 = arith.index_cast %get3A_145 : i32 to index
    %get3A_147 = arith.constant 0 : index
    %get3A_148 = tpu.vector_load %arg41[%get3A_146, %get3A_147] {strides = array<i32>} : memref<6x64xf32, #tpu.memory_space<vmem>>, vector<16xf32>,
    %get3A_149 = arith.constant 1 : i32
    %get3A_150 = arith.index_cast %get3A_149 : i32 to index
    %get3A_151 = arith.constant 16 : index
    %get3A_152 = tpu.vector_load %arg41[%get3A_150, %get3A_151] {strides = array<i32>} : memref<6x64xf32, #tpu.memory_space<vmem>>, vector<16xf32>,
    %get3A_153 = arith.constant 1 : i32
    %get3A_154 = arith.index_cast %get3A_153 : i32 to index
    %get3A_155 = arith.constant 32 : index
    %get3A_156 = tpu.vector_load %arg41[%get3A_154, %get3A_155] {strides = array<i32>} : memref<6x64xf32, #tpu.memory_space<vmem>>, vector<16xf32>,
    %get3A_157 = arith.constant 1 : i32
    %get3A_158 = arith.index_cast %get3A_157 : i32 to index
    %get3A_159 = arith.constant 48 : index
    %get3A_160 = tpu.vector_load %arg41[%get3A_158, %get3A_159] {strides = array<i32>} : memref<6x64xf32, #tpu.memory_space<vmem>>, vector<16xf32>,
    %get3A_161 = arith.constant 2 : i32
    %get3A_162 = arith.index_cast %get3A_161 : i32 to index
    %get3A_163 = arith.constant 0 : index
    %get3A_164 = tpu.vector_load %arg41[%get3A_162, %get3A_163] {strides = array<i32>} : memref<6x64xf32, #tpu.memory_space<vmem>>, vector<16xf32>,
    %get3A_165 = arith.constant 2 : i32
    %get3A_166 = arith.index_cast %get3A_165 : i32 to index
    %get3A_167 = arith.constant 16 : index
    %get3A_168 = tpu.vector_load %arg41[%get3A_166, %get3A_167] {strides = array<i32>} : memref<6x64xf32, #tpu.memory_space<vmem>>, vector<16xf32>,
    %get3A_169 = arith.constant 2 : i32
    %get3A_170 = arith.index_cast %get3A_169 : i32 to index
    %get3A_171 = arith.constant 32 : index
    %get3A_172 = tpu.vector_load %arg41[%get3A_170, %get3A_171] {strides = array<i32>} : memref<6x64xf32, #tpu.memory_space<vmem>>, vector<16xf32>,
    %get3A_173 = arith.constant 2 : i32
    %get3A_174 = arith.index_cast %get3A_173 : i32 to index
    %get3A_175 = arith.constant 48 : index
    %get3A_176 = tpu.vector_load %arg41[%get3A_174, %get3A_175] {strides = array<i32>} : memref<6x64xf32, #tpu.memory_space<vmem>>, vector<16xf32>,
    %get3A_177 = arith.constant 3 : i32
    %get3A_178 = arith.index_cast %get3A_177 : i32 to index
    %get3A_179 = arith.constant 0 : index
    %get3A_180 = tpu.vector_load %arg41[%get3A_178, %get3A_179] {strides = array<i32>} : memref<6x64xf32, #tpu.memory_space<vmem>>, vector<16xf32>,
    %get3A_181 = arith.constant 3 : i32
    %get3A_182 = arith.index_cast %get3A_181 : i32 to index
    %get3A_183 = arith.constant 16 : index
    %get3A_184 = tpu.vector_load %arg41[%get3A_182, %get3A_183] {strides = array<i32>} : memref<6x64xf32, #tpu.memory_space<vmem>>, vector<16xf32>,
    %get3A_185 = arith.constant 3 : i32
    %get3A_186 = arith.index_cast %get3A_185 : i32 to index
    %get3A_187 = arith.constant 32 : index
    %get3A_188 = tpu.vector_load %arg41[%get3A_186, %get3A_187] {strides = array<i32>} : memref<6x64xf32, #tpu.memory_space<vmem>>, vector<16xf32>,
    %get3A_189 = arith.constant 3 : i32
    %get3A_190 = arith.index_cast %get3A_189 : i32 to index
    %get3A_191 = arith.constant 48 : index
    %get3A_192 = tpu.vector_load %arg41[%get3A_190, %get3A_191] {strides = array<i32>} : memref<6x64xf32, #tpu.memory_space<vmem>>, vector<16xf32>,
    %get3A_193 = arith.constant 4 : i32
    %get3A_194 = arith.index_cast %get3A_193 : i32 to index
    %get3A_195 = arith.constant 0 : index
    %get3A_196 = tpu.vector_load %arg41[%get3A_194, %get3A_195] {strides = array<i32>} : memref<6x64xf32, #tpu.memory_space<vmem>>, vector<16xf32>,
    %get3A_197 = arith.constant 4 : i32
    %get3A_198 = arith.index_cast %get3A_197 : i32 to index
    %get3A_199 = arith.constant 16 : index
    %get3A_200 = tpu.vector_load %arg41[%get3A_198, %get3A_199] {strides = array<i32>} : memref<6x64xf32, #tpu.memory_space<vmem>>, vector<16xf32>,
    %get3A_201 = arith.constant 4 : i32
    %get3A_202 = arith.index_cast %get3A_201 : i32 to index
    %get3A_203 = arith.constant 32 : index
    %get3A_204 = tpu.vector_load %arg41[%get3A_202, %get3A_203] {strides = array<i32>} : memref<6x64xf32, #tpu.memory_space<vmem>>, vector<16xf32>,
    %get3A_205 = arith.constant 4 : i32
    %get3A_206 = arith.index_cast %get3A_205 : i32 to index
    %get3A_207 = arith.constant 48 : index
    %get3A_208 = tpu.vector_load %arg41[%get3A_206, %get3A_207] {strides = array<i32>} : memref<6x64xf32, #tpu.memory_space<vmem>>, vector<16xf32>,
    %scan3A_209 = arith.constant 0 : i32
    %scan3A_210 = arith.constant 0 : i32
    %scan3A_211 = arith.constant 50 : i32
    %scan3A_212 = arith.addi %scan3A_210, %scan3A_211 : i32
    %scan3A_213 = arith.constant 1 : i32
    scf.for %scan3A_299 = %scan3A_210 to %scan3A_212 step %scan3A_213  : i32 {
      %mul3A_300 = arith.constant 100 : i32
      %mul3A_301 = arith.muli %add3A, %mul3A_300 : i32
      %mul3A_302 = arith.constant 2 : i32
      %mul3A_303 = arith.muli %scan3A_299, %mul3A_302 : i32
      %add3A_304 = arith.addi %mul3A_301, %mul3A_303 : i32
      %add3A_305 = arith.constant 0 : i32
      %add3A_306 = arith.addi %add3A_304, %add3A_305 : i32
      %mul3A_307 = arith.constant 64 : i32
      %mul3A_308 = arith.muli %add3A_306, %mul3A_307 : i32
      %gt3A = arith.constant 0 : i32
      %gt3A_309 = arith.cmpi sgt, %scan3A_299, %gt3A : i32
      %convert_element_type3A = arith.extui %gt3A_309 : i1 to i32
      %cond3A = arith.constant 0 : i32
      %cond3A_310 = arith.cmpi ne, %convert_element_type3A, %cond3A : i32
      scf.if %cond3A_310 {
        %dma_wait3A_561 = arith.constant 0 : i32
        %dma_wait3A_562 = arith.constant 0 : i32
        %dma_wait3A_563 = tpu.memref_slice %arg17[%dma_wait3A_561, %dma_wait3A_562] : memref<204800x704xf32, #tpu.memory_space<hbm>> -> memref<64x64xf32, #tpu.memory_space<hbm>>
        %dma_wait3A_564 = arith.constant 0 : i32
        %dma_wait3A_565 = arith.constant 0 : i32
        %dma_wait3A_566 = tpu.memref_slice %arg17[%dma_wait3A_564, %dma_wait3A_565] : memref<204800x704xf32, #tpu.memory_space<hbm>> -> memref<64x64xf32, #tpu.memory_space<hbm>>
        tpu.wait_dma2 semaphore(%arg44 : memref<!tpu.dma_semaphore, #tpu.memory_space<semaphore_mem>>) src(%arg23 : memref<64x64xf32, #tpu.memory_space<vmem>>) dst(%dma_wait3A_566 : memref<64x64xf32, #tpu.memory_space<hbm>>)
        %dma_wait3A_567 = arith.constant 0 : i32
        %dma_wait3A_568 = arith.constant 64 : i32
        %dma_wait3A_569 = tpu.memref_slice %arg17[%dma_wait3A_567, %dma_wait3A_568] : memref<204800x704xf32, #tpu.memory_space<hbm>> -> memref<64x64xf32, #tpu.memory_space<hbm>>
        %dma_wait3A_570 = arith.constant 0 : i32
        %dma_wait3A_571 = arith.constant 64 : i32
        %dma_wait3A_572 = tpu.memref_slice %arg17[%dma_wait3A_570, %dma_wait3A_571] : memref<204800x704xf32, #tpu.memory_space<hbm>> -> memref<64x64xf32, #tpu.memory_space<hbm>>
        tpu.wait_dma2 semaphore(%arg44 : memref<!tpu.dma_semaphore, #tpu.memory_space<semaphore_mem>>) src(%arg24 : memref<64x64xf32, #tpu.memory_space<vmem>>) dst(%dma_wait3A_572 : memref<64x64xf32, #tpu.memory_space<hbm>>)
        %dma_wait3A_573 = arith.constant 0 : i32
        %dma_wait3A_574 = arith.constant 128 : i32
        %dma_wait3A_575 = tpu.memref_slice %arg17[%dma_wait3A_573, %dma_wait3A_574] : memref<204800x704xf32, #tpu.memory_space<hbm>> -> memref<64x64xf32, #tpu.memory_space<hbm>>
        %dma_wait3A_576 = arith.constant 0 : i32
        %dma_wait3A_577 = arith.constant 128 : i32
        %dma_wait3A_578 = tpu.memref_slice %arg17[%dma_wait3A_576, %dma_wait3A_577] : memref<204800x704xf32, #tpu.memory_space<hbm>> -> memref<64x64xf32, #tpu.memory_space<hbm>>
        tpu.wait_dma2 semaphore(%arg44 : memref<!tpu.dma_semaphore, #tpu.memory_space<semaphore_mem>>) src(%arg25 : memref<64x64xf32, #tpu.memory_space<vmem>>) dst(%dma_wait3A_578 : memref<64x64xf32, #tpu.memory_space<hbm>>)
        %dma_wait3A_579 = arith.constant 0 : i32
        %dma_wait3A_580 = arith.constant 192 : i32
        %dma_wait3A_581 = tpu.memref_slice %arg17[%dma_wait3A_579, %dma_wait3A_580] : memref<204800x704xf32, #tpu.memory_space<hbm>> -> memref<64x64xf32, #tpu.memory_space<hbm>>
        %dma_wait3A_582 = arith.constant 0 : i32
        %dma_wait3A_583 = arith.constant 192 : i32
        %dma_wait3A_584 = tpu.memref_slice %arg17[%dma_wait3A_582, %dma_wait3A_583] : memref<204800x704xf32, #tpu.memory_space<hbm>> -> memref<64x64xf32, #tpu.memory_space<hbm>>
        tpu.wait_dma2 semaphore(%arg44 : memref<!tpu.dma_semaphore, #tpu.memory_space<semaphore_mem>>) src(%arg26 : memref<64x64xf32, #tpu.memory_space<vmem>>) dst(%dma_wait3A_584 : memref<64x64xf32, #tpu.memory_space<hbm>>)
        %dma_wait3A_585 = arith.constant 0 : i32
        %dma_wait3A_586 = arith.constant 256 : i32
        %dma_wait3A_587 = tpu.memref_slice %arg17[%dma_wait3A_585, %dma_wait3A_586] : memref<204800x704xf32, #tpu.memory_space<hbm>> -> memref<64x64xf32, #tpu.memory_space<hbm>>
        %dma_wait3A_588 = arith.constant 0 : i32
        %dma_wait3A_589 = arith.constant 256 : i32
        %dma_wait3A_590 = tpu.memref_slice %arg17[%dma_wait3A_588, %dma_wait3A_589] : memref<204800x704xf32, #tpu.memory_space<hbm>> -> memref<64x64xf32, #tpu.memory_space<hbm>>
        tpu.wait_dma2 semaphore(%arg44 : memref<!tpu.dma_semaphore, #tpu.memory_space<semaphore_mem>>) src(%arg27 : memref<64x64xf32, #tpu.memory_space<vmem>>) dst(%dma_wait3A_590 : memref<64x64xf32, #tpu.memory_space<hbm>>)
        %dma_wait3A_591 = arith.constant 0 : i32
        %dma_wait3A_592 = arith.constant 320 : i32
        %dma_wait3A_593 = tpu.memref_slice %arg17[%dma_wait3A_591, %dma_wait3A_592] : memref<204800x704xf32, #tpu.memory_space<hbm>> -> memref<64x64xf32, #tpu.memory_space<hbm>>
        %dma_wait3A_594 = arith.constant 0 : i32
        %dma_wait3A_595 = arith.constant 320 : i32
        %dma_wait3A_596 = tpu.memref_slice %arg17[%dma_wait3A_594, %dma_wait3A_595] : memref<204800x704xf32, #tpu.memory_space<hbm>> -> memref<64x64xf32, #tpu.memory_space<hbm>>
        tpu.wait_dma2 semaphore(%arg44 : memref<!tpu.dma_semaphore, #tpu.memory_space<semaphore_mem>>) src(%arg28 : memref<64x64xf32, #tpu.memory_space<vmem>>) dst(%dma_wait3A_596 : memref<64x64xf32, #tpu.memory_space<hbm>>)
        %dma_wait3A_597 = arith.constant 0 : i32
        %dma_wait3A_598 = arith.constant 384 : i32
        %dma_wait3A_599 = tpu.memref_slice %arg17[%dma_wait3A_597, %dma_wait3A_598] : memref<204800x704xf32, #tpu.memory_space<hbm>> -> memref<64x320xf32, #tpu.memory_space<hbm>>
        %dma_wait3A_600 = arith.constant 0 : i32
        %dma_wait3A_601 = arith.constant 384 : i32
        %dma_wait3A_602 = tpu.memref_slice %arg17[%dma_wait3A_600, %dma_wait3A_601] : memref<204800x704xf32, #tpu.memory_space<hbm>> -> memref<64x320xf32, #tpu.memory_space<hbm>>
        tpu.wait_dma2 semaphore(%arg44 : memref<!tpu.dma_semaphore, #tpu.memory_space<semaphore_mem>>) src(%arg35 : memref<64x320xf32, #tpu.memory_space<vmem>>) dst(%dma_wait3A_602 : memref<64x320xf32, #tpu.memory_space<hbm>>)
      } else {
      }
      "tpu.region"() ({
        %run_scoped3A = tpu.sem_alloc : memref<!tpu.dma_semaphore, #tpu.memory_space<semaphore_mem>>
        %dma_start3A_561 = arith.constant 0 : i32
        %dma_start3A_562 = tpu.memref_slice %arg8[%dma_start3A_561, %mul3A_308] : memref<6x204800xi32, #tpu.memory_space<hbm>> -> memref<6x64xi32, #tpu.memory_space<hbm>>
        %dma_start3A_563 = arith.constant 0 : i32
        %dma_start3A_564 = tpu.memref_slice %arg8[%dma_start3A_563, %mul3A_308] : memref<6x204800xi32, #tpu.memory_space<hbm>> -> memref<6x64xi32, #tpu.memory_space<hbm>>
        tpu.enqueue_dma source(%dma_start3A_564 : memref<6x64xi32, #tpu.memory_space<hbm>>) target(%arg19 : memref<6x64xi32, #tpu.memory_space<vmem>>) target_semaphore(%run_scoped3A : memref<!tpu.dma_semaphore, #tpu.memory_space<semaphore_mem>>)
        %dma_wait3A_565 = arith.constant 0 : i32
        %dma_wait3A_566 = tpu.memref_slice %arg8[%dma_wait3A_565, %mul3A_308] : memref<6x204800xi32, #tpu.memory_space<hbm>> -> memref<6x64xi32, #tpu.memory_space<hbm>>
        %dma_wait3A_567 = arith.constant 0 : i32
        %dma_wait3A_568 = tpu.memref_slice %arg8[%dma_wait3A_567, %mul3A_308] : memref<6x204800xi32, #tpu.memory_space<hbm>> -> memref<6x64xi32, #tpu.memory_space<hbm>>
        tpu.wait_dma2 semaphore(%run_scoped3A : memref<!tpu.dma_semaphore, #tpu.memory_space<semaphore_mem>>) src(%dma_wait3A_568 : memref<6x64xi32, #tpu.memory_space<hbm>>) dst(%arg19 : memref<6x64xi32, #tpu.memory_space<vmem>>)
        tpu.yield
      }) : () -> ()
      "tpu.region"() ({
        %run_scoped3A = tpu.sem_alloc : memref<!tpu.dma_semaphore, #tpu.memory_space<semaphore_mem>>
        %dma_start3A_561 = arith.constant 0 : i32
        %dma_start3A_562 = tpu.memref_slice %arg9[%dma_start3A_561, %mul3A_308] : memref<5x204800xf32, #tpu.memory_space<hbm>> -> memref<5x64xf32, #tpu.memory_space<hbm>>
        %dma_start3A_563 = arith.constant 0 : i32
        %dma_start3A_564 = tpu.memref_slice %arg9[%dma_start3A_563, %mul3A_308] : memref<5x204800xf32, #tpu.memory_space<hbm>> -> memref<5x64xf32, #tpu.memory_space<hbm>>
        tpu.enqueue_dma source(%dma_start3A_564 : memref<5x64xf32, #tpu.memory_space<hbm>>) target(%arg21 : memref<5x64xf32, #tpu.memory_space<vmem>>) target_semaphore(%run_scoped3A : memref<!tpu.dma_semaphore, #tpu.memory_space<semaphore_mem>>)
        %dma_wait3A_565 = arith.constant 0 : i32
        %dma_wait3A_566 = tpu.memref_slice %arg9[%dma_wait3A_565, %mul3A_308] : memref<5x204800xf32, #tpu.memory_space<hbm>> -> memref<5x64xf32, #tpu.memory_space<hbm>>
        %dma_wait3A_567 = arith.constant 0 : i32
        %dma_wait3A_568 = tpu.memref_slice %arg9[%dma_wait3A_567, %mul3A_308] : memref<5x204800xf32, #tpu.memory_space<hbm>> -> memref<5x64xf32, #tpu.memory_space<hbm>>
        tpu.wait_dma2 semaphore(%run_scoped3A : memref<!tpu.dma_semaphore, #tpu.memory_space<semaphore_mem>>) src(%dma_wait3A_568 : memref<5x64xf32, #tpu.memory_space<hbm>>) dst(%arg21 : memref<5x64xf32, #tpu.memory_space<vmem>>)
        tpu.yield
      }) : () -> ()
      %dma_start3A_311 = arith.constant 0 : i32
      %dma_start3A_312 = arith.constant 0 : i32
      %dma_start3A_313 = tpu.memref_slice %arg19[%dma_start3A_311, %dma_start3A_312] : memref<6x64xi32, #tpu.memory_space<vmem>> -> memref<1x64xi32, #tpu.memory_space<vmem>>
      %dma_start3A_314 = tpu.memref_squeeze %dma_start3A_313 : memref<1x64xi32, #tpu.memory_space<vmem>> -> memref<64xi32, #tpu.memory_space<vmem>>
      %dma_start3A_315 = arith.constant 0 : i32
      %dma_start3A_316 = arith.constant 0 : i32
      %dma_start3A_317 = tpu.memref_slice %arg2[%dma_start3A_315, %dma_start3A_316] : memref<100001x64xf32, #tpu.memory_space<hbm>> -> memref<100001x64xf32, #tpu.memory_space<hbm>>
      tpu.enqueue_indirect_dma source(%dma_start3A_317 : memref<100001x64xf32, #tpu.memory_space<hbm>>) target(%arg23 : memref<64x64xf32, #tpu.memory_space<vmem>>) offsets(%dma_start3A_314 : memref<64xi32, #tpu.memory_space<vmem>>) semaphore(%arg43 : memref<!tpu.dma_semaphore, #tpu.memory_space<semaphore_mem>>)
      %dma_start3A_318 = arith.constant 1 : i32
      %dma_start3A_319 = arith.constant 0 : i32
      %dma_start3A_320 = tpu.memref_slice %arg19[%dma_start3A_318, %dma_start3A_319] : memref<6x64xi32, #tpu.memory_space<vmem>> -> memref<1x64xi32, #tpu.memory_space<vmem>>
      %dma_start3A_321 = tpu.memref_squeeze %dma_start3A_320 : memref<1x64xi32, #tpu.memory_space<vmem>> -> memref<64xi32, #tpu.memory_space<vmem>>
      %dma_start3A_322 = arith.constant 0 : i32
      %dma_start3A_323 = arith.constant 0 : i32
      %dma_start3A_324 = tpu.memref_slice %arg3[%dma_start3A_322, %dma_start3A_323] : memref<100001x64xf32, #tpu.memory_space<hbm>> -> memref<100001x64xf32, #tpu.memory_space<hbm>>
      tpu.enqueue_indirect_dma source(%dma_start3A_324 : memref<100001x64xf32, #tpu.memory_space<hbm>>) target(%arg24 : memref<64x64xf32, #tpu.memory_space<vmem>>) offsets(%dma_start3A_321 : memref<64xi32, #tpu.memory_space<vmem>>) semaphore(%arg43 : memref<!tpu.dma_semaphore, #tpu.memory_space<semaphore_mem>>)
      %dma_start3A_325 = arith.constant 2 : i32
      %dma_start3A_326 = arith.constant 0 : i32
      %dma_start3A_327 = tpu.memref_slice %arg19[%dma_start3A_325, %dma_start3A_326] : memref<6x64xi32, #tpu.memory_space<vmem>> -> memref<1x64xi32, #tpu.memory_space<vmem>>
      %dma_start3A_328 = tpu.memref_squeeze %dma_start3A_327 : memref<1x64xi32, #tpu.memory_space<vmem>> -> memref<64xi32, #tpu.memory_space<vmem>>
      %dma_start3A_329 = arith.constant 0 : i32
      %dma_start3A_330 = arith.constant 0 : i32
      %dma_start3A_331 = tpu.memref_slice %arg4[%dma_start3A_329, %dma_start3A_330] : memref<100001x64xf32, #tpu.memory_space<hbm>> -> memref<100001x64xf32, #tpu.memory_space<hbm>>
      tpu.enqueue_indirect_dma source(%dma_start3A_331 : memref<100001x64xf32, #tpu.memory_space<hbm>>) target(%arg25 : memref<64x64xf32, #tpu.memory_space<vmem>>) offsets(%dma_start3A_328 : memref<64xi32, #tpu.memory_space<vmem>>) semaphore(%arg43 : memref<!tpu.dma_semaphore, #tpu.memory_space<semaphore_mem>>)
      %dma_start3A_332 = arith.constant 3 : i32
      %dma_start3A_333 = arith.constant 0 : i32
      %dma_start3A_334 = tpu.memref_slice %arg19[%dma_start3A_332, %dma_start3A_333] : memref<6x64xi32, #tpu.memory_space<vmem>> -> memref<1x64xi32, #tpu.memory_space<vmem>>
      %dma_start3A_335 = tpu.memref_squeeze %dma_start3A_334 : memref<1x64xi32, #tpu.memory_space<vmem>> -> memref<64xi32, #tpu.memory_space<vmem>>
      %dma_start3A_336 = arith.constant 0 : i32
      %dma_start3A_337 = arith.constant 0 : i32
      %dma_start3A_338 = tpu.memref_slice %arg5[%dma_start3A_336, %dma_start3A_337] : memref<100001x64xf32, #tpu.memory_space<hbm>> -> memref<100001x64xf32, #tpu.memory_space<hbm>>
      tpu.enqueue_indirect_dma source(%dma_start3A_338 : memref<100001x64xf32, #tpu.memory_space<hbm>>) target(%arg26 : memref<64x64xf32, #tpu.memory_space<vmem>>) offsets(%dma_start3A_335 : memref<64xi32, #tpu.memory_space<vmem>>) semaphore(%arg43 : memref<!tpu.dma_semaphore, #tpu.memory_space<semaphore_mem>>)
      %dma_start3A_339 = arith.constant 4 : i32
      %dma_start3A_340 = arith.constant 0 : i32
      %dma_start3A_341 = tpu.memref_slice %arg19[%dma_start3A_339, %dma_start3A_340] : memref<6x64xi32, #tpu.memory_space<vmem>> -> memref<1x64xi32, #tpu.memory_space<vmem>>
      %dma_start3A_342 = tpu.memref_squeeze %dma_start3A_341 : memref<1x64xi32, #tpu.memory_space<vmem>> -> memref<64xi32, #tpu.memory_space<vmem>>
      %dma_start3A_343 = arith.constant 0 : i32
      %dma_start3A_344 = arith.constant 0 : i32
      %dma_start3A_345 = tpu.memref_slice %arg6[%dma_start3A_343, %dma_start3A_344] : memref<100001x64xf32, #tpu.memory_space<hbm>> -> memref<100001x64xf32, #tpu.memory_space<hbm>>
      tpu.enqueue_indirect_dma source(%dma_start3A_345 : memref<100001x64xf32, #tpu.memory_space<hbm>>) target(%arg27 : memref<64x64xf32, #tpu.memory_space<vmem>>) offsets(%dma_start3A_342 : memref<64xi32, #tpu.memory_space<vmem>>) semaphore(%arg43 : memref<!tpu.dma_semaphore, #tpu.memory_space<semaphore_mem>>)
      %dma_start3A_346 = arith.constant 5 : i32
      %dma_start3A_347 = arith.constant 0 : i32
      %dma_start3A_348 = tpu.memref_slice %arg19[%dma_start3A_346, %dma_start3A_347] : memref<6x64xi32, #tpu.memory_space<vmem>> -> memref<1x64xi32, #tpu.memory_space<vmem>>
      %dma_start3A_349 = tpu.memref_squeeze %dma_start3A_348 : memref<1x64xi32, #tpu.memory_space<vmem>> -> memref<64xi32, #tpu.memory_space<vmem>>
      %dma_start3A_350 = arith.constant 0 : i32
      %dma_start3A_351 = arith.constant 0 : i32
      %dma_start3A_352 = tpu.memref_slice %arg7[%dma_start3A_350, %dma_start3A_351] : memref<100001x64xf32, #tpu.memory_space<hbm>> -> memref<100001x64xf32, #tpu.memory_space<hbm>>
      tpu.enqueue_indirect_dma source(%dma_start3A_352 : memref<100001x64xf32, #tpu.memory_space<hbm>>) target(%arg28 : memref<64x64xf32, #tpu.memory_space<vmem>>) offsets(%dma_start3A_349 : memref<64xi32, #tpu.memory_space<vmem>>) semaphore(%arg43 : memref<!tpu.dma_semaphore, #tpu.memory_space<semaphore_mem>>)
      %scan3A_353 = arith.constant 0 : i32
      %scan3A_354 = arith.constant 0 : i32
      %scan3A_355 = arith.constant 64 : i32
      %scan3A_356 = arith.addi %scan3A_354, %scan3A_355 : i32
      %scan3A_357 = arith.constant 1 : i32
      scf.for %scan3A_561 = %scan3A_354 to %scan3A_356 step %scan3A_357  : i32 {
        %broadcast_in_dim3A = vector.broadcast %scan3A_561 : i32 to vector<16xi32>
        %gather3A = arith.constant 0 : i32
        %gather3A_562 = arith.constant 0 : i32
        %gather3A_563 = tpu.memref_slice %arg21[%gather3A, %gather3A_562] : memref<5x64xf32, #tpu.memory_space<vmem>> -> memref<1x64xf32, #tpu.memory_space<vmem>>
        %gather3A_564 = tpu.memref_squeeze %gather3A_563 : memref<1x64xf32, #tpu.memory_space<vmem>> -> memref<64xf32, #tpu.memory_space<vmem>>
        %gather3A_565 = tpu.vector_load_idx %gather3A_564[%broadcast_in_dim3A] : memref<64xf32, #tpu.memory_space<vmem>>[vector<16xi32>], vector<16xf32>,
        %mul3A_566 = arith.mulf %gather3A_565, %get3A_52 : vector<16xf32>
        %add3A_567 = arith.addf %mul3A_566, %get3A_132 : vector<16xf32>
        %swap3A = arith.index_cast %scan3A_561 : i32 to index
        %swap3A_568 = arith.constant 0 : index
        %swap3A_569 = tpu.vector_load %arg35[%swap3A, %swap3A_568] {strides = array<i32>} : memref<64x320xf32, #tpu.memory_space<vmem>>, vector<16xf32>,
        tpu.vector_store %arg35[%swap3A, %swap3A_568], %add3A_567 {strides = array<i32>} : memref<64x320xf32, #tpu.memory_space<vmem>>, vector<16xf32>,
        %mul3A_570 = arith.mulf %gather3A_565, %get3A_56 : vector<16xf32>
        %add3A_571 = arith.addf %mul3A_570, %get3A_136 : vector<16xf32>
        %swap3A_572 = arith.index_cast %scan3A_561 : i32 to index
        %swap3A_573 = arith.constant 16 : index
        %swap3A_574 = tpu.vector_load %arg35[%swap3A_572, %swap3A_573] {strides = array<i32>} : memref<64x320xf32, #tpu.memory_space<vmem>>, vector<16xf32>,
        tpu.vector_store %arg35[%swap3A_572, %swap3A_573], %add3A_571 {strides = array<i32>} : memref<64x320xf32, #tpu.memory_space<vmem>>, vector<16xf32>,
        %mul3A_575 = arith.mulf %gather3A_565, %get3A_60 : vector<16xf32>
        %add3A_576 = arith.addf %mul3A_575, %get3A_140 : vector<16xf32>
        %swap3A_577 = arith.index_cast %scan3A_561 : i32 to index
        %swap3A_578 = arith.constant 32 : index
        %swap3A_579 = tpu.vector_load %arg35[%swap3A_577, %swap3A_578] {strides = array<i32>} : memref<64x320xf32, #tpu.memory_space<vmem>>, vector<16xf32>,
        tpu.vector_store %arg35[%swap3A_577, %swap3A_578], %add3A_576 {strides = array<i32>} : memref<64x320xf32, #tpu.memory_space<vmem>>, vector<16xf32>,
        %mul3A_580 = arith.mulf %gather3A_565, %get3A_64 : vector<16xf32>
        %add3A_581 = arith.addf %mul3A_580, %get3A_144 : vector<16xf32>
        %swap3A_582 = arith.index_cast %scan3A_561 : i32 to index
        %swap3A_583 = arith.constant 48 : index
        %swap3A_584 = tpu.vector_load %arg35[%swap3A_582, %swap3A_583] {strides = array<i32>} : memref<64x320xf32, #tpu.memory_space<vmem>>, vector<16xf32>,
        tpu.vector_store %arg35[%swap3A_582, %swap3A_583], %add3A_581 {strides = array<i32>} : memref<64x320xf32, #tpu.memory_space<vmem>>, vector<16xf32>,
        %broadcast_in_dim3A_585 = vector.broadcast %scan3A_561 : i32 to vector<16xi32>
        %gather3A_586 = arith.constant 1 : i32
        %gather3A_587 = arith.constant 0 : i32
        %gather3A_588 = tpu.memref_slice %arg21[%gather3A_586, %gather3A_587] : memref<5x64xf32, #tpu.memory_space<vmem>> -> memref<1x64xf32, #tpu.memory_space<vmem>>
        %gather3A_589 = tpu.memref_squeeze %gather3A_588 : memref<1x64xf32, #tpu.memory_space<vmem>> -> memref<64xf32, #tpu.memory_space<vmem>>
        %gather3A_590 = tpu.vector_load_idx %gather3A_589[%broadcast_in_dim3A_585] : memref<64xf32, #tpu.memory_space<vmem>>[vector<16xi32>], vector<16xf32>,
        %mul3A_591 = arith.mulf %gather3A_590, %get3A_68 : vector<16xf32>
        %add3A_592 = arith.addf %mul3A_591, %get3A_148 : vector<16xf32>
        %swap3A_593 = arith.index_cast %scan3A_561 : i32 to index
        %swap3A_594 = arith.constant 64 : index
        %swap3A_595 = tpu.vector_load %arg35[%swap3A_593, %swap3A_594] {strides = array<i32>} : memref<64x320xf32, #tpu.memory_space<vmem>>, vector<16xf32>,
        tpu.vector_store %arg35[%swap3A_593, %swap3A_594], %add3A_592 {strides = array<i32>} : memref<64x320xf32, #tpu.memory_space<vmem>>, vector<16xf32>,
        %mul3A_596 = arith.mulf %gather3A_590, %get3A_72 : vector<16xf32>
        %add3A_597 = arith.addf %mul3A_596, %get3A_152 : vector<16xf32>
        %swap3A_598 = arith.index_cast %scan3A_561 : i32 to index
        %swap3A_599 = arith.constant 80 : index
        %swap3A_600 = tpu.vector_load %arg35[%swap3A_598, %swap3A_599] {strides = array<i32>} : memref<64x320xf32, #tpu.memory_space<vmem>>, vector<16xf32>,
        tpu.vector_store %arg35[%swap3A_598, %swap3A_599], %add3A_597 {strides = array<i32>} : memref<64x320xf32, #tpu.memory_space<vmem>>, vector<16xf32>,
        %mul3A_601 = arith.mulf %gather3A_590, %get3A_76 : vector<16xf32>
        %add3A_602 = arith.addf %mul3A_601, %get3A_156 : vector<16xf32>
        %swap3A_603 = arith.index_cast %scan3A_561 : i32 to index
        %swap3A_604 = arith.constant 96 : index
        %swap3A_605 = tpu.vector_load %arg35[%swap3A_603, %swap3A_604] {strides = array<i32>} : memref<64x320xf32, #tpu.memory_space<vmem>>, vector<16xf32>,
        tpu.vector_store %arg35[%swap3A_603, %swap3A_604], %add3A_602 {strides = array<i32>} : memref<64x320xf32, #tpu.memory_space<vmem>>, vector<16xf32>,
        %mul3A_606 = arith.mulf %gather3A_590, %get3A_80 : vector<16xf32>
        %add3A_607 = arith.addf %mul3A_606, %get3A_160 : vector<16xf32>
        %swap3A_608 = arith.index_cast %scan3A_561 : i32 to index
        %swap3A_609 = arith.constant 112 : index
        %swap3A_610 = tpu.vector_load %arg35[%swap3A_608, %swap3A_609] {strides = array<i32>} : memref<64x320xf32, #tpu.memory_space<vmem>>, vector<16xf32>,
        tpu.vector_store %arg35[%swap3A_608, %swap3A_609], %add3A_607 {strides = array<i32>} : memref<64x320xf32, #tpu.memory_space<vmem>>, vector<16xf32>,
        %broadcast_in_dim3A_611 = vector.broadcast %scan3A_561 : i32 to vector<16xi32>
        %gather3A_612 = arith.constant 2 : i32
        %gather3A_613 = arith.constant 0 : i32
        %gather3A_614 = tpu.memref_slice %arg21[%gather3A_612, %gather3A_613] : memref<5x64xf32, #tpu.memory_space<vmem>> -> memref<1x64xf32, #tpu.memory_space<vmem>>
        %gather3A_615 = tpu.memref_squeeze %gather3A_614 : memref<1x64xf32, #tpu.memory_space<vmem>> -> memref<64xf32, #tpu.memory_space<vmem>>
        %gather3A_616 = tpu.vector_load_idx %gather3A_615[%broadcast_in_dim3A_611] : memref<64xf32, #tpu.memory_space<vmem>>[vector<16xi32>], vector<16xf32>,
        %mul3A_617 = arith.mulf %gather3A_616, %get3A_84 : vector<16xf32>
        %add3A_618 = arith.addf %mul3A_617, %get3A_164 : vector<16xf32>
        %swap3A_619 = arith.index_cast %scan3A_561 : i32 to index
        %swap3A_620 = arith.constant 128 : index
        %swap3A_621 = tpu.vector_load %arg35[%swap3A_619, %swap3A_620] {strides = array<i32>} : memref<64x320xf32, #tpu.memory_space<vmem>>, vector<16xf32>,
        tpu.vector_store %arg35[%swap3A_619, %swap3A_620], %add3A_618 {strides = array<i32>} : memref<64x320xf32, #tpu.memory_space<vmem>>, vector<16xf32>,
        %mul3A_622 = arith.mulf %gather3A_616, %get3A_88 : vector<16xf32>
        %add3A_623 = arith.addf %mul3A_622, %get3A_168 : vector<16xf32>
        %swap3A_624 = arith.index_cast %scan3A_561 : i32 to index
        %swap3A_625 = arith.constant 144 : index
        %swap3A_626 = tpu.vector_load %arg35[%swap3A_624, %swap3A_625] {strides = array<i32>} : memref<64x320xf32, #tpu.memory_space<vmem>>, vector<16xf32>,
        tpu.vector_store %arg35[%swap3A_624, %swap3A_625], %add3A_623 {strides = array<i32>} : memref<64x320xf32, #tpu.memory_space<vmem>>, vector<16xf32>,
        %mul3A_627 = arith.mulf %gather3A_616, %get3A_92 : vector<16xf32>
        %add3A_628 = arith.addf %mul3A_627, %get3A_172 : vector<16xf32>
        %swap3A_629 = arith.index_cast %scan3A_561 : i32 to index
        %swap3A_630 = arith.constant 160 : index
        %swap3A_631 = tpu.vector_load %arg35[%swap3A_629, %swap3A_630] {strides = array<i32>} : memref<64x320xf32, #tpu.memory_space<vmem>>, vector<16xf32>,
        tpu.vector_store %arg35[%swap3A_629, %swap3A_630], %add3A_628 {strides = array<i32>} : memref<64x320xf32, #tpu.memory_space<vmem>>, vector<16xf32>,
        %mul3A_632 = arith.mulf %gather3A_616, %get3A_96 : vector<16xf32>
        %add3A_633 = arith.addf %mul3A_632, %get3A_176 : vector<16xf32>
        %swap3A_634 = arith.index_cast %scan3A_561 : i32 to index
        %swap3A_635 = arith.constant 176 : index
        %swap3A_636 = tpu.vector_load %arg35[%swap3A_634, %swap3A_635] {strides = array<i32>} : memref<64x320xf32, #tpu.memory_space<vmem>>, vector<16xf32>,
        tpu.vector_store %arg35[%swap3A_634, %swap3A_635], %add3A_633 {strides = array<i32>} : memref<64x320xf32, #tpu.memory_space<vmem>>, vector<16xf32>,
        %broadcast_in_dim3A_637 = vector.broadcast %scan3A_561 : i32 to vector<16xi32>
        %gather3A_638 = arith.constant 3 : i32
        %gather3A_639 = arith.constant 0 : i32
        %gather3A_640 = tpu.memref_slice %arg21[%gather3A_638, %gather3A_639] : memref<5x64xf32, #tpu.memory_space<vmem>> -> memref<1x64xf32, #tpu.memory_space<vmem>>
        %gather3A_641 = tpu.memref_squeeze %gather3A_640 : memref<1x64xf32, #tpu.memory_space<vmem>> -> memref<64xf32, #tpu.memory_space<vmem>>
        %gather3A_642 = tpu.vector_load_idx %gather3A_641[%broadcast_in_dim3A_637] : memref<64xf32, #tpu.memory_space<vmem>>[vector<16xi32>], vector<16xf32>,
        %mul3A_643 = arith.mulf %gather3A_642, %get3A_100 : vector<16xf32>
        %add3A_644 = arith.addf %mul3A_643, %get3A_180 : vector<16xf32>
        %swap3A_645 = arith.index_cast %scan3A_561 : i32 to index
        %swap3A_646 = arith.constant 192 : index
        %swap3A_647 = tpu.vector_load %arg35[%swap3A_645, %swap3A_646] {strides = array<i32>} : memref<64x320xf32, #tpu.memory_space<vmem>>, vector<16xf32>,
        tpu.vector_store %arg35[%swap3A_645, %swap3A_646], %add3A_644 {strides = array<i32>} : memref<64x320xf32, #tpu.memory_space<vmem>>, vector<16xf32>,
        %mul3A_648 = arith.mulf %gather3A_642, %get3A_104 : vector<16xf32>
        %add3A_649 = arith.addf %mul3A_648, %get3A_184 : vector<16xf32>
        %swap3A_650 = arith.index_cast %scan3A_561 : i32 to index
        %swap3A_651 = arith.constant 208 : index
        %swap3A_652 = tpu.vector_load %arg35[%swap3A_650, %swap3A_651] {strides = array<i32>} : memref<64x320xf32, #tpu.memory_space<vmem>>, vector<16xf32>,
        tpu.vector_store %arg35[%swap3A_650, %swap3A_651], %add3A_649 {strides = array<i32>} : memref<64x320xf32, #tpu.memory_space<vmem>>, vector<16xf32>,
        %mul3A_653 = arith.mulf %gather3A_642, %get3A_108 : vector<16xf32>
        %add3A_654 = arith.addf %mul3A_653, %get3A_188 : vector<16xf32>
        %swap3A_655 = arith.index_cast %scan3A_561 : i32 to index
        %swap3A_656 = arith.constant 224 : index
        %swap3A_657 = tpu.vector_load %arg35[%swap3A_655, %swap3A_656] {strides = array<i32>} : memref<64x320xf32, #tpu.memory_space<vmem>>, vector<16xf32>,
        tpu.vector_store %arg35[%swap3A_655, %swap3A_656], %add3A_654 {strides = array<i32>} : memref<64x320xf32, #tpu.memory_space<vmem>>, vector<16xf32>,
        %mul3A_658 = arith.mulf %gather3A_642, %get3A_112 : vector<16xf32>
        %add3A_659 = arith.addf %mul3A_658, %get3A_192 : vector<16xf32>
        %swap3A_660 = arith.index_cast %scan3A_561 : i32 to index
        %swap3A_661 = arith.constant 240 : index
        %swap3A_662 = tpu.vector_load %arg35[%swap3A_660, %swap3A_661] {strides = array<i32>} : memref<64x320xf32, #tpu.memory_space<vmem>>, vector<16xf32>,
        tpu.vector_store %arg35[%swap3A_660, %swap3A_661], %add3A_659 {strides = array<i32>} : memref<64x320xf32, #tpu.memory_space<vmem>>, vector<16xf32>,
        %broadcast_in_dim3A_663 = vector.broadcast %scan3A_561 : i32 to vector<16xi32>
        %gather3A_664 = arith.constant 4 : i32
        %gather3A_665 = arith.constant 0 : i32
        %gather3A_666 = tpu.memref_slice %arg21[%gather3A_664, %gather3A_665] : memref<5x64xf32, #tpu.memory_space<vmem>> -> memref<1x64xf32, #tpu.memory_space<vmem>>
        %gather3A_667 = tpu.memref_squeeze %gather3A_666 : memref<1x64xf32, #tpu.memory_space<vmem>> -> memref<64xf32, #tpu.memory_space<vmem>>
        %gather3A_668 = tpu.vector_load_idx %gather3A_667[%broadcast_in_dim3A_663] : memref<64xf32, #tpu.memory_space<vmem>>[vector<16xi32>], vector<16xf32>,
        %mul3A_669 = arith.mulf %gather3A_668, %get3A_116 : vector<16xf32>
        %add3A_670 = arith.addf %mul3A_669, %get3A_196 : vector<16xf32>
        %swap3A_671 = arith.index_cast %scan3A_561 : i32 to index
        %swap3A_672 = arith.constant 256 : index
        %swap3A_673 = tpu.vector_load %arg35[%swap3A_671, %swap3A_672] {strides = array<i32>} : memref<64x320xf32, #tpu.memory_space<vmem>>, vector<16xf32>,
        tpu.vector_store %arg35[%swap3A_671, %swap3A_672], %add3A_670 {strides = array<i32>} : memref<64x320xf32, #tpu.memory_space<vmem>>, vector<16xf32>,
        %mul3A_674 = arith.mulf %gather3A_668, %get3A_120 : vector<16xf32>
        %add3A_675 = arith.addf %mul3A_674, %get3A_200 : vector<16xf32>
        %swap3A_676 = arith.index_cast %scan3A_561 : i32 to index
        %swap3A_677 = arith.constant 272 : index
        %swap3A_678 = tpu.vector_load %arg35[%swap3A_676, %swap3A_677] {strides = array<i32>} : memref<64x320xf32, #tpu.memory_space<vmem>>, vector<16xf32>,
        tpu.vector_store %arg35[%swap3A_676, %swap3A_677], %add3A_675 {strides = array<i32>} : memref<64x320xf32, #tpu.memory_space<vmem>>, vector<16xf32>,
        %mul3A_679 = arith.mulf %gather3A_668, %get3A_124 : vector<16xf32>
        %add3A_680 = arith.addf %mul3A_679, %get3A_204 : vector<16xf32>
        %swap3A_681 = arith.index_cast %scan3A_561 : i32 to index
        %swap3A_682 = arith.constant 288 : index
        %swap3A_683 = tpu.vector_load %arg35[%swap3A_681, %swap3A_682] {strides = array<i32>} : memref<64x320xf32, #tpu.memory_space<vmem>>, vector<16xf32>,
        tpu.vector_store %arg35[%swap3A_681, %swap3A_682], %add3A_680 {strides = array<i32>} : memref<64x320xf32, #tpu.memory_space<vmem>>, vector<16xf32>,
        %mul3A_684 = arith.mulf %gather3A_668, %get3A_128 : vector<16xf32>
        %add3A_685 = arith.addf %mul3A_684, %get3A_208 : vector<16xf32>
        %swap3A_686 = arith.index_cast %scan3A_561 : i32 to index
        %swap3A_687 = arith.constant 304 : index
        %swap3A_688 = tpu.vector_load %arg35[%swap3A_686, %swap3A_687] {strides = array<i32>} : memref<64x320xf32, #tpu.memory_space<vmem>>, vector<16xf32>,
        tpu.vector_store %arg35[%swap3A_686, %swap3A_687], %add3A_685 {strides = array<i32>} : memref<64x320xf32, #tpu.memory_space<vmem>>, vector<16xf32>,
      }
      %scan3A_358 = arith.constant 64 : i32
      %dma_wait3A_359 = arith.constant 0 : i32
      %dma_wait3A_360 = arith.constant 0 : i32
      %dma_wait3A_361 = tpu.memref_slice %arg19[%dma_wait3A_359, %dma_wait3A_360] : memref<6x64xi32, #tpu.memory_space<vmem>> -> memref<1x64xi32, #tpu.memory_space<vmem>>
      %dma_wait3A_362 = tpu.memref_squeeze %dma_wait3A_361 : memref<1x64xi32, #tpu.memory_space<vmem>> -> memref<64xi32, #tpu.memory_space<vmem>>
      %dma_wait3A_363 = arith.constant 0 : i32
      %dma_wait3A_364 = arith.constant 0 : i32
      %dma_wait3A_365 = tpu.memref_slice %arg2[%dma_wait3A_363, %dma_wait3A_364] : memref<100001x64xf32, #tpu.memory_space<hbm>> -> memref<100001x64xf32, #tpu.memory_space<hbm>>
      tpu.wait_indirect_dma semaphore(%arg43 : memref<!tpu.dma_semaphore, #tpu.memory_space<semaphore_mem>>) src(%dma_wait3A_365 : memref<100001x64xf32, #tpu.memory_space<hbm>>) dst(%arg23 : memref<64x64xf32, #tpu.memory_space<vmem>>)
      %dma_wait3A_366 = arith.constant 1 : i32
      %dma_wait3A_367 = arith.constant 0 : i32
      %dma_wait3A_368 = tpu.memref_slice %arg19[%dma_wait3A_366, %dma_wait3A_367] : memref<6x64xi32, #tpu.memory_space<vmem>> -> memref<1x64xi32, #tpu.memory_space<vmem>>
      %dma_wait3A_369 = tpu.memref_squeeze %dma_wait3A_368 : memref<1x64xi32, #tpu.memory_space<vmem>> -> memref<64xi32, #tpu.memory_space<vmem>>
      %dma_wait3A_370 = arith.constant 0 : i32
      %dma_wait3A_371 = arith.constant 0 : i32
      %dma_wait3A_372 = tpu.memref_slice %arg3[%dma_wait3A_370, %dma_wait3A_371] : memref<100001x64xf32, #tpu.memory_space<hbm>> -> memref<100001x64xf32, #tpu.memory_space<hbm>>
      tpu.wait_indirect_dma semaphore(%arg43 : memref<!tpu.dma_semaphore, #tpu.memory_space<semaphore_mem>>) src(%dma_wait3A_372 : memref<100001x64xf32, #tpu.memory_space<hbm>>) dst(%arg24 : memref<64x64xf32, #tpu.memory_space<vmem>>)
      %dma_wait3A_373 = arith.constant 2 : i32
      %dma_wait3A_374 = arith.constant 0 : i32
      %dma_wait3A_375 = tpu.memref_slice %arg19[%dma_wait3A_373, %dma_wait3A_374] : memref<6x64xi32, #tpu.memory_space<vmem>> -> memref<1x64xi32, #tpu.memory_space<vmem>>
      %dma_wait3A_376 = tpu.memref_squeeze %dma_wait3A_375 : memref<1x64xi32, #tpu.memory_space<vmem>> -> memref<64xi32, #tpu.memory_space<vmem>>
      %dma_wait3A_377 = arith.constant 0 : i32
      %dma_wait3A_378 = arith.constant 0 : i32
      %dma_wait3A_379 = tpu.memref_slice %arg4[%dma_wait3A_377, %dma_wait3A_378] : memref<100001x64xf32, #tpu.memory_space<hbm>> -> memref<100001x64xf32, #tpu.memory_space<hbm>>
      tpu.wait_indirect_dma semaphore(%arg43 : memref<!tpu.dma_semaphore, #tpu.memory_space<semaphore_mem>>) src(%dma_wait3A_379 : memref<100001x64xf32, #tpu.memory_space<hbm>>) dst(%arg25 : memref<64x64xf32, #tpu.memory_space<vmem>>)
      %dma_wait3A_380 = arith.constant 3 : i32
      %dma_wait3A_381 = arith.constant 0 : i32
      %dma_wait3A_382 = tpu.memref_slice %arg19[%dma_wait3A_380, %dma_wait3A_381] : memref<6x64xi32, #tpu.memory_space<vmem>> -> memref<1x64xi32, #tpu.memory_space<vmem>>
      %dma_wait3A_383 = tpu.memref_squeeze %dma_wait3A_382 : memref<1x64xi32, #tpu.memory_space<vmem>> -> memref<64xi32, #tpu.memory_space<vmem>>
      %dma_wait3A_384 = arith.constant 0 : i32
      %dma_wait3A_385 = arith.constant 0 : i32
      %dma_wait3A_386 = tpu.memref_slice %arg5[%dma_wait3A_384, %dma_wait3A_385] : memref<100001x64xf32, #tpu.memory_space<hbm>> -> memref<100001x64xf32, #tpu.memory_space<hbm>>
      tpu.wait_indirect_dma semaphore(%arg43 : memref<!tpu.dma_semaphore, #tpu.memory_space<semaphore_mem>>) src(%dma_wait3A_386 : memref<100001x64xf32, #tpu.memory_space<hbm>>) dst(%arg26 : memref<64x64xf32, #tpu.memory_space<vmem>>)
      %dma_wait3A_387 = arith.constant 4 : i32
      %dma_wait3A_388 = arith.constant 0 : i32
      %dma_wait3A_389 = tpu.memref_slice %arg19[%dma_wait3A_387, %dma_wait3A_388] : memref<6x64xi32, #tpu.memory_space<vmem>> -> memref<1x64xi32, #tpu.memory_space<vmem>>
      %dma_wait3A_390 = tpu.memref_squeeze %dma_wait3A_389 : memref<1x64xi32, #tpu.memory_space<vmem>> -> memref<64xi32, #tpu.memory_space<vmem>>
      %dma_wait3A_391 = arith.constant 0 : i32
      %dma_wait3A_392 = arith.constant 0 : i32
      %dma_wait3A_393 = tpu.memref_slice %arg6[%dma_wait3A_391, %dma_wait3A_392] : memref<100001x64xf32, #tpu.memory_space<hbm>> -> memref<100001x64xf32, #tpu.memory_space<hbm>>
      tpu.wait_indirect_dma semaphore(%arg43 : memref<!tpu.dma_semaphore, #tpu.memory_space<semaphore_mem>>) src(%dma_wait3A_393 : memref<100001x64xf32, #tpu.memory_space<hbm>>) dst(%arg27 : memref<64x64xf32, #tpu.memory_space<vmem>>)
      %dma_wait3A_394 = arith.constant 5 : i32
      %dma_wait3A_395 = arith.constant 0 : i32
      %dma_wait3A_396 = tpu.memref_slice %arg19[%dma_wait3A_394, %dma_wait3A_395] : memref<6x64xi32, #tpu.memory_space<vmem>> -> memref<1x64xi32, #tpu.memory_space<vmem>>
      %dma_wait3A_397 = tpu.memref_squeeze %dma_wait3A_396 : memref<1x64xi32, #tpu.memory_space<vmem>> -> memref<64xi32, #tpu.memory_space<vmem>>
      %dma_wait3A_398 = arith.constant 0 : i32
      %dma_wait3A_399 = arith.constant 0 : i32
      %dma_wait3A_400 = tpu.memref_slice %arg7[%dma_wait3A_398, %dma_wait3A_399] : memref<100001x64xf32, #tpu.memory_space<hbm>> -> memref<100001x64xf32, #tpu.memory_space<hbm>>
      tpu.wait_indirect_dma semaphore(%arg43 : memref<!tpu.dma_semaphore, #tpu.memory_space<semaphore_mem>>) src(%dma_wait3A_400 : memref<100001x64xf32, #tpu.memory_space<hbm>>) dst(%arg28 : memref<64x64xf32, #tpu.memory_space<vmem>>)
      %dma_start3A_401 = arith.constant 0 : i32
      %dma_start3A_402 = tpu.memref_slice %arg17[%mul3A_308, %dma_start3A_401] : memref<204800x704xf32, #tpu.memory_space<hbm>> -> memref<64x64xf32, #tpu.memory_space<hbm>>
      %dma_start3A_403 = arith.constant 0 : i32
      %dma_start3A_404 = tpu.memref_slice %arg17[%mul3A_308, %dma_start3A_403] : memref<204800x704xf32, #tpu.memory_space<hbm>> -> memref<64x64xf32, #tpu.memory_space<hbm>>
      tpu.enqueue_dma source(%arg23 : memref<64x64xf32, #tpu.memory_space<vmem>>) target(%dma_start3A_404 : memref<64x64xf32, #tpu.memory_space<hbm>>) target_semaphore(%arg44 : memref<!tpu.dma_semaphore, #tpu.memory_space<semaphore_mem>>)
      %dma_start3A_405 = arith.constant 64 : i32
      %dma_start3A_406 = tpu.memref_slice %arg17[%mul3A_308, %dma_start3A_405] : memref<204800x704xf32, #tpu.memory_space<hbm>> -> memref<64x64xf32, #tpu.memory_space<hbm>>
      %dma_start3A_407 = arith.constant 64 : i32
      %dma_start3A_408 = tpu.memref_slice %arg17[%mul3A_308, %dma_start3A_407] : memref<204800x704xf32, #tpu.memory_space<hbm>> -> memref<64x64xf32, #tpu.memory_space<hbm>>
      tpu.enqueue_dma source(%arg24 : memref<64x64xf32, #tpu.memory_space<vmem>>) target(%dma_start3A_408 : memref<64x64xf32, #tpu.memory_space<hbm>>) target_semaphore(%arg44 : memref<!tpu.dma_semaphore, #tpu.memory_space<semaphore_mem>>)
      %dma_start3A_409 = arith.constant 128 : i32
      %dma_start3A_410 = tpu.memref_slice %arg17[%mul3A_308, %dma_start3A_409] : memref<204800x704xf32, #tpu.memory_space<hbm>> -> memref<64x64xf32, #tpu.memory_space<hbm>>
      %dma_start3A_411 = arith.constant 128 : i32
      %dma_start3A_412 = tpu.memref_slice %arg17[%mul3A_308, %dma_start3A_411] : memref<204800x704xf32, #tpu.memory_space<hbm>> -> memref<64x64xf32, #tpu.memory_space<hbm>>
      tpu.enqueue_dma source(%arg25 : memref<64x64xf32, #tpu.memory_space<vmem>>) target(%dma_start3A_412 : memref<64x64xf32, #tpu.memory_space<hbm>>) target_semaphore(%arg44 : memref<!tpu.dma_semaphore, #tpu.memory_space<semaphore_mem>>)
      %dma_start3A_413 = arith.constant 192 : i32
      %dma_start3A_414 = tpu.memref_slice %arg17[%mul3A_308, %dma_start3A_413] : memref<204800x704xf32, #tpu.memory_space<hbm>> -> memref<64x64xf32, #tpu.memory_space<hbm>>
      %dma_start3A_415 = arith.constant 192 : i32
      %dma_start3A_416 = tpu.memref_slice %arg17[%mul3A_308, %dma_start3A_415] : memref<204800x704xf32, #tpu.memory_space<hbm>> -> memref<64x64xf32, #tpu.memory_space<hbm>>
      tpu.enqueue_dma source(%arg26 : memref<64x64xf32, #tpu.memory_space<vmem>>) target(%dma_start3A_416 : memref<64x64xf32, #tpu.memory_space<hbm>>) target_semaphore(%arg44 : memref<!tpu.dma_semaphore, #tpu.memory_space<semaphore_mem>>)
      %dma_start3A_417 = arith.constant 256 : i32
      %dma_start3A_418 = tpu.memref_slice %arg17[%mul3A_308, %dma_start3A_417] : memref<204800x704xf32, #tpu.memory_space<hbm>> -> memref<64x64xf32, #tpu.memory_space<hbm>>
      %dma_start3A_419 = arith.constant 256 : i32
      %dma_start3A_420 = tpu.memref_slice %arg17[%mul3A_308, %dma_start3A_419] : memref<204800x704xf32, #tpu.memory_space<hbm>> -> memref<64x64xf32, #tpu.memory_space<hbm>>
      tpu.enqueue_dma source(%arg27 : memref<64x64xf32, #tpu.memory_space<vmem>>) target(%dma_start3A_420 : memref<64x64xf32, #tpu.memory_space<hbm>>) target_semaphore(%arg44 : memref<!tpu.dma_semaphore, #tpu.memory_space<semaphore_mem>>)
      %dma_start3A_421 = arith.constant 320 : i32
      %dma_start3A_422 = tpu.memref_slice %arg17[%mul3A_308, %dma_start3A_421] : memref<204800x704xf32, #tpu.memory_space<hbm>> -> memref<64x64xf32, #tpu.memory_space<hbm>>
      %dma_start3A_423 = arith.constant 320 : i32
      %dma_start3A_424 = tpu.memref_slice %arg17[%mul3A_308, %dma_start3A_423] : memref<204800x704xf32, #tpu.memory_space<hbm>> -> memref<64x64xf32, #tpu.memory_space<hbm>>
      tpu.enqueue_dma source(%arg28 : memref<64x64xf32, #tpu.memory_space<vmem>>) target(%dma_start3A_424 : memref<64x64xf32, #tpu.memory_space<hbm>>) target_semaphore(%arg44 : memref<!tpu.dma_semaphore, #tpu.memory_space<semaphore_mem>>)
      %dma_start3A_425 = arith.constant 384 : i32
      %dma_start3A_426 = tpu.memref_slice %arg17[%mul3A_308, %dma_start3A_425] : memref<204800x704xf32, #tpu.memory_space<hbm>> -> memref<64x320xf32, #tpu.memory_space<hbm>>
      %dma_start3A_427 = arith.constant 384 : i32
      %dma_start3A_428 = tpu.memref_slice %arg17[%mul3A_308, %dma_start3A_427] : memref<204800x704xf32, #tpu.memory_space<hbm>> -> memref<64x320xf32, #tpu.memory_space<hbm>>
      tpu.enqueue_dma source(%arg35 : memref<64x320xf32, #tpu.memory_space<vmem>>) target(%dma_start3A_428 : memref<64x320xf32, #tpu.memory_space<hbm>>) target_semaphore(%arg44 : memref<!tpu.dma_semaphore, #tpu.memory_space<semaphore_mem>>)
      %mul3A_429 = arith.constant 100 : i32
      %mul3A_430 = arith.muli %add3A, %mul3A_429 : i32
      %mul3A_431 = arith.constant 2 : i32
      %mul3A_432 = arith.muli %scan3A_299, %mul3A_431 : i32
      %add3A_433 = arith.addi %mul3A_430, %mul3A_432 : i32
      %add3A_434 = arith.constant 1 : i32
      %add3A_435 = arith.addi %add3A_433, %add3A_434 : i32
      %mul3A_436 = arith.constant 64 : i32
      %mul3A_437 = arith.muli %add3A_435, %mul3A_436 : i32
      %gt3A_438 = arith.constant 0 : i32
      %gt3A_439 = arith.cmpi sgt, %scan3A_299, %gt3A_438 : i32
      %convert_element_type3A_440 = arith.extui %gt3A_439 : i1 to i32
      %cond3A_441 = arith.constant 0 : i32
      %cond3A_442 = arith.cmpi ne, %convert_element_type3A_440, %cond3A_441 : i32
      scf.if %cond3A_442 {
        %dma_wait3A_561 = arith.constant 0 : i32
        %dma_wait3A_562 = arith.constant 0 : i32
        %dma_wait3A_563 = tpu.memref_slice %arg17[%dma_wait3A_561, %dma_wait3A_562] : memref<204800x704xf32, #tpu.memory_space<hbm>> -> memref<64x64xf32, #tpu.memory_space<hbm>>
        %dma_wait3A_564 = arith.constant 0 : i32
        %dma_wait3A_565 = arith.constant 0 : i32
        %dma_wait3A_566 = tpu.memref_slice %arg17[%dma_wait3A_564, %dma_wait3A_565] : memref<204800x704xf32, #tpu.memory_space<hbm>> -> memref<64x64xf32, #tpu.memory_space<hbm>>
        tpu.wait_dma2 semaphore(%arg45 : memref<!tpu.dma_semaphore, #tpu.memory_space<semaphore_mem>>) src(%arg29 : memref<64x64xf32, #tpu.memory_space<vmem>>) dst(%dma_wait3A_566 : memref<64x64xf32, #tpu.memory_space<hbm>>)
        %dma_wait3A_567 = arith.constant 0 : i32
        %dma_wait3A_568 = arith.constant 64 : i32
        %dma_wait3A_569 = tpu.memref_slice %arg17[%dma_wait3A_567, %dma_wait3A_568] : memref<204800x704xf32, #tpu.memory_space<hbm>> -> memref<64x64xf32, #tpu.memory_space<hbm>>
        %dma_wait3A_570 = arith.constant 0 : i32
        %dma_wait3A_571 = arith.constant 64 : i32
        %dma_wait3A_572 = tpu.memref_slice %arg17[%dma_wait3A_570, %dma_wait3A_571] : memref<204800x704xf32, #tpu.memory_space<hbm>> -> memref<64x64xf32, #tpu.memory_space<hbm>>
        tpu.wait_dma2 semaphore(%arg45 : memref<!tpu.dma_semaphore, #tpu.memory_space<semaphore_mem>>) src(%arg30 : memref<64x64xf32, #tpu.memory_space<vmem>>) dst(%dma_wait3A_572 : memref<64x64xf32, #tpu.memory_space<hbm>>)
        %dma_wait3A_573 = arith.constant 0 : i32
        %dma_wait3A_574 = arith.constant 128 : i32
        %dma_wait3A_575 = tpu.memref_slice %arg17[%dma_wait3A_573, %dma_wait3A_574] : memref<204800x704xf32, #tpu.memory_space<hbm>> -> memref<64x64xf32, #tpu.memory_space<hbm>>
        %dma_wait3A_576 = arith.constant 0 : i32
        %dma_wait3A_577 = arith.constant 128 : i32
        %dma_wait3A_578 = tpu.memref_slice %arg17[%dma_wait3A_576, %dma_wait3A_577] : memref<204800x704xf32, #tpu.memory_space<hbm>> -> memref<64x64xf32, #tpu.memory_space<hbm>>
        tpu.wait_dma2 semaphore(%arg45 : memref<!tpu.dma_semaphore, #tpu.memory_space<semaphore_mem>>) src(%arg31 : memref<64x64xf32, #tpu.memory_space<vmem>>) dst(%dma_wait3A_578 : memref<64x64xf32, #tpu.memory_space<hbm>>)
        %dma_wait3A_579 = arith.constant 0 : i32
        %dma_wait3A_580 = arith.constant 192 : i32
        %dma_wait3A_581 = tpu.memref_slice %arg17[%dma_wait3A_579, %dma_wait3A_580] : memref<204800x704xf32, #tpu.memory_space<hbm>> -> memref<64x64xf32, #tpu.memory_space<hbm>>
        %dma_wait3A_582 = arith.constant 0 : i32
        %dma_wait3A_583 = arith.constant 192 : i32
        %dma_wait3A_584 = tpu.memref_slice %arg17[%dma_wait3A_582, %dma_wait3A_583] : memref<204800x704xf32, #tpu.memory_space<hbm>> -> memref<64x64xf32, #tpu.memory_space<hbm>>
        tpu.wait_dma2 semaphore(%arg45 : memref<!tpu.dma_semaphore, #tpu.memory_space<semaphore_mem>>) src(%arg32 : memref<64x64xf32, #tpu.memory_space<vmem>>) dst(%dma_wait3A_584 : memref<64x64xf32, #tpu.memory_space<hbm>>)
        %dma_wait3A_585 = arith.constant 0 : i32
        %dma_wait3A_586 = arith.constant 256 : i32
        %dma_wait3A_587 = tpu.memref_slice %arg17[%dma_wait3A_585, %dma_wait3A_586] : memref<204800x704xf32, #tpu.memory_space<hbm>> -> memref<64x64xf32, #tpu.memory_space<hbm>>
        %dma_wait3A_588 = arith.constant 0 : i32
        %dma_wait3A_589 = arith.constant 256 : i32
        %dma_wait3A_590 = tpu.memref_slice %arg17[%dma_wait3A_588, %dma_wait3A_589] : memref<204800x704xf32, #tpu.memory_space<hbm>> -> memref<64x64xf32, #tpu.memory_space<hbm>>
        tpu.wait_dma2 semaphore(%arg45 : memref<!tpu.dma_semaphore, #tpu.memory_space<semaphore_mem>>) src(%arg33 : memref<64x64xf32, #tpu.memory_space<vmem>>) dst(%dma_wait3A_590 : memref<64x64xf32, #tpu.memory_space<hbm>>)
        %dma_wait3A_591 = arith.constant 0 : i32
        %dma_wait3A_592 = arith.constant 320 : i32
        %dma_wait3A_593 = tpu.memref_slice %arg17[%dma_wait3A_591, %dma_wait3A_592] : memref<204800x704xf32, #tpu.memory_space<hbm>> -> memref<64x64xf32, #tpu.memory_space<hbm>>
        %dma_wait3A_594 = arith.constant 0 : i32
        %dma_wait3A_595 = arith.constant 320 : i32
        %dma_wait3A_596 = tpu.memref_slice %arg17[%dma_wait3A_594, %dma_wait3A_595] : memref<204800x704xf32, #tpu.memory_space<hbm>> -> memref<64x64xf32, #tpu.memory_space<hbm>>
        tpu.wait_dma2 semaphore(%arg45 : memref<!tpu.dma_semaphore, #tpu.memory_space<semaphore_mem>>) src(%arg34 : memref<64x64xf32, #tpu.memory_space<vmem>>) dst(%dma_wait3A_596 : memref<64x64xf32, #tpu.memory_space<hbm>>)
        %dma_wait3A_597 = arith.constant 0 : i32
        %dma_wait3A_598 = arith.constant 384 : i32
        %dma_wait3A_599 = tpu.memref_slice %arg17[%dma_wait3A_597, %dma_wait3A_598] : memref<204800x704xf32, #tpu.memory_space<hbm>> -> memref<64x320xf32, #tpu.memory_space<hbm>>
        %dma_wait3A_600 = arith.constant 0 : i32
        %dma_wait3A_601 = arith.constant 384 : i32
        %dma_wait3A_602 = tpu.memref_slice %arg17[%dma_wait3A_600, %dma_wait3A_601] : memref<204800x704xf32, #tpu.memory_space<hbm>> -> memref<64x320xf32, #tpu.memory_space<hbm>>
        tpu.wait_dma2 semaphore(%arg45 : memref<!tpu.dma_semaphore, #tpu.memory_space<semaphore_mem>>) src(%arg36 : memref<64x320xf32, #tpu.memory_space<vmem>>) dst(%dma_wait3A_602 : memref<64x320xf32, #tpu.memory_space<hbm>>)
      } else {
      }
      "tpu.region"() ({
        %run_scoped3A = tpu.sem_alloc : memref<!tpu.dma_semaphore, #tpu.memory_space<semaphore_mem>>
        %dma_start3A_561 = arith.constant 0 : i32
        %dma_start3A_562 = tpu.memref_slice %arg8[%dma_start3A_561, %mul3A_437] : memref<6x204800xi32, #tpu.memory_space<hbm>> -> memref<6x64xi32, #tpu.memory_space<hbm>>
        %dma_start3A_563 = arith.constant 0 : i32
        %dma_start3A_564 = tpu.memref_slice %arg8[%dma_start3A_563, %mul3A_437] : memref<6x204800xi32, #tpu.memory_space<hbm>> -> memref<6x64xi32, #tpu.memory_space<hbm>>
        tpu.enqueue_dma source(%dma_start3A_564 : memref<6x64xi32, #tpu.memory_space<hbm>>) target(%arg20 : memref<6x64xi32, #tpu.memory_space<vmem>>) target_semaphore(%run_scoped3A : memref<!tpu.dma_semaphore, #tpu.memory_space<semaphore_mem>>)
        %dma_wait3A_565 = arith.constant 0 : i32
        %dma_wait3A_566 = tpu.memref_slice %arg8[%dma_wait3A_565, %mul3A_437] : memref<6x204800xi32, #tpu.memory_space<hbm>> -> memref<6x64xi32, #tpu.memory_space<hbm>>
        %dma_wait3A_567 = arith.constant 0 : i32
        %dma_wait3A_568 = tpu.memref_slice %arg8[%dma_wait3A_567, %mul3A_437] : memref<6x204800xi32, #tpu.memory_space<hbm>> -> memref<6x64xi32, #tpu.memory_space<hbm>>
        tpu.wait_dma2 semaphore(%run_scoped3A : memref<!tpu.dma_semaphore, #tpu.memory_space<semaphore_mem>>) src(%dma_wait3A_568 : memref<6x64xi32, #tpu.memory_space<hbm>>) dst(%arg20 : memref<6x64xi32, #tpu.memory_space<vmem>>)
        tpu.yield
      }) : () -> ()
      "tpu.region"() ({
        %run_scoped3A = tpu.sem_alloc : memref<!tpu.dma_semaphore, #tpu.memory_space<semaphore_mem>>
        %dma_start3A_561 = arith.constant 0 : i32
        %dma_start3A_562 = tpu.memref_slice %arg9[%dma_start3A_561, %mul3A_437] : memref<5x204800xf32, #tpu.memory_space<hbm>> -> memref<5x64xf32, #tpu.memory_space<hbm>>
        %dma_start3A_563 = arith.constant 0 : i32
        %dma_start3A_564 = tpu.memref_slice %arg9[%dma_start3A_563, %mul3A_437] : memref<5x204800xf32, #tpu.memory_space<hbm>> -> memref<5x64xf32, #tpu.memory_space<hbm>>
        tpu.enqueue_dma source(%dma_start3A_564 : memref<5x64xf32, #tpu.memory_space<hbm>>) target(%arg22 : memref<5x64xf32, #tpu.memory_space<vmem>>) target_semaphore(%run_scoped3A : memref<!tpu.dma_semaphore, #tpu.memory_space<semaphore_mem>>)
        %dma_wait3A_565 = arith.constant 0 : i32
        %dma_wait3A_566 = tpu.memref_slice %arg9[%dma_wait3A_565, %mul3A_437] : memref<5x204800xf32, #tpu.memory_space<hbm>> -> memref<5x64xf32, #tpu.memory_space<hbm>>
        %dma_wait3A_567 = arith.constant 0 : i32
        %dma_wait3A_568 = tpu.memref_slice %arg9[%dma_wait3A_567, %mul3A_437] : memref<5x204800xf32, #tpu.memory_space<hbm>> -> memref<5x64xf32, #tpu.memory_space<hbm>>
        tpu.wait_dma2 semaphore(%run_scoped3A : memref<!tpu.dma_semaphore, #tpu.memory_space<semaphore_mem>>) src(%dma_wait3A_568 : memref<5x64xf32, #tpu.memory_space<hbm>>) dst(%arg22 : memref<5x64xf32, #tpu.memory_space<vmem>>)
        tpu.yield
      }) : () -> ()
      %dma_start3A_443 = arith.constant 0 : i32
      %dma_start3A_444 = arith.constant 0 : i32
      %dma_start3A_445 = tpu.memref_slice %arg20[%dma_start3A_443, %dma_start3A_444] : memref<6x64xi32, #tpu.memory_space<vmem>> -> memref<1x64xi32, #tpu.memory_space<vmem>>
      %dma_start3A_446 = tpu.memref_squeeze %dma_start3A_445 : memref<1x64xi32, #tpu.memory_space<vmem>> -> memref<64xi32, #tpu.memory_space<vmem>>
      %dma_start3A_447 = arith.constant 0 : i32
      %dma_start3A_448 = arith.constant 0 : i32
      %dma_start3A_449 = tpu.memref_slice %arg2[%dma_start3A_447, %dma_start3A_448] : memref<100001x64xf32, #tpu.memory_space<hbm>> -> memref<100001x64xf32, #tpu.memory_space<hbm>>
      tpu.enqueue_indirect_dma source(%dma_start3A_449 : memref<100001x64xf32, #tpu.memory_space<hbm>>) target(%arg29 : memref<64x64xf32, #tpu.memory_space<vmem>>) offsets(%dma_start3A_446 : memref<64xi32, #tpu.memory_space<vmem>>) semaphore(%arg43 : memref<!tpu.dma_semaphore, #tpu.memory_space<semaphore_mem>>)
      %dma_start3A_450 = arith.constant 1 : i32
      %dma_start3A_451 = arith.constant 0 : i32
      %dma_start3A_452 = tpu.memref_slice %arg20[%dma_start3A_450, %dma_start3A_451] : memref<6x64xi32, #tpu.memory_space<vmem>> -> memref<1x64xi32, #tpu.memory_space<vmem>>
      %dma_start3A_453 = tpu.memref_squeeze %dma_start3A_452 : memref<1x64xi32, #tpu.memory_space<vmem>> -> memref<64xi32, #tpu.memory_space<vmem>>
      %dma_start3A_454 = arith.constant 0 : i32
      %dma_start3A_455 = arith.constant 0 : i32
      %dma_start3A_456 = tpu.memref_slice %arg3[%dma_start3A_454, %dma_start3A_455] : memref<100001x64xf32, #tpu.memory_space<hbm>> -> memref<100001x64xf32, #tpu.memory_space<hbm>>
      tpu.enqueue_indirect_dma source(%dma_start3A_456 : memref<100001x64xf32, #tpu.memory_space<hbm>>) target(%arg30 : memref<64x64xf32, #tpu.memory_space<vmem>>) offsets(%dma_start3A_453 : memref<64xi32, #tpu.memory_space<vmem>>) semaphore(%arg43 : memref<!tpu.dma_semaphore, #tpu.memory_space<semaphore_mem>>)
      %dma_start3A_457 = arith.constant 2 : i32
      %dma_start3A_458 = arith.constant 0 : i32
      %dma_start3A_459 = tpu.memref_slice %arg20[%dma_start3A_457, %dma_start3A_458] : memref<6x64xi32, #tpu.memory_space<vmem>> -> memref<1x64xi32, #tpu.memory_space<vmem>>
      %dma_start3A_460 = tpu.memref_squeeze %dma_start3A_459 : memref<1x64xi32, #tpu.memory_space<vmem>> -> memref<64xi32, #tpu.memory_space<vmem>>
      %dma_start3A_461 = arith.constant 0 : i32
      %dma_start3A_462 = arith.constant 0 : i32
      %dma_start3A_463 = tpu.memref_slice %arg4[%dma_start3A_461, %dma_start3A_462] : memref<100001x64xf32, #tpu.memory_space<hbm>> -> memref<100001x64xf32, #tpu.memory_space<hbm>>
      tpu.enqueue_indirect_dma source(%dma_start3A_463 : memref<100001x64xf32, #tpu.memory_space<hbm>>) target(%arg31 : memref<64x64xf32, #tpu.memory_space<vmem>>) offsets(%dma_start3A_460 : memref<64xi32, #tpu.memory_space<vmem>>) semaphore(%arg43 : memref<!tpu.dma_semaphore, #tpu.memory_space<semaphore_mem>>)
      %dma_start3A_464 = arith.constant 3 : i32
      %dma_start3A_465 = arith.constant 0 : i32
      %dma_start3A_466 = tpu.memref_slice %arg20[%dma_start3A_464, %dma_start3A_465] : memref<6x64xi32, #tpu.memory_space<vmem>> -> memref<1x64xi32, #tpu.memory_space<vmem>>
      %dma_start3A_467 = tpu.memref_squeeze %dma_start3A_466 : memref<1x64xi32, #tpu.memory_space<vmem>> -> memref<64xi32, #tpu.memory_space<vmem>>
      %dma_start3A_468 = arith.constant 0 : i32
      %dma_start3A_469 = arith.constant 0 : i32
      %dma_start3A_470 = tpu.memref_slice %arg5[%dma_start3A_468, %dma_start3A_469] : memref<100001x64xf32, #tpu.memory_space<hbm>> -> memref<100001x64xf32, #tpu.memory_space<hbm>>
      tpu.enqueue_indirect_dma source(%dma_start3A_470 : memref<100001x64xf32, #tpu.memory_space<hbm>>) target(%arg32 : memref<64x64xf32, #tpu.memory_space<vmem>>) offsets(%dma_start3A_467 : memref<64xi32, #tpu.memory_space<vmem>>) semaphore(%arg43 : memref<!tpu.dma_semaphore, #tpu.memory_space<semaphore_mem>>)
      %dma_start3A_471 = arith.constant 4 : i32
      %dma_start3A_472 = arith.constant 0 : i32
      %dma_start3A_473 = tpu.memref_slice %arg20[%dma_start3A_471, %dma_start3A_472] : memref<6x64xi32, #tpu.memory_space<vmem>> -> memref<1x64xi32, #tpu.memory_space<vmem>>
      %dma_start3A_474 = tpu.memref_squeeze %dma_start3A_473 : memref<1x64xi32, #tpu.memory_space<vmem>> -> memref<64xi32, #tpu.memory_space<vmem>>
      %dma_start3A_475 = arith.constant 0 : i32
      %dma_start3A_476 = arith.constant 0 : i32
      %dma_start3A_477 = tpu.memref_slice %arg6[%dma_start3A_475, %dma_start3A_476] : memref<100001x64xf32, #tpu.memory_space<hbm>> -> memref<100001x64xf32, #tpu.memory_space<hbm>>
      tpu.enqueue_indirect_dma source(%dma_start3A_477 : memref<100001x64xf32, #tpu.memory_space<hbm>>) target(%arg33 : memref<64x64xf32, #tpu.memory_space<vmem>>) offsets(%dma_start3A_474 : memref<64xi32, #tpu.memory_space<vmem>>) semaphore(%arg43 : memref<!tpu.dma_semaphore, #tpu.memory_space<semaphore_mem>>)
      %dma_start3A_478 = arith.constant 5 : i32
      %dma_start3A_479 = arith.constant 0 : i32
      %dma_start3A_480 = tpu.memref_slice %arg20[%dma_start3A_478, %dma_start3A_479] : memref<6x64xi32, #tpu.memory_space<vmem>> -> memref<1x64xi32, #tpu.memory_space<vmem>>
      %dma_start3A_481 = tpu.memref_squeeze %dma_start3A_480 : memref<1x64xi32, #tpu.memory_space<vmem>> -> memref<64xi32, #tpu.memory_space<vmem>>
      %dma_start3A_482 = arith.constant 0 : i32
      %dma_start3A_483 = arith.constant 0 : i32
      %dma_start3A_484 = tpu.memref_slice %arg7[%dma_start3A_482, %dma_start3A_483] : memref<100001x64xf32, #tpu.memory_space<hbm>> -> memref<100001x64xf32, #tpu.memory_space<hbm>>
      tpu.enqueue_indirect_dma source(%dma_start3A_484 : memref<100001x64xf32, #tpu.memory_space<hbm>>) target(%arg34 : memref<64x64xf32, #tpu.memory_space<vmem>>) offsets(%dma_start3A_481 : memref<64xi32, #tpu.memory_space<vmem>>) semaphore(%arg43 : memref<!tpu.dma_semaphore, #tpu.memory_space<semaphore_mem>>)
      %scan3A_485 = arith.constant 0 : i32
      %scan3A_486 = arith.constant 0 : i32
      %scan3A_487 = arith.constant 64 : i32
      %scan3A_488 = arith.addi %scan3A_486, %scan3A_487 : i32
      %scan3A_489 = arith.constant 1 : i32
      scf.for %scan3A_561 = %scan3A_486 to %scan3A_488 step %scan3A_489  : i32 {
        %broadcast_in_dim3A = vector.broadcast %scan3A_561 : i32 to vector<16xi32>
        %gather3A = arith.constant 0 : i32
        %gather3A_562 = arith.constant 0 : i32
        %gather3A_563 = tpu.memref_slice %arg22[%gather3A, %gather3A_562] : memref<5x64xf32, #tpu.memory_space<vmem>> -> memref<1x64xf32, #tpu.memory_space<vmem>>
        %gather3A_564 = tpu.memref_squeeze %gather3A_563 : memref<1x64xf32, #tpu.memory_space<vmem>> -> memref<64xf32, #tpu.memory_space<vmem>>
        %gather3A_565 = tpu.vector_load_idx %gather3A_564[%broadcast_in_dim3A] : memref<64xf32, #tpu.memory_space<vmem>>[vector<16xi32>], vector<16xf32>,
        %mul3A_566 = arith.mulf %gather3A_565, %get3A_52 : vector<16xf32>
        %add3A_567 = arith.addf %mul3A_566, %get3A_132 : vector<16xf32>
        %swap3A = arith.index_cast %scan3A_561 : i32 to index
        %swap3A_568 = arith.constant 0 : index
        %swap3A_569 = tpu.vector_load %arg36[%swap3A, %swap3A_568] {strides = array<i32>} : memref<64x320xf32, #tpu.memory_space<vmem>>, vector<16xf32>,
        tpu.vector_store %arg36[%swap3A, %swap3A_568], %add3A_567 {strides = array<i32>} : memref<64x320xf32, #tpu.memory_space<vmem>>, vector<16xf32>,
        %mul3A_570 = arith.mulf %gather3A_565, %get3A_56 : vector<16xf32>
        %add3A_571 = arith.addf %mul3A_570, %get3A_136 : vector<16xf32>
        %swap3A_572 = arith.index_cast %scan3A_561 : i32 to index
        %swap3A_573 = arith.constant 16 : index
        %swap3A_574 = tpu.vector_load %arg36[%swap3A_572, %swap3A_573] {strides = array<i32>} : memref<64x320xf32, #tpu.memory_space<vmem>>, vector<16xf32>,
        tpu.vector_store %arg36[%swap3A_572, %swap3A_573], %add3A_571 {strides = array<i32>} : memref<64x320xf32, #tpu.memory_space<vmem>>, vector<16xf32>,
        %mul3A_575 = arith.mulf %gather3A_565, %get3A_60 : vector<16xf32>
        %add3A_576 = arith.addf %mul3A_575, %get3A_140 : vector<16xf32>
        %swap3A_577 = arith.index_cast %scan3A_561 : i32 to index
        %swap3A_578 = arith.constant 32 : index
        %swap3A_579 = tpu.vector_load %arg36[%swap3A_577, %swap3A_578] {strides = array<i32>} : memref<64x320xf32, #tpu.memory_space<vmem>>, vector<16xf32>,
        tpu.vector_store %arg36[%swap3A_577, %swap3A_578], %add3A_576 {strides = array<i32>} : memref<64x320xf32, #tpu.memory_space<vmem>>, vector<16xf32>,
        %mul3A_580 = arith.mulf %gather3A_565, %get3A_64 : vector<16xf32>
        %add3A_581 = arith.addf %mul3A_580, %get3A_144 : vector<16xf32>
        %swap3A_582 = arith.index_cast %scan3A_561 : i32 to index
        %swap3A_583 = arith.constant 48 : index
        %swap3A_584 = tpu.vector_load %arg36[%swap3A_582, %swap3A_583] {strides = array<i32>} : memref<64x320xf32, #tpu.memory_space<vmem>>, vector<16xf32>,
        tpu.vector_store %arg36[%swap3A_582, %swap3A_583], %add3A_581 {strides = array<i32>} : memref<64x320xf32, #tpu.memory_space<vmem>>, vector<16xf32>,
        %broadcast_in_dim3A_585 = vector.broadcast %scan3A_561 : i32 to vector<16xi32>
        %gather3A_586 = arith.constant 1 : i32
        %gather3A_587 = arith.constant 0 : i32
        %gather3A_588 = tpu.memref_slice %arg22[%gather3A_586, %gather3A_587] : memref<5x64xf32, #tpu.memory_space<vmem>> -> memref<1x64xf32, #tpu.memory_space<vmem>>
        %gather3A_589 = tpu.memref_squeeze %gather3A_588 : memref<1x64xf32, #tpu.memory_space<vmem>> -> memref<64xf32, #tpu.memory_space<vmem>>
        %gather3A_590 = tpu.vector_load_idx %gather3A_589[%broadcast_in_dim3A_585] : memref<64xf32, #tpu.memory_space<vmem>>[vector<16xi32>], vector<16xf32>,
        %mul3A_591 = arith.mulf %gather3A_590, %get3A_68 : vector<16xf32>
        %add3A_592 = arith.addf %mul3A_591, %get3A_148 : vector<16xf32>
        %swap3A_593 = arith.index_cast %scan3A_561 : i32 to index
        %swap3A_594 = arith.constant 64 : index
        %swap3A_595 = tpu.vector_load %arg36[%swap3A_593, %swap3A_594] {strides = array<i32>} : memref<64x320xf32, #tpu.memory_space<vmem>>, vector<16xf32>,
        tpu.vector_store %arg36[%swap3A_593, %swap3A_594], %add3A_592 {strides = array<i32>} : memref<64x320xf32, #tpu.memory_space<vmem>>, vector<16xf32>,
        %mul3A_596 = arith.mulf %gather3A_590, %get3A_72 : vector<16xf32>
        %add3A_597 = arith.addf %mul3A_596, %get3A_152 : vector<16xf32>
        %swap3A_598 = arith.index_cast %scan3A_561 : i32 to index
        %swap3A_599 = arith.constant 80 : index
        %swap3A_600 = tpu.vector_load %arg36[%swap3A_598, %swap3A_599] {strides = array<i32>} : memref<64x320xf32, #tpu.memory_space<vmem>>, vector<16xf32>,
        tpu.vector_store %arg36[%swap3A_598, %swap3A_599], %add3A_597 {strides = array<i32>} : memref<64x320xf32, #tpu.memory_space<vmem>>, vector<16xf32>,
        %mul3A_601 = arith.mulf %gather3A_590, %get3A_76 : vector<16xf32>
        %add3A_602 = arith.addf %mul3A_601, %get3A_156 : vector<16xf32>
        %swap3A_603 = arith.index_cast %scan3A_561 : i32 to index
        %swap3A_604 = arith.constant 96 : index
        %swap3A_605 = tpu.vector_load %arg36[%swap3A_603, %swap3A_604] {strides = array<i32>} : memref<64x320xf32, #tpu.memory_space<vmem>>, vector<16xf32>,
        tpu.vector_store %arg36[%swap3A_603, %swap3A_604], %add3A_602 {strides = array<i32>} : memref<64x320xf32, #tpu.memory_space<vmem>>, vector<16xf32>,
        %mul3A_606 = arith.mulf %gather3A_590, %get3A_80 : vector<16xf32>
        %add3A_607 = arith.addf %mul3A_606, %get3A_160 : vector<16xf32>
        %swap3A_608 = arith.index_cast %scan3A_561 : i32 to index
        %swap3A_609 = arith.constant 112 : index
        %swap3A_610 = tpu.vector_load %arg36[%swap3A_608, %swap3A_609] {strides = array<i32>} : memref<64x320xf32, #tpu.memory_space<vmem>>, vector<16xf32>,
        tpu.vector_store %arg36[%swap3A_608, %swap3A_609], %add3A_607 {strides = array<i32>} : memref<64x320xf32, #tpu.memory_space<vmem>>, vector<16xf32>,
        %broadcast_in_dim3A_611 = vector.broadcast %scan3A_561 : i32 to vector<16xi32>
        %gather3A_612 = arith.constant 2 : i32
        %gather3A_613 = arith.constant 0 : i32
        %gather3A_614 = tpu.memref_slice %arg22[%gather3A_612, %gather3A_613] : memref<5x64xf32, #tpu.memory_space<vmem>> -> memref<1x64xf32, #tpu.memory_space<vmem>>
        %gather3A_615 = tpu.memref_squeeze %gather3A_614 : memref<1x64xf32, #tpu.memory_space<vmem>> -> memref<64xf32, #tpu.memory_space<vmem>>
        %gather3A_616 = tpu.vector_load_idx %gather3A_615[%broadcast_in_dim3A_611] : memref<64xf32, #tpu.memory_space<vmem>>[vector<16xi32>], vector<16xf32>,
        %mul3A_617 = arith.mulf %gather3A_616, %get3A_84 : vector<16xf32>
        %add3A_618 = arith.addf %mul3A_617, %get3A_164 : vector<16xf32>
        %swap3A_619 = arith.index_cast %scan3A_561 : i32 to index
        %swap3A_620 = arith.constant 128 : index
        %swap3A_621 = tpu.vector_load %arg36[%swap3A_619, %swap3A_620] {strides = array<i32>} : memref<64x320xf32, #tpu.memory_space<vmem>>, vector<16xf32>,
        tpu.vector_store %arg36[%swap3A_619, %swap3A_620], %add3A_618 {strides = array<i32>} : memref<64x320xf32, #tpu.memory_space<vmem>>, vector<16xf32>,
        %mul3A_622 = arith.mulf %gather3A_616, %get3A_88 : vector<16xf32>
        %add3A_623 = arith.addf %mul3A_622, %get3A_168 : vector<16xf32>
        %swap3A_624 = arith.index_cast %scan3A_561 : i32 to index
        %swap3A_625 = arith.constant 144 : index
        %swap3A_626 = tpu.vector_load %arg36[%swap3A_624, %swap3A_625] {strides = array<i32>} : memref<64x320xf32, #tpu.memory_space<vmem>>, vector<16xf32>,
        tpu.vector_store %arg36[%swap3A_624, %swap3A_625], %add3A_623 {strides = array<i32>} : memref<64x320xf32, #tpu.memory_space<vmem>>, vector<16xf32>,
        %mul3A_627 = arith.mulf %gather3A_616, %get3A_92 : vector<16xf32>
        %add3A_628 = arith.addf %mul3A_627, %get3A_172 : vector<16xf32>
        %swap3A_629 = arith.index_cast %scan3A_561 : i32 to index
        %swap3A_630 = arith.constant 160 : index
        %swap3A_631 = tpu.vector_load %arg36[%swap3A_629, %swap3A_630] {strides = array<i32>} : memref<64x320xf32, #tpu.memory_space<vmem>>, vector<16xf32>,
        tpu.vector_store %arg36[%swap3A_629, %swap3A_630], %add3A_628 {strides = array<i32>} : memref<64x320xf32, #tpu.memory_space<vmem>>, vector<16xf32>,
        %mul3A_632 = arith.mulf %gather3A_616, %get3A_96 : vector<16xf32>
        %add3A_633 = arith.addf %mul3A_632, %get3A_176 : vector<16xf32>
        %swap3A_634 = arith.index_cast %scan3A_561 : i32 to index
        %swap3A_635 = arith.constant 176 : index
        %swap3A_636 = tpu.vector_load %arg36[%swap3A_634, %swap3A_635] {strides = array<i32>} : memref<64x320xf32, #tpu.memory_space<vmem>>, vector<16xf32>,
        tpu.vector_store %arg36[%swap3A_634, %swap3A_635], %add3A_633 {strides = array<i32>} : memref<64x320xf32, #tpu.memory_space<vmem>>, vector<16xf32>,
        %broadcast_in_dim3A_637 = vector.broadcast %scan3A_561 : i32 to vector<16xi32>
        %gather3A_638 = arith.constant 3 : i32
        %gather3A_639 = arith.constant 0 : i32
        %gather3A_640 = tpu.memref_slice %arg22[%gather3A_638, %gather3A_639] : memref<5x64xf32, #tpu.memory_space<vmem>> -> memref<1x64xf32, #tpu.memory_space<vmem>>
        %gather3A_641 = tpu.memref_squeeze %gather3A_640 : memref<1x64xf32, #tpu.memory_space<vmem>> -> memref<64xf32, #tpu.memory_space<vmem>>
        %gather3A_642 = tpu.vector_load_idx %gather3A_641[%broadcast_in_dim3A_637] : memref<64xf32, #tpu.memory_space<vmem>>[vector<16xi32>], vector<16xf32>,
        %mul3A_643 = arith.mulf %gather3A_642, %get3A_100 : vector<16xf32>
        %add3A_644 = arith.addf %mul3A_643, %get3A_180 : vector<16xf32>
        %swap3A_645 = arith.index_cast %scan3A_561 : i32 to index
        %swap3A_646 = arith.constant 192 : index
        %swap3A_647 = tpu.vector_load %arg36[%swap3A_645, %swap3A_646] {strides = array<i32>} : memref<64x320xf32, #tpu.memory_space<vmem>>, vector<16xf32>,
        tpu.vector_store %arg36[%swap3A_645, %swap3A_646], %add3A_644 {strides = array<i32>} : memref<64x320xf32, #tpu.memory_space<vmem>>, vector<16xf32>,
        %mul3A_648 = arith.mulf %gather3A_642, %get3A_104 : vector<16xf32>
        %add3A_649 = arith.addf %mul3A_648, %get3A_184 : vector<16xf32>
        %swap3A_650 = arith.index_cast %scan3A_561 : i32 to index
        %swap3A_651 = arith.constant 208 : index
        %swap3A_652 = tpu.vector_load %arg36[%swap3A_650, %swap3A_651] {strides = array<i32>} : memref<64x320xf32, #tpu.memory_space<vmem>>, vector<16xf32>,
        tpu.vector_store %arg36[%swap3A_650, %swap3A_651], %add3A_649 {strides = array<i32>} : memref<64x320xf32, #tpu.memory_space<vmem>>, vector<16xf32>,
        %mul3A_653 = arith.mulf %gather3A_642, %get3A_108 : vector<16xf32>
        %add3A_654 = arith.addf %mul3A_653, %get3A_188 : vector<16xf32>
        %swap3A_655 = arith.index_cast %scan3A_561 : i32 to index
        %swap3A_656 = arith.constant 224 : index
        %swap3A_657 = tpu.vector_load %arg36[%swap3A_655, %swap3A_656] {strides = array<i32>} : memref<64x320xf32, #tpu.memory_space<vmem>>, vector<16xf32>,
        tpu.vector_store %arg36[%swap3A_655, %swap3A_656], %add3A_654 {strides = array<i32>} : memref<64x320xf32, #tpu.memory_space<vmem>>, vector<16xf32>,
        %mul3A_658 = arith.mulf %gather3A_642, %get3A_112 : vector<16xf32>
        %add3A_659 = arith.addf %mul3A_658, %get3A_192 : vector<16xf32>
        %swap3A_660 = arith.index_cast %scan3A_561 : i32 to index
        %swap3A_661 = arith.constant 240 : index
        %swap3A_662 = tpu.vector_load %arg36[%swap3A_660, %swap3A_661] {strides = array<i32>} : memref<64x320xf32, #tpu.memory_space<vmem>>, vector<16xf32>,
        tpu.vector_store %arg36[%swap3A_660, %swap3A_661], %add3A_659 {strides = array<i32>} : memref<64x320xf32, #tpu.memory_space<vmem>>, vector<16xf32>,
        %broadcast_in_dim3A_663 = vector.broadcast %scan3A_561 : i32 to vector<16xi32>
        %gather3A_664 = arith.constant 4 : i32
        %gather3A_665 = arith.constant 0 : i32
        %gather3A_666 = tpu.memref_slice %arg22[%gather3A_664, %gather3A_665] : memref<5x64xf32, #tpu.memory_space<vmem>> -> memref<1x64xf32, #tpu.memory_space<vmem>>
        %gather3A_667 = tpu.memref_squeeze %gather3A_666 : memref<1x64xf32, #tpu.memory_space<vmem>> -> memref<64xf32, #tpu.memory_space<vmem>>
        %gather3A_668 = tpu.vector_load_idx %gather3A_667[%broadcast_in_dim3A_663] : memref<64xf32, #tpu.memory_space<vmem>>[vector<16xi32>], vector<16xf32>,
        %mul3A_669 = arith.mulf %gather3A_668, %get3A_116 : vector<16xf32>
        %add3A_670 = arith.addf %mul3A_669, %get3A_196 : vector<16xf32>
        %swap3A_671 = arith.index_cast %scan3A_561 : i32 to index
        %swap3A_672 = arith.constant 256 : index
        %swap3A_673 = tpu.vector_load %arg36[%swap3A_671, %swap3A_672] {strides = array<i32>} : memref<64x320xf32, #tpu.memory_space<vmem>>, vector<16xf32>,
        tpu.vector_store %arg36[%swap3A_671, %swap3A_672], %add3A_670 {strides = array<i32>} : memref<64x320xf32, #tpu.memory_space<vmem>>, vector<16xf32>,
        %mul3A_674 = arith.mulf %gather3A_668, %get3A_120 : vector<16xf32>
        %add3A_675 = arith.addf %mul3A_674, %get3A_200 : vector<16xf32>
        %swap3A_676 = arith.index_cast %scan3A_561 : i32 to index
        %swap3A_677 = arith.constant 272 : index
        %swap3A_678 = tpu.vector_load %arg36[%swap3A_676, %swap3A_677] {strides = array<i32>} : memref<64x320xf32, #tpu.memory_space<vmem>>, vector<16xf32>,
        tpu.vector_store %arg36[%swap3A_676, %swap3A_677], %add3A_675 {strides = array<i32>} : memref<64x320xf32, #tpu.memory_space<vmem>>, vector<16xf32>,
        %mul3A_679 = arith.mulf %gather3A_668, %get3A_124 : vector<16xf32>
        %add3A_680 = arith.addf %mul3A_679, %get3A_204 : vector<16xf32>
        %swap3A_681 = arith.index_cast %scan3A_561 : i32 to index
        %swap3A_682 = arith.constant 288 : index
        %swap3A_683 = tpu.vector_load %arg36[%swap3A_681, %swap3A_682] {strides = array<i32>} : memref<64x320xf32, #tpu.memory_space<vmem>>, vector<16xf32>,
        tpu.vector_store %arg36[%swap3A_681, %swap3A_682], %add3A_680 {strides = array<i32>} : memref<64x320xf32, #tpu.memory_space<vmem>>, vector<16xf32>,
        %mul3A_684 = arith.mulf %gather3A_668, %get3A_128 : vector<16xf32>
        %add3A_685 = arith.addf %mul3A_684, %get3A_208 : vector<16xf32>
        %swap3A_686 = arith.index_cast %scan3A_561 : i32 to index
        %swap3A_687 = arith.constant 304 : index
        %swap3A_688 = tpu.vector_load %arg36[%swap3A_686, %swap3A_687] {strides = array<i32>} : memref<64x320xf32, #tpu.memory_space<vmem>>, vector<16xf32>,
        tpu.vector_store %arg36[%swap3A_686, %swap3A_687], %add3A_685 {strides = array<i32>} : memref<64x320xf32, #tpu.memory_space<vmem>>, vector<16xf32>,
      }
      %scan3A_490 = arith.constant 64 : i32
      %dma_wait3A_491 = arith.constant 0 : i32
      %dma_wait3A_492 = arith.constant 0 : i32
      %dma_wait3A_493 = tpu.memref_slice %arg20[%dma_wait3A_491, %dma_wait3A_492] : memref<6x64xi32, #tpu.memory_space<vmem>> -> memref<1x64xi32, #tpu.memory_space<vmem>>
      %dma_wait3A_494 = tpu.memref_squeeze %dma_wait3A_493 : memref<1x64xi32, #tpu.memory_space<vmem>> -> memref<64xi32, #tpu.memory_space<vmem>>
      %dma_wait3A_495 = arith.constant 0 : i32
      %dma_wait3A_496 = arith.constant 0 : i32
      %dma_wait3A_497 = tpu.memref_slice %arg2[%dma_wait3A_495, %dma_wait3A_496] : memref<100001x64xf32, #tpu.memory_space<hbm>> -> memref<100001x64xf32, #tpu.memory_space<hbm>>
      tpu.wait_indirect_dma semaphore(%arg43 : memref<!tpu.dma_semaphore, #tpu.memory_space<semaphore_mem>>) src(%dma_wait3A_497 : memref<100001x64xf32, #tpu.memory_space<hbm>>) dst(%arg29 : memref<64x64xf32, #tpu.memory_space<vmem>>)
      %dma_wait3A_498 = arith.constant 1 : i32
      %dma_wait3A_499 = arith.constant 0 : i32
      %dma_wait3A_500 = tpu.memref_slice %arg20[%dma_wait3A_498, %dma_wait3A_499] : memref<6x64xi32, #tpu.memory_space<vmem>> -> memref<1x64xi32, #tpu.memory_space<vmem>>
      %dma_wait3A_501 = tpu.memref_squeeze %dma_wait3A_500 : memref<1x64xi32, #tpu.memory_space<vmem>> -> memref<64xi32, #tpu.memory_space<vmem>>
      %dma_wait3A_502 = arith.constant 0 : i32
      %dma_wait3A_503 = arith.constant 0 : i32
      %dma_wait3A_504 = tpu.memref_slice %arg3[%dma_wait3A_502, %dma_wait3A_503] : memref<100001x64xf32, #tpu.memory_space<hbm>> -> memref<100001x64xf32, #tpu.memory_space<hbm>>
      tpu.wait_indirect_dma semaphore(%arg43 : memref<!tpu.dma_semaphore, #tpu.memory_space<semaphore_mem>>) src(%dma_wait3A_504 : memref<100001x64xf32, #tpu.memory_space<hbm>>) dst(%arg30 : memref<64x64xf32, #tpu.memory_space<vmem>>)
      %dma_wait3A_505 = arith.constant 2 : i32
      %dma_wait3A_506 = arith.constant 0 : i32
      %dma_wait3A_507 = tpu.memref_slice %arg20[%dma_wait3A_505, %dma_wait3A_506] : memref<6x64xi32, #tpu.memory_space<vmem>> -> memref<1x64xi32, #tpu.memory_space<vmem>>
      %dma_wait3A_508 = tpu.memref_squeeze %dma_wait3A_507 : memref<1x64xi32, #tpu.memory_space<vmem>> -> memref<64xi32, #tpu.memory_space<vmem>>
      %dma_wait3A_509 = arith.constant 0 : i32
      %dma_wait3A_510 = arith.constant 0 : i32
      %dma_wait3A_511 = tpu.memref_slice %arg4[%dma_wait3A_509, %dma_wait3A_510] : memref<100001x64xf32, #tpu.memory_space<hbm>> -> memref<100001x64xf32, #tpu.memory_space<hbm>>
      tpu.wait_indirect_dma semaphore(%arg43 : memref<!tpu.dma_semaphore, #tpu.memory_space<semaphore_mem>>) src(%dma_wait3A_511 : memref<100001x64xf32, #tpu.memory_space<hbm>>) dst(%arg31 : memref<64x64xf32, #tpu.memory_space<vmem>>)
      %dma_wait3A_512 = arith.constant 3 : i32
      %dma_wait3A_513 = arith.constant 0 : i32
      %dma_wait3A_514 = tpu.memref_slice %arg20[%dma_wait3A_512, %dma_wait3A_513] : memref<6x64xi32, #tpu.memory_space<vmem>> -> memref<1x64xi32, #tpu.memory_space<vmem>>
      %dma_wait3A_515 = tpu.memref_squeeze %dma_wait3A_514 : memref<1x64xi32, #tpu.memory_space<vmem>> -> memref<64xi32, #tpu.memory_space<vmem>>
      %dma_wait3A_516 = arith.constant 0 : i32
      %dma_wait3A_517 = arith.constant 0 : i32
      %dma_wait3A_518 = tpu.memref_slice %arg5[%dma_wait3A_516, %dma_wait3A_517] : memref<100001x64xf32, #tpu.memory_space<hbm>> -> memref<100001x64xf32, #tpu.memory_space<hbm>>
      tpu.wait_indirect_dma semaphore(%arg43 : memref<!tpu.dma_semaphore, #tpu.memory_space<semaphore_mem>>) src(%dma_wait3A_518 : memref<100001x64xf32, #tpu.memory_space<hbm>>) dst(%arg32 : memref<64x64xf32, #tpu.memory_space<vmem>>)
      %dma_wait3A_519 = arith.constant 4 : i32
      %dma_wait3A_520 = arith.constant 0 : i32
      %dma_wait3A_521 = tpu.memref_slice %arg20[%dma_wait3A_519, %dma_wait3A_520] : memref<6x64xi32, #tpu.memory_space<vmem>> -> memref<1x64xi32, #tpu.memory_space<vmem>>
      %dma_wait3A_522 = tpu.memref_squeeze %dma_wait3A_521 : memref<1x64xi32, #tpu.memory_space<vmem>> -> memref<64xi32, #tpu.memory_space<vmem>>
      %dma_wait3A_523 = arith.constant 0 : i32
      %dma_wait3A_524 = arith.constant 0 : i32
      %dma_wait3A_525 = tpu.memref_slice %arg6[%dma_wait3A_523, %dma_wait3A_524] : memref<100001x64xf32, #tpu.memory_space<hbm>> -> memref<100001x64xf32, #tpu.memory_space<hbm>>
      tpu.wait_indirect_dma semaphore(%arg43 : memref<!tpu.dma_semaphore, #tpu.memory_space<semaphore_mem>>) src(%dma_wait3A_525 : memref<100001x64xf32, #tpu.memory_space<hbm>>) dst(%arg33 : memref<64x64xf32, #tpu.memory_space<vmem>>)
      %dma_wait3A_526 = arith.constant 5 : i32
      %dma_wait3A_527 = arith.constant 0 : i32
      %dma_wait3A_528 = tpu.memref_slice %arg20[%dma_wait3A_526, %dma_wait3A_527] : memref<6x64xi32, #tpu.memory_space<vmem>> -> memref<1x64xi32, #tpu.memory_space<vmem>>
      %dma_wait3A_529 = tpu.memref_squeeze %dma_wait3A_528 : memref<1x64xi32, #tpu.memory_space<vmem>> -> memref<64xi32, #tpu.memory_space<vmem>>
      %dma_wait3A_530 = arith.constant 0 : i32
      %dma_wait3A_531 = arith.constant 0 : i32
      %dma_wait3A_532 = tpu.memref_slice %arg7[%dma_wait3A_530, %dma_wait3A_531] : memref<100001x64xf32, #tpu.memory_space<hbm>> -> memref<100001x64xf32, #tpu.memory_space<hbm>>
      tpu.wait_indirect_dma semaphore(%arg43 : memref<!tpu.dma_semaphore, #tpu.memory_space<semaphore_mem>>) src(%dma_wait3A_532 : memref<100001x64xf32, #tpu.memory_space<hbm>>) dst(%arg34 : memref<64x64xf32, #tpu.memory_space<vmem>>)
      %dma_start3A_533 = arith.constant 0 : i32
      %dma_start3A_534 = tpu.memref_slice %arg17[%mul3A_437, %dma_start3A_533] : memref<204800x704xf32, #tpu.memory_space<hbm>> -> memref<64x64xf32, #tpu.memory_space<hbm>>
      %dma_start3A_535 = arith.constant 0 : i32
      %dma_start3A_536 = tpu.memref_slice %arg17[%mul3A_437, %dma_start3A_535] : memref<204800x704xf32, #tpu.memory_space<hbm>> -> memref<64x64xf32, #tpu.memory_space<hbm>>
      tpu.enqueue_dma source(%arg29 : memref<64x64xf32, #tpu.memory_space<vmem>>) target(%dma_start3A_536 : memref<64x64xf32, #tpu.memory_space<hbm>>) target_semaphore(%arg45 : memref<!tpu.dma_semaphore, #tpu.memory_space<semaphore_mem>>)
      %dma_start3A_537 = arith.constant 64 : i32
      %dma_start3A_538 = tpu.memref_slice %arg17[%mul3A_437, %dma_start3A_537] : memref<204800x704xf32, #tpu.memory_space<hbm>> -> memref<64x64xf32, #tpu.memory_space<hbm>>
      %dma_start3A_539 = arith.constant 64 : i32
      %dma_start3A_540 = tpu.memref_slice %arg17[%mul3A_437, %dma_start3A_539] : memref<204800x704xf32, #tpu.memory_space<hbm>> -> memref<64x64xf32, #tpu.memory_space<hbm>>
      tpu.enqueue_dma source(%arg30 : memref<64x64xf32, #tpu.memory_space<vmem>>) target(%dma_start3A_540 : memref<64x64xf32, #tpu.memory_space<hbm>>) target_semaphore(%arg45 : memref<!tpu.dma_semaphore, #tpu.memory_space<semaphore_mem>>)
      %dma_start3A_541 = arith.constant 128 : i32
      %dma_start3A_542 = tpu.memref_slice %arg17[%mul3A_437, %dma_start3A_541] : memref<204800x704xf32, #tpu.memory_space<hbm>> -> memref<64x64xf32, #tpu.memory_space<hbm>>
      %dma_start3A_543 = arith.constant 128 : i32
      %dma_start3A_544 = tpu.memref_slice %arg17[%mul3A_437, %dma_start3A_543] : memref<204800x704xf32, #tpu.memory_space<hbm>> -> memref<64x64xf32, #tpu.memory_space<hbm>>
      tpu.enqueue_dma source(%arg31 : memref<64x64xf32, #tpu.memory_space<vmem>>) target(%dma_start3A_544 : memref<64x64xf32, #tpu.memory_space<hbm>>) target_semaphore(%arg45 : memref<!tpu.dma_semaphore, #tpu.memory_space<semaphore_mem>>)
      %dma_start3A_545 = arith.constant 192 : i32
      %dma_start3A_546 = tpu.memref_slice %arg17[%mul3A_437, %dma_start3A_545] : memref<204800x704xf32, #tpu.memory_space<hbm>> -> memref<64x64xf32, #tpu.memory_space<hbm>>
      %dma_start3A_547 = arith.constant 192 : i32
      %dma_start3A_548 = tpu.memref_slice %arg17[%mul3A_437, %dma_start3A_547] : memref<204800x704xf32, #tpu.memory_space<hbm>> -> memref<64x64xf32, #tpu.memory_space<hbm>>
      tpu.enqueue_dma source(%arg32 : memref<64x64xf32, #tpu.memory_space<vmem>>) target(%dma_start3A_548 : memref<64x64xf32, #tpu.memory_space<hbm>>) target_semaphore(%arg45 : memref<!tpu.dma_semaphore, #tpu.memory_space<semaphore_mem>>)
      %dma_start3A_549 = arith.constant 256 : i32
      %dma_start3A_550 = tpu.memref_slice %arg17[%mul3A_437, %dma_start3A_549] : memref<204800x704xf32, #tpu.memory_space<hbm>> -> memref<64x64xf32, #tpu.memory_space<hbm>>
      %dma_start3A_551 = arith.constant 256 : i32
      %dma_start3A_552 = tpu.memref_slice %arg17[%mul3A_437, %dma_start3A_551] : memref<204800x704xf32, #tpu.memory_space<hbm>> -> memref<64x64xf32, #tpu.memory_space<hbm>>
      tpu.enqueue_dma source(%arg33 : memref<64x64xf32, #tpu.memory_space<vmem>>) target(%dma_start3A_552 : memref<64x64xf32, #tpu.memory_space<hbm>>) target_semaphore(%arg45 : memref<!tpu.dma_semaphore, #tpu.memory_space<semaphore_mem>>)
      %dma_start3A_553 = arith.constant 320 : i32
      %dma_start3A_554 = tpu.memref_slice %arg17[%mul3A_437, %dma_start3A_553] : memref<204800x704xf32, #tpu.memory_space<hbm>> -> memref<64x64xf32, #tpu.memory_space<hbm>>
      %dma_start3A_555 = arith.constant 320 : i32
      %dma_start3A_556 = tpu.memref_slice %arg17[%mul3A_437, %dma_start3A_555] : memref<204800x704xf32, #tpu.memory_space<hbm>> -> memref<64x64xf32, #tpu.memory_space<hbm>>
      tpu.enqueue_dma source(%arg34 : memref<64x64xf32, #tpu.memory_space<vmem>>) target(%dma_start3A_556 : memref<64x64xf32, #tpu.memory_space<hbm>>) target_semaphore(%arg45 : memref<!tpu.dma_semaphore, #tpu.memory_space<semaphore_mem>>)
      %dma_start3A_557 = arith.constant 384 : i32
      %dma_start3A_558 = tpu.memref_slice %arg17[%mul3A_437, %dma_start3A_557] : memref<204800x704xf32, #tpu.memory_space<hbm>> -> memref<64x320xf32, #tpu.memory_space<hbm>>
      %dma_start3A_559 = arith.constant 384 : i32
      %dma_start3A_560 = tpu.memref_slice %arg17[%mul3A_437, %dma_start3A_559] : memref<204800x704xf32, #tpu.memory_space<hbm>> -> memref<64x320xf32, #tpu.memory_space<hbm>>
      tpu.enqueue_dma source(%arg36 : memref<64x320xf32, #tpu.memory_space<vmem>>) target(%dma_start3A_560 : memref<64x320xf32, #tpu.memory_space<hbm>>) target_semaphore(%arg45 : memref<!tpu.dma_semaphore, #tpu.memory_space<semaphore_mem>>)
    }
    %scan3A_214 = arith.constant 50 : i32
    %dma_wait3A_215 = arith.constant 0 : i32
    %dma_wait3A_216 = arith.constant 0 : i32
    %dma_wait3A_217 = tpu.memref_slice %arg17[%dma_wait3A_215, %dma_wait3A_216] : memref<204800x704xf32, #tpu.memory_space<hbm>> -> memref<64x64xf32, #tpu.memory_space<hbm>>
    %dma_wait3A_218 = arith.constant 0 : i32
    %dma_wait3A_219 = arith.constant 0 : i32
    %dma_wait3A_220 = tpu.memref_slice %arg17[%dma_wait3A_218, %dma_wait3A_219] : memref<204800x704xf32, #tpu.memory_space<hbm>> -> memref<64x64xf32, #tpu.memory_space<hbm>>
    tpu.wait_dma2 semaphore(%arg44 : memref<!tpu.dma_semaphore, #tpu.memory_space<semaphore_mem>>) src(%arg23 : memref<64x64xf32, #tpu.memory_space<vmem>>) dst(%dma_wait3A_220 : memref<64x64xf32, #tpu.memory_space<hbm>>)
    %dma_wait3A_221 = arith.constant 0 : i32
    %dma_wait3A_222 = arith.constant 64 : i32
    %dma_wait3A_223 = tpu.memref_slice %arg17[%dma_wait3A_221, %dma_wait3A_222] : memref<204800x704xf32, #tpu.memory_space<hbm>> -> memref<64x64xf32, #tpu.memory_space<hbm>>
    %dma_wait3A_224 = arith.constant 0 : i32
    %dma_wait3A_225 = arith.constant 64 : i32
    %dma_wait3A_226 = tpu.memref_slice %arg17[%dma_wait3A_224, %dma_wait3A_225] : memref<204800x704xf32, #tpu.memory_space<hbm>> -> memref<64x64xf32, #tpu.memory_space<hbm>>
    tpu.wait_dma2 semaphore(%arg44 : memref<!tpu.dma_semaphore, #tpu.memory_space<semaphore_mem>>) src(%arg24 : memref<64x64xf32, #tpu.memory_space<vmem>>) dst(%dma_wait3A_226 : memref<64x64xf32, #tpu.memory_space<hbm>>)
    %dma_wait3A_227 = arith.constant 0 : i32
    %dma_wait3A_228 = arith.constant 128 : i32
    %dma_wait3A_229 = tpu.memref_slice %arg17[%dma_wait3A_227, %dma_wait3A_228] : memref<204800x704xf32, #tpu.memory_space<hbm>> -> memref<64x64xf32, #tpu.memory_space<hbm>>
    %dma_wait3A_230 = arith.constant 0 : i32
    %dma_wait3A_231 = arith.constant 128 : i32
    %dma_wait3A_232 = tpu.memref_slice %arg17[%dma_wait3A_230, %dma_wait3A_231] : memref<204800x704xf32, #tpu.memory_space<hbm>> -> memref<64x64xf32, #tpu.memory_space<hbm>>
    tpu.wait_dma2 semaphore(%arg44 : memref<!tpu.dma_semaphore, #tpu.memory_space<semaphore_mem>>) src(%arg25 : memref<64x64xf32, #tpu.memory_space<vmem>>) dst(%dma_wait3A_232 : memref<64x64xf32, #tpu.memory_space<hbm>>)
    %dma_wait3A_233 = arith.constant 0 : i32
    %dma_wait3A_234 = arith.constant 192 : i32
    %dma_wait3A_235 = tpu.memref_slice %arg17[%dma_wait3A_233, %dma_wait3A_234] : memref<204800x704xf32, #tpu.memory_space<hbm>> -> memref<64x64xf32, #tpu.memory_space<hbm>>
    %dma_wait3A_236 = arith.constant 0 : i32
    %dma_wait3A_237 = arith.constant 192 : i32
    %dma_wait3A_238 = tpu.memref_slice %arg17[%dma_wait3A_236, %dma_wait3A_237] : memref<204800x704xf32, #tpu.memory_space<hbm>> -> memref<64x64xf32, #tpu.memory_space<hbm>>
    tpu.wait_dma2 semaphore(%arg44 : memref<!tpu.dma_semaphore, #tpu.memory_space<semaphore_mem>>) src(%arg26 : memref<64x64xf32, #tpu.memory_space<vmem>>) dst(%dma_wait3A_238 : memref<64x64xf32, #tpu.memory_space<hbm>>)
    %dma_wait3A_239 = arith.constant 0 : i32
    %dma_wait3A_240 = arith.constant 256 : i32
    %dma_wait3A_241 = tpu.memref_slice %arg17[%dma_wait3A_239, %dma_wait3A_240] : memref<204800x704xf32, #tpu.memory_space<hbm>> -> memref<64x64xf32, #tpu.memory_space<hbm>>
    %dma_wait3A_242 = arith.constant 0 : i32
    %dma_wait3A_243 = arith.constant 256 : i32
    %dma_wait3A_244 = tpu.memref_slice %arg17[%dma_wait3A_242, %dma_wait3A_243] : memref<204800x704xf32, #tpu.memory_space<hbm>> -> memref<64x64xf32, #tpu.memory_space<hbm>>
    tpu.wait_dma2 semaphore(%arg44 : memref<!tpu.dma_semaphore, #tpu.memory_space<semaphore_mem>>) src(%arg27 : memref<64x64xf32, #tpu.memory_space<vmem>>) dst(%dma_wait3A_244 : memref<64x64xf32, #tpu.memory_space<hbm>>)
    %dma_wait3A_245 = arith.constant 0 : i32
    %dma_wait3A_246 = arith.constant 320 : i32
    %dma_wait3A_247 = tpu.memref_slice %arg17[%dma_wait3A_245, %dma_wait3A_246] : memref<204800x704xf32, #tpu.memory_space<hbm>> -> memref<64x64xf32, #tpu.memory_space<hbm>>
    %dma_wait3A_248 = arith.constant 0 : i32
    %dma_wait3A_249 = arith.constant 320 : i32
    %dma_wait3A_250 = tpu.memref_slice %arg17[%dma_wait3A_248, %dma_wait3A_249] : memref<204800x704xf32, #tpu.memory_space<hbm>> -> memref<64x64xf32, #tpu.memory_space<hbm>>
    tpu.wait_dma2 semaphore(%arg44 : memref<!tpu.dma_semaphore, #tpu.memory_space<semaphore_mem>>) src(%arg28 : memref<64x64xf32, #tpu.memory_space<vmem>>) dst(%dma_wait3A_250 : memref<64x64xf32, #tpu.memory_space<hbm>>)
    %dma_wait3A_251 = arith.constant 0 : i32
    %dma_wait3A_252 = arith.constant 384 : i32
    %dma_wait3A_253 = tpu.memref_slice %arg17[%dma_wait3A_251, %dma_wait3A_252] : memref<204800x704xf32, #tpu.memory_space<hbm>> -> memref<64x320xf32, #tpu.memory_space<hbm>>
    %dma_wait3A_254 = arith.constant 0 : i32
    %dma_wait3A_255 = arith.constant 384 : i32
    %dma_wait3A_256 = tpu.memref_slice %arg17[%dma_wait3A_254, %dma_wait3A_255] : memref<204800x704xf32, #tpu.memory_space<hbm>> -> memref<64x320xf32, #tpu.memory_space<hbm>>
    tpu.wait_dma2 semaphore(%arg44 : memref<!tpu.dma_semaphore, #tpu.memory_space<semaphore_mem>>) src(%arg35 : memref<64x320xf32, #tpu.memory_space<vmem>>) dst(%dma_wait3A_256 : memref<64x320xf32, #tpu.memory_space<hbm>>)
    %dma_wait3A_257 = arith.constant 0 : i32
    %dma_wait3A_258 = arith.constant 0 : i32
    %dma_wait3A_259 = tpu.memref_slice %arg17[%dma_wait3A_257, %dma_wait3A_258] : memref<204800x704xf32, #tpu.memory_space<hbm>> -> memref<64x64xf32, #tpu.memory_space<hbm>>
    %dma_wait3A_260 = arith.constant 0 : i32
    %dma_wait3A_261 = arith.constant 0 : i32
    %dma_wait3A_262 = tpu.memref_slice %arg17[%dma_wait3A_260, %dma_wait3A_261] : memref<204800x704xf32, #tpu.memory_space<hbm>> -> memref<64x64xf32, #tpu.memory_space<hbm>>
    tpu.wait_dma2 semaphore(%arg45 : memref<!tpu.dma_semaphore, #tpu.memory_space<semaphore_mem>>) src(%arg29 : memref<64x64xf32, #tpu.memory_space<vmem>>) dst(%dma_wait3A_262 : memref<64x64xf32, #tpu.memory_space<hbm>>)
    %dma_wait3A_263 = arith.constant 0 : i32
    %dma_wait3A_264 = arith.constant 64 : i32
    %dma_wait3A_265 = tpu.memref_slice %arg17[%dma_wait3A_263, %dma_wait3A_264] : memref<204800x704xf32, #tpu.memory_space<hbm>> -> memref<64x64xf32, #tpu.memory_space<hbm>>
    %dma_wait3A_266 = arith.constant 0 : i32
    %dma_wait3A_267 = arith.constant 64 : i32
    %dma_wait3A_268 = tpu.memref_slice %arg17[%dma_wait3A_266, %dma_wait3A_267] : memref<204800x704xf32, #tpu.memory_space<hbm>> -> memref<64x64xf32, #tpu.memory_space<hbm>>
    tpu.wait_dma2 semaphore(%arg45 : memref<!tpu.dma_semaphore, #tpu.memory_space<semaphore_mem>>) src(%arg30 : memref<64x64xf32, #tpu.memory_space<vmem>>) dst(%dma_wait3A_268 : memref<64x64xf32, #tpu.memory_space<hbm>>)
    %dma_wait3A_269 = arith.constant 0 : i32
    %dma_wait3A_270 = arith.constant 128 : i32
    %dma_wait3A_271 = tpu.memref_slice %arg17[%dma_wait3A_269, %dma_wait3A_270] : memref<204800x704xf32, #tpu.memory_space<hbm>> -> memref<64x64xf32, #tpu.memory_space<hbm>>
    %dma_wait3A_272 = arith.constant 0 : i32
    %dma_wait3A_273 = arith.constant 128 : i32
    %dma_wait3A_274 = tpu.memref_slice %arg17[%dma_wait3A_272, %dma_wait3A_273] : memref<204800x704xf32, #tpu.memory_space<hbm>> -> memref<64x64xf32, #tpu.memory_space<hbm>>
    tpu.wait_dma2 semaphore(%arg45 : memref<!tpu.dma_semaphore, #tpu.memory_space<semaphore_mem>>) src(%arg31 : memref<64x64xf32, #tpu.memory_space<vmem>>) dst(%dma_wait3A_274 : memref<64x64xf32, #tpu.memory_space<hbm>>)
    %dma_wait3A_275 = arith.constant 0 : i32
    %dma_wait3A_276 = arith.constant 192 : i32
    %dma_wait3A_277 = tpu.memref_slice %arg17[%dma_wait3A_275, %dma_wait3A_276] : memref<204800x704xf32, #tpu.memory_space<hbm>> -> memref<64x64xf32, #tpu.memory_space<hbm>>
    %dma_wait3A_278 = arith.constant 0 : i32
    %dma_wait3A_279 = arith.constant 192 : i32
    %dma_wait3A_280 = tpu.memref_slice %arg17[%dma_wait3A_278, %dma_wait3A_279] : memref<204800x704xf32, #tpu.memory_space<hbm>> -> memref<64x64xf32, #tpu.memory_space<hbm>>
    tpu.wait_dma2 semaphore(%arg45 : memref<!tpu.dma_semaphore, #tpu.memory_space<semaphore_mem>>) src(%arg32 : memref<64x64xf32, #tpu.memory_space<vmem>>) dst(%dma_wait3A_280 : memref<64x64xf32, #tpu.memory_space<hbm>>)
    %dma_wait3A_281 = arith.constant 0 : i32
    %dma_wait3A_282 = arith.constant 256 : i32
    %dma_wait3A_283 = tpu.memref_slice %arg17[%dma_wait3A_281, %dma_wait3A_282] : memref<204800x704xf32, #tpu.memory_space<hbm>> -> memref<64x64xf32, #tpu.memory_space<hbm>>
    %dma_wait3A_284 = arith.constant 0 : i32
    %dma_wait3A_285 = arith.constant 256 : i32
    %dma_wait3A_286 = tpu.memref_slice %arg17[%dma_wait3A_284, %dma_wait3A_285] : memref<204800x704xf32, #tpu.memory_space<hbm>> -> memref<64x64xf32, #tpu.memory_space<hbm>>
    tpu.wait_dma2 semaphore(%arg45 : memref<!tpu.dma_semaphore, #tpu.memory_space<semaphore_mem>>) src(%arg33 : memref<64x64xf32, #tpu.memory_space<vmem>>) dst(%dma_wait3A_286 : memref<64x64xf32, #tpu.memory_space<hbm>>)
    %dma_wait3A_287 = arith.constant 0 : i32
    %dma_wait3A_288 = arith.constant 320 : i32
    %dma_wait3A_289 = tpu.memref_slice %arg17[%dma_wait3A_287, %dma_wait3A_288] : memref<204800x704xf32, #tpu.memory_space<hbm>> -> memref<64x64xf32, #tpu.memory_space<hbm>>
    %dma_wait3A_290 = arith.constant 0 : i32
    %dma_wait3A_291 = arith.constant 320 : i32
    %dma_wait3A_292 = tpu.memref_slice %arg17[%dma_wait3A_290, %dma_wait3A_291] : memref<204800x704xf32, #tpu.memory_space<hbm>> -> memref<64x64xf32, #tpu.memory_space<hbm>>
    tpu.wait_dma2 semaphore(%arg45 : memref<!tpu.dma_semaphore, #tpu.memory_space<semaphore_mem>>) src(%arg34 : memref<64x64xf32, #tpu.memory_space<vmem>>) dst(%dma_wait3A_292 : memref<64x64xf32, #tpu.memory_space<hbm>>)
    %dma_wait3A_293 = arith.constant 0 : i32
    %dma_wait3A_294 = arith.constant 384 : i32
    %dma_wait3A_295 = tpu.memref_slice %arg17[%dma_wait3A_293, %dma_wait3A_294] : memref<204800x704xf32, #tpu.memory_space<hbm>> -> memref<64x320xf32, #tpu.memory_space<hbm>>
    %dma_wait3A_296 = arith.constant 0 : i32
    %dma_wait3A_297 = arith.constant 384 : i32
    %dma_wait3A_298 = tpu.memref_slice %arg17[%dma_wait3A_296, %dma_wait3A_297] : memref<204800x704xf32, #tpu.memory_space<hbm>> -> memref<64x320xf32, #tpu.memory_space<hbm>>
    tpu.wait_dma2 semaphore(%arg45 : memref<!tpu.dma_semaphore, #tpu.memory_space<semaphore_mem>>) src(%arg36 : memref<64x320xf32, #tpu.memory_space<vmem>>) dst(%dma_wait3A_298 : memref<64x320xf32, #tpu.memory_space<hbm>>)
    return
  }
}

module attributes {stable_mosaic.version = 14 : i64} {
  func.func @_prep_body(%arg0: memref<4x200x1024xf32, #tpu.memory_space<vmem>>, %arg1: memref<200x1024xf32, #tpu.memory_space<vmem>>, %arg2: memref<8x128xf32, #tpu.memory_space<vmem>>, %arg3: memref<6x64xf32, #tpu.memory_space<vmem>>, %arg4: memref<6x64xf32, #tpu.memory_space<vmem>>, %arg5: memref<6x64xf32, #tpu.memory_space<vmem>>, %arg6: memref<6x64xf32, #tpu.memory_space<vmem>>, %arg7: memref<6x64xf32, #tpu.memory_space<vmem>>, %arg8: memref<6x64xf32, #tpu.memory_space<vmem>>, %arg9: memref<200x1024xf32, #tpu.memory_space<vmem>>) attributes {dimension_semantics = [], scalar_prefetch = 0 : i64, scratch_operands = 0 : i64, tpu.core_type = #tpu.core_type<tc>} {
    %get3A = arith.constant 0 : index
    %get3A_0 = arith.constant 0 : index
    %get3A_1 = vector.load %arg1[%get3A, %get3A_0] : memref<200x1024xf32, #tpu.memory_space<vmem>>, vector<200x1024xf32>
    %slice3A = vector.extract_strided_slice %get3A_1 {offsets = [0, 0], sizes = [1, 1024], strides = [1, 1]} : vector<200x1024xf32> to vector<1x1024xf32>
    %slice3A_2 = vector.extract_strided_slice %get3A_1 {offsets = [0, 0], sizes = [199, 1024], strides = [1, 1]} : vector<200x1024xf32> to vector<199x1024xf32>
    %concatenate3A = tpu.concatenate %slice3A, %slice3A_2 in 0 : vector<1x1024xf32>, vector<199x1024xf32> -> vector<200x1024xf32>
    %sub3A = arith.subf %get3A_1, %concatenate3A : vector<200x1024xf32>
    %swap3A = arith.constant 0 : index
    %swap3A_3 = arith.constant 0 : index
    %swap3A_4 = vector.load %arg9[%swap3A, %swap3A_3] : memref<200x1024xf32, #tpu.memory_space<vmem>>, vector<200x1024xf32>
    tpu.vector_store %arg9[%swap3A, %swap3A_3], %sub3A {strides = array<i32>} : memref<200x1024xf32, #tpu.memory_space<vmem>>, vector<200x1024xf32>,
    %get3A_5 = arith.constant 0 : index
    %get3A_6 = arith.constant 0 : index
    %get3A_7 = arith.constant 0 : index
    %get3A_8 = vector.load %arg0[%get3A_5, %get3A_6, %get3A_7] : memref<4x200x1024xf32, #tpu.memory_space<vmem>>, vector<1x200x1024xf32>
    %get3A_9 = vector.shape_cast %get3A_8 : vector<1x200x1024xf32> to vector<200x1024xf32>
    %reduce_sum3A = vector.shape_cast %get3A_9 : vector<200x1024xf32> to vector<1x200x1024xf32>
    %reduce_sum3A_10 = arith.constant dense<0.000000e+00> : vector<1xf32>
    %reduce_sum3A_11 = vector.multi_reduction <add>, %reduce_sum3A, %reduce_sum3A_10 [1, 2] : vector<1x200x1024xf32> to vector<1xf32>
    %reduce_sum3A_12 = vector.shape_cast %reduce_sum3A_11 : vector<1xf32> to vector<1x1x1xf32>
    %reduce_sum3A_13 = vector.extract %reduce_sum3A_12[0, 0, 0] : f32 from vector<1x1x1xf32>
    %div3A = arith.constant 2.048000e+05 : f32
    %div3A_14 = arith.divf %reduce_sum3A_13, %div3A : f32
    %mul3A = arith.mulf %get3A_9, %get3A_9 : vector<200x1024xf32>
    %reduce_sum3A_15 = vector.shape_cast %mul3A : vector<200x1024xf32> to vector<1x200x1024xf32>
    %reduce_sum3A_16 = arith.constant dense<0.000000e+00> : vector<1xf32>
    %reduce_sum3A_17 = vector.multi_reduction <add>, %reduce_sum3A_15, %reduce_sum3A_16 [1, 2] : vector<1x200x1024xf32> to vector<1xf32>
    %reduce_sum3A_18 = vector.shape_cast %reduce_sum3A_17 : vector<1xf32> to vector<1x1x1xf32>
    %reduce_sum3A_19 = vector.extract %reduce_sum3A_18[0, 0, 0] : f32 from vector<1x1x1xf32>
    %div3A_20 = arith.constant 2.048000e+05 : f32
    %div3A_21 = arith.divf %reduce_sum3A_19, %div3A_20 : f32
    %mul3A_22 = arith.mulf %div3A_14, %div3A_14 : f32
    %sub3A_23 = arith.subf %div3A_21, %mul3A_22 : f32
    %add3A = arith.constant 9.99999974E-6 : f32
    %add3A_24 = arith.addf %sub3A_23, %add3A : f32
    %rsqrt3A = math.rsqrt %add3A_24 : f32
    %get3A_25 = arith.constant 0 : index
    %get3A_26 = arith.constant 0 : index
    %get3A_27 = vector.load %arg5[%get3A_25, %get3A_26] : memref<6x64xf32, #tpu.memory_space<vmem>>, vector<1x64xf32>
    %get3A_28 = vector.shape_cast %get3A_27 : vector<1x64xf32> to vector<64xf32>
    %mul3A_29 = vector.broadcast %rsqrt3A : f32 to vector<64xf32>
    %mul3A_30 = arith.mulf %get3A_28, %mul3A_29 : vector<64xf32>
    %get3A_31 = arith.constant 0 : index
    %get3A_32 = arith.constant 0 : index
    %get3A_33 = vector.load %arg3[%get3A_31, %get3A_32] : memref<6x64xf32, #tpu.memory_space<vmem>>, vector<1x64xf32>
    %get3A_34 = vector.shape_cast %get3A_33 : vector<1x64xf32> to vector<64xf32>
    %mul3A_35 = arith.mulf %get3A_34, %mul3A_30 : vector<64xf32>
    %swap3A_36 = arith.constant 0 : index
    %swap3A_37 = arith.constant 0 : index
    %swap3A_38 = vector.load %arg7[%swap3A_36, %swap3A_37] : memref<6x64xf32, #tpu.memory_space<vmem>>, vector<1x64xf32>
    %swap3A_39 = vector.shape_cast %swap3A_38 : vector<1x64xf32> to vector<64xf32>
    %swap3A_40 = vector.shape_cast %mul3A_35 : vector<64xf32> to vector<1x64xf32>
    tpu.vector_store %arg7[%swap3A_36, %swap3A_37], %swap3A_40 {strides = array<i32>} : memref<6x64xf32, #tpu.memory_space<vmem>>, vector<1x64xf32>,
    %get3A_41 = arith.constant 0 : index
    %get3A_42 = arith.constant 0 : index
    %get3A_43 = vector.load %arg6[%get3A_41, %get3A_42] : memref<6x64xf32, #tpu.memory_space<vmem>>, vector<1x64xf32>
    %get3A_44 = vector.shape_cast %get3A_43 : vector<1x64xf32> to vector<64xf32>
    %mul3A_45 = vector.broadcast %div3A_14 : f32 to vector<64xf32>
    %mul3A_46 = arith.mulf %mul3A_45, %mul3A_30 : vector<64xf32>
    %sub3A_47 = arith.subf %get3A_44, %mul3A_46 : vector<64xf32>
    %mul3A_48 = arith.mulf %sub3A_47, %get3A_34 : vector<64xf32>
    %get3A_49 = arith.constant 0 : index
    %get3A_50 = arith.constant 0 : index
    %get3A_51 = vector.load %arg4[%get3A_49, %get3A_50] : memref<6x64xf32, #tpu.memory_space<vmem>>, vector<1x64xf32>
    %get3A_52 = vector.shape_cast %get3A_51 : vector<1x64xf32> to vector<64xf32>
    %add3A_53 = arith.addf %mul3A_48, %get3A_52 : vector<64xf32>
    %swap3A_54 = arith.constant 0 : index
    %swap3A_55 = arith.constant 0 : index
    %swap3A_56 = vector.load %arg8[%swap3A_54, %swap3A_55] : memref<6x64xf32, #tpu.memory_space<vmem>>, vector<1x64xf32>
    %swap3A_57 = vector.shape_cast %swap3A_56 : vector<1x64xf32> to vector<64xf32>
    %swap3A_58 = vector.shape_cast %add3A_53 : vector<64xf32> to vector<1x64xf32>
    tpu.vector_store %arg8[%swap3A_54, %swap3A_55], %swap3A_58 {strides = array<i32>} : memref<6x64xf32, #tpu.memory_space<vmem>>, vector<1x64xf32>,
    %get3A_59 = arith.constant 1 : index
    %get3A_60 = arith.constant 0 : index
    %get3A_61 = arith.constant 0 : index
    %get3A_62 = vector.load %arg0[%get3A_59, %get3A_60, %get3A_61] : memref<4x200x1024xf32, #tpu.memory_space<vmem>>, vector<1x200x1024xf32>
    %get3A_63 = vector.shape_cast %get3A_62 : vector<1x200x1024xf32> to vector<200x1024xf32>
    %reduce_sum3A_64 = vector.shape_cast %get3A_63 : vector<200x1024xf32> to vector<1x200x1024xf32>
    %reduce_sum3A_65 = arith.constant dense<0.000000e+00> : vector<1xf32>
    %reduce_sum3A_66 = vector.multi_reduction <add>, %reduce_sum3A_64, %reduce_sum3A_65 [1, 2] : vector<1x200x1024xf32> to vector<1xf32>
    %reduce_sum3A_67 = vector.shape_cast %reduce_sum3A_66 : vector<1xf32> to vector<1x1x1xf32>
    %reduce_sum3A_68 = vector.extract %reduce_sum3A_67[0, 0, 0] : f32 from vector<1x1x1xf32>
    %div3A_69 = arith.constant 2.048000e+05 : f32
    %div3A_70 = arith.divf %reduce_sum3A_68, %div3A_69 : f32
    %mul3A_71 = arith.mulf %get3A_63, %get3A_63 : vector<200x1024xf32>
    %reduce_sum3A_72 = vector.shape_cast %mul3A_71 : vector<200x1024xf32> to vector<1x200x1024xf32>
    %reduce_sum3A_73 = arith.constant dense<0.000000e+00> : vector<1xf32>
    %reduce_sum3A_74 = vector.multi_reduction <add>, %reduce_sum3A_72, %reduce_sum3A_73 [1, 2] : vector<1x200x1024xf32> to vector<1xf32>
    %reduce_sum3A_75 = vector.shape_cast %reduce_sum3A_74 : vector<1xf32> to vector<1x1x1xf32>
    %reduce_sum3A_76 = vector.extract %reduce_sum3A_75[0, 0, 0] : f32 from vector<1x1x1xf32>
    %div3A_77 = arith.constant 2.048000e+05 : f32
    %div3A_78 = arith.divf %reduce_sum3A_76, %div3A_77 : f32
    %mul3A_79 = arith.mulf %div3A_70, %div3A_70 : f32
    %sub3A_80 = arith.subf %div3A_78, %mul3A_79 : f32
    %add3A_81 = arith.constant 9.99999974E-6 : f32
    %add3A_82 = arith.addf %sub3A_80, %add3A_81 : f32
    %rsqrt3A_83 = math.rsqrt %add3A_82 : f32
    %get3A_84 = arith.constant 1 : index
    %get3A_85 = arith.constant 0 : index
    %get3A_86 = vector.load %arg5[%get3A_84, %get3A_85] : memref<6x64xf32, #tpu.memory_space<vmem>>, vector<1x64xf32>
    %get3A_87 = vector.shape_cast %get3A_86 : vector<1x64xf32> to vector<64xf32>
    %mul3A_88 = vector.broadcast %rsqrt3A_83 : f32 to vector<64xf32>
    %mul3A_89 = arith.mulf %get3A_87, %mul3A_88 : vector<64xf32>
    %get3A_90 = arith.constant 1 : index
    %get3A_91 = arith.constant 0 : index
    %get3A_92 = vector.load %arg3[%get3A_90, %get3A_91] : memref<6x64xf32, #tpu.memory_space<vmem>>, vector<1x64xf32>
    %get3A_93 = vector.shape_cast %get3A_92 : vector<1x64xf32> to vector<64xf32>
    %mul3A_94 = arith.mulf %get3A_93, %mul3A_89 : vector<64xf32>
    %swap3A_95 = arith.constant 1 : index
    %swap3A_96 = arith.constant 0 : index
    %swap3A_97 = vector.load %arg7[%swap3A_95, %swap3A_96] : memref<6x64xf32, #tpu.memory_space<vmem>>, vector<1x64xf32>
    %swap3A_98 = vector.shape_cast %swap3A_97 : vector<1x64xf32> to vector<64xf32>
    %swap3A_99 = vector.shape_cast %mul3A_94 : vector<64xf32> to vector<1x64xf32>
    tpu.vector_store %arg7[%swap3A_95, %swap3A_96], %swap3A_99 {strides = array<i32>} : memref<6x64xf32, #tpu.memory_space<vmem>>, vector<1x64xf32>,
    %get3A_100 = arith.constant 1 : index
    %get3A_101 = arith.constant 0 : index
    %get3A_102 = vector.load %arg6[%get3A_100, %get3A_101] : memref<6x64xf32, #tpu.memory_space<vmem>>, vector<1x64xf32>
    %get3A_103 = vector.shape_cast %get3A_102 : vector<1x64xf32> to vector<64xf32>
    %mul3A_104 = vector.broadcast %div3A_70 : f32 to vector<64xf32>
    %mul3A_105 = arith.mulf %mul3A_104, %mul3A_89 : vector<64xf32>
    %sub3A_106 = arith.subf %get3A_103, %mul3A_105 : vector<64xf32>
    %mul3A_107 = arith.mulf %sub3A_106, %get3A_93 : vector<64xf32>
    %get3A_108 = arith.constant 1 : index
    %get3A_109 = arith.constant 0 : index
    %get3A_110 = vector.load %arg4[%get3A_108, %get3A_109] : memref<6x64xf32, #tpu.memory_space<vmem>>, vector<1x64xf32>
    %get3A_111 = vector.shape_cast %get3A_110 : vector<1x64xf32> to vector<64xf32>
    %add3A_112 = arith.addf %mul3A_107, %get3A_111 : vector<64xf32>
    %swap3A_113 = arith.constant 1 : index
    %swap3A_114 = arith.constant 0 : index
    %swap3A_115 = vector.load %arg8[%swap3A_113, %swap3A_114] : memref<6x64xf32, #tpu.memory_space<vmem>>, vector<1x64xf32>
    %swap3A_116 = vector.shape_cast %swap3A_115 : vector<1x64xf32> to vector<64xf32>
    %swap3A_117 = vector.shape_cast %add3A_112 : vector<64xf32> to vector<1x64xf32>
    tpu.vector_store %arg8[%swap3A_113, %swap3A_114], %swap3A_117 {strides = array<i32>} : memref<6x64xf32, #tpu.memory_space<vmem>>, vector<1x64xf32>,
    %get3A_118 = arith.constant 2 : index
    %get3A_119 = arith.constant 0 : index
    %get3A_120 = arith.constant 0 : index
    %get3A_121 = vector.load %arg0[%get3A_118, %get3A_119, %get3A_120] : memref<4x200x1024xf32, #tpu.memory_space<vmem>>, vector<1x200x1024xf32>
    %get3A_122 = vector.shape_cast %get3A_121 : vector<1x200x1024xf32> to vector<200x1024xf32>
    %reduce_sum3A_123 = vector.shape_cast %get3A_122 : vector<200x1024xf32> to vector<1x200x1024xf32>
    %reduce_sum3A_124 = arith.constant dense<0.000000e+00> : vector<1xf32>
    %reduce_sum3A_125 = vector.multi_reduction <add>, %reduce_sum3A_123, %reduce_sum3A_124 [1, 2] : vector<1x200x1024xf32> to vector<1xf32>
    %reduce_sum3A_126 = vector.shape_cast %reduce_sum3A_125 : vector<1xf32> to vector<1x1x1xf32>
    %reduce_sum3A_127 = vector.extract %reduce_sum3A_126[0, 0, 0] : f32 from vector<1x1x1xf32>
    %div3A_128 = arith.constant 2.048000e+05 : f32
    %div3A_129 = arith.divf %reduce_sum3A_127, %div3A_128 : f32
    %mul3A_130 = arith.mulf %get3A_122, %get3A_122 : vector<200x1024xf32>
    %reduce_sum3A_131 = vector.shape_cast %mul3A_130 : vector<200x1024xf32> to vector<1x200x1024xf32>
    %reduce_sum3A_132 = arith.constant dense<0.000000e+00> : vector<1xf32>
    %reduce_sum3A_133 = vector.multi_reduction <add>, %reduce_sum3A_131, %reduce_sum3A_132 [1, 2] : vector<1x200x1024xf32> to vector<1xf32>
    %reduce_sum3A_134 = vector.shape_cast %reduce_sum3A_133 : vector<1xf32> to vector<1x1x1xf32>
    %reduce_sum3A_135 = vector.extract %reduce_sum3A_134[0, 0, 0] : f32 from vector<1x1x1xf32>
    %div3A_136 = arith.constant 2.048000e+05 : f32
    %div3A_137 = arith.divf %reduce_sum3A_135, %div3A_136 : f32
    %mul3A_138 = arith.mulf %div3A_129, %div3A_129 : f32
    %sub3A_139 = arith.subf %div3A_137, %mul3A_138 : f32
    %add3A_140 = arith.constant 9.99999974E-6 : f32
    %add3A_141 = arith.addf %sub3A_139, %add3A_140 : f32
    %rsqrt3A_142 = math.rsqrt %add3A_141 : f32
    %get3A_143 = arith.constant 2 : index
    %get3A_144 = arith.constant 0 : index
    %get3A_145 = vector.load %arg5[%get3A_143, %get3A_144] : memref<6x64xf32, #tpu.memory_space<vmem>>, vector<1x64xf32>
    %get3A_146 = vector.shape_cast %get3A_145 : vector<1x64xf32> to vector<64xf32>
    %mul3A_147 = vector.broadcast %rsqrt3A_142 : f32 to vector<64xf32>
    %mul3A_148 = arith.mulf %get3A_146, %mul3A_147 : vector<64xf32>
    %get3A_149 = arith.constant 2 : index
    %get3A_150 = arith.constant 0 : index
    %get3A_151 = vector.load %arg3[%get3A_149, %get3A_150] : memref<6x64xf32, #tpu.memory_space<vmem>>, vector<1x64xf32>
    %get3A_152 = vector.shape_cast %get3A_151 : vector<1x64xf32> to vector<64xf32>
    %mul3A_153 = arith.mulf %get3A_152, %mul3A_148 : vector<64xf32>
    %swap3A_154 = arith.constant 2 : index
    %swap3A_155 = arith.constant 0 : index
    %swap3A_156 = vector.load %arg7[%swap3A_154, %swap3A_155] : memref<6x64xf32, #tpu.memory_space<vmem>>, vector<1x64xf32>
    %swap3A_157 = vector.shape_cast %swap3A_156 : vector<1x64xf32> to vector<64xf32>
    %swap3A_158 = vector.shape_cast %mul3A_153 : vector<64xf32> to vector<1x64xf32>
    tpu.vector_store %arg7[%swap3A_154, %swap3A_155], %swap3A_158 {strides = array<i32>} : memref<6x64xf32, #tpu.memory_space<vmem>>, vector<1x64xf32>,
    %get3A_159 = arith.constant 2 : index
    %get3A_160 = arith.constant 0 : index
    %get3A_161 = vector.load %arg6[%get3A_159, %get3A_160] : memref<6x64xf32, #tpu.memory_space<vmem>>, vector<1x64xf32>
    %get3A_162 = vector.shape_cast %get3A_161 : vector<1x64xf32> to vector<64xf32>
    %mul3A_163 = vector.broadcast %div3A_129 : f32 to vector<64xf32>
    %mul3A_164 = arith.mulf %mul3A_163, %mul3A_148 : vector<64xf32>
    %sub3A_165 = arith.subf %get3A_162, %mul3A_164 : vector<64xf32>
    %mul3A_166 = arith.mulf %sub3A_165, %get3A_152 : vector<64xf32>
    %get3A_167 = arith.constant 2 : index
    %get3A_168 = arith.constant 0 : index
    %get3A_169 = vector.load %arg4[%get3A_167, %get3A_168] : memref<6x64xf32, #tpu.memory_space<vmem>>, vector<1x64xf32>
    %get3A_170 = vector.shape_cast %get3A_169 : vector<1x64xf32> to vector<64xf32>
    %add3A_171 = arith.addf %mul3A_166, %get3A_170 : vector<64xf32>
    %swap3A_172 = arith.constant 2 : index
    %swap3A_173 = arith.constant 0 : index
    %swap3A_174 = vector.load %arg8[%swap3A_172, %swap3A_173] : memref<6x64xf32, #tpu.memory_space<vmem>>, vector<1x64xf32>
    %swap3A_175 = vector.shape_cast %swap3A_174 : vector<1x64xf32> to vector<64xf32>
    %swap3A_176 = vector.shape_cast %add3A_171 : vector<64xf32> to vector<1x64xf32>
    tpu.vector_store %arg8[%swap3A_172, %swap3A_173], %swap3A_176 {strides = array<i32>} : memref<6x64xf32, #tpu.memory_space<vmem>>, vector<1x64xf32>,
    %get3A_177 = arith.constant 3 : index
    %get3A_178 = arith.constant 0 : index
    %get3A_179 = arith.constant 0 : index
    %get3A_180 = vector.load %arg0[%get3A_177, %get3A_178, %get3A_179] : memref<4x200x1024xf32, #tpu.memory_space<vmem>>, vector<1x200x1024xf32>
    %get3A_181 = vector.shape_cast %get3A_180 : vector<1x200x1024xf32> to vector<200x1024xf32>
    %reduce_sum3A_182 = vector.shape_cast %get3A_181 : vector<200x1024xf32> to vector<1x200x1024xf32>
    %reduce_sum3A_183 = arith.constant dense<0.000000e+00> : vector<1xf32>
    %reduce_sum3A_184 = vector.multi_reduction <add>, %reduce_sum3A_182, %reduce_sum3A_183 [1, 2] : vector<1x200x1024xf32> to vector<1xf32>
    %reduce_sum3A_185 = vector.shape_cast %reduce_sum3A_184 : vector<1xf32> to vector<1x1x1xf32>
    %reduce_sum3A_186 = vector.extract %reduce_sum3A_185[0, 0, 0] : f32 from vector<1x1x1xf32>
    %div3A_187 = arith.constant 2.048000e+05 : f32
    %div3A_188 = arith.divf %reduce_sum3A_186, %div3A_187 : f32
    %mul3A_189 = arith.mulf %get3A_181, %get3A_181 : vector<200x1024xf32>
    %reduce_sum3A_190 = vector.shape_cast %mul3A_189 : vector<200x1024xf32> to vector<1x200x1024xf32>
    %reduce_sum3A_191 = arith.constant dense<0.000000e+00> : vector<1xf32>
    %reduce_sum3A_192 = vector.multi_reduction <add>, %reduce_sum3A_190, %reduce_sum3A_191 [1, 2] : vector<1x200x1024xf32> to vector<1xf32>
    %reduce_sum3A_193 = vector.shape_cast %reduce_sum3A_192 : vector<1xf32> to vector<1x1x1xf32>
    %reduce_sum3A_194 = vector.extract %reduce_sum3A_193[0, 0, 0] : f32 from vector<1x1x1xf32>
    %div3A_195 = arith.constant 2.048000e+05 : f32
    %div3A_196 = arith.divf %reduce_sum3A_194, %div3A_195 : f32
    %mul3A_197 = arith.mulf %div3A_188, %div3A_188 : f32
    %sub3A_198 = arith.subf %div3A_196, %mul3A_197 : f32
    %add3A_199 = arith.constant 9.99999974E-6 : f32
    %add3A_200 = arith.addf %sub3A_198, %add3A_199 : f32
    %rsqrt3A_201 = math.rsqrt %add3A_200 : f32
    %get3A_202 = arith.constant 3 : index
    %get3A_203 = arith.constant 0 : index
    %get3A_204 = vector.load %arg5[%get3A_202, %get3A_203] : memref<6x64xf32, #tpu.memory_space<vmem>>, vector<1x64xf32>
    %get3A_205 = vector.shape_cast %get3A_204 : vector<1x64xf32> to vector<64xf32>
    %mul3A_206 = vector.broadcast %rsqrt3A_201 : f32 to vector<64xf32>
    %mul3A_207 = arith.mulf %get3A_205, %mul3A_206 : vector<64xf32>
    %get3A_208 = arith.constant 3 : index
    %get3A_209 = arith.constant 0 : index
    %get3A_210 = vector.load %arg3[%get3A_208, %get3A_209] : memref<6x64xf32, #tpu.memory_space<vmem>>, vector<1x64xf32>
    %get3A_211 = vector.shape_cast %get3A_210 : vector<1x64xf32> to vector<64xf32>
    %mul3A_212 = arith.mulf %get3A_211, %mul3A_207 : vector<64xf32>
    %swap3A_213 = arith.constant 3 : index
    %swap3A_214 = arith.constant 0 : index
    %swap3A_215 = vector.load %arg7[%swap3A_213, %swap3A_214] : memref<6x64xf32, #tpu.memory_space<vmem>>, vector<1x64xf32>
    %swap3A_216 = vector.shape_cast %swap3A_215 : vector<1x64xf32> to vector<64xf32>
    %swap3A_217 = vector.shape_cast %mul3A_212 : vector<64xf32> to vector<1x64xf32>
    tpu.vector_store %arg7[%swap3A_213, %swap3A_214], %swap3A_217 {strides = array<i32>} : memref<6x64xf32, #tpu.memory_space<vmem>>, vector<1x64xf32>,
    %get3A_218 = arith.constant 3 : index
    %get3A_219 = arith.constant 0 : index
    %get3A_220 = vector.load %arg6[%get3A_218, %get3A_219] : memref<6x64xf32, #tpu.memory_space<vmem>>, vector<1x64xf32>
    %get3A_221 = vector.shape_cast %get3A_220 : vector<1x64xf32> to vector<64xf32>
    %mul3A_222 = vector.broadcast %div3A_188 : f32 to vector<64xf32>
    %mul3A_223 = arith.mulf %mul3A_222, %mul3A_207 : vector<64xf32>
    %sub3A_224 = arith.subf %get3A_221, %mul3A_223 : vector<64xf32>
    %mul3A_225 = arith.mulf %sub3A_224, %get3A_211 : vector<64xf32>
    %get3A_226 = arith.constant 3 : index
    %get3A_227 = arith.constant 0 : index
    %get3A_228 = vector.load %arg4[%get3A_226, %get3A_227] : memref<6x64xf32, #tpu.memory_space<vmem>>, vector<1x64xf32>
    %get3A_229 = vector.shape_cast %get3A_228 : vector<1x64xf32> to vector<64xf32>
    %add3A_230 = arith.addf %mul3A_225, %get3A_229 : vector<64xf32>
    %swap3A_231 = arith.constant 3 : index
    %swap3A_232 = arith.constant 0 : index
    %swap3A_233 = vector.load %arg8[%swap3A_231, %swap3A_232] : memref<6x64xf32, #tpu.memory_space<vmem>>, vector<1x64xf32>
    %swap3A_234 = vector.shape_cast %swap3A_233 : vector<1x64xf32> to vector<64xf32>
    %swap3A_235 = vector.shape_cast %add3A_230 : vector<64xf32> to vector<1x64xf32>
    tpu.vector_store %arg8[%swap3A_231, %swap3A_232], %swap3A_235 {strides = array<i32>} : memref<6x64xf32, #tpu.memory_space<vmem>>, vector<1x64xf32>,
    %reduce_sum3A_236 = vector.shape_cast %sub3A : vector<200x1024xf32> to vector<1x200x1024xf32>
    %reduce_sum3A_237 = arith.constant dense<0.000000e+00> : vector<1xf32>
    %reduce_sum3A_238 = vector.multi_reduction <add>, %reduce_sum3A_236, %reduce_sum3A_237 [1, 2] : vector<1x200x1024xf32> to vector<1xf32>
    %reduce_sum3A_239 = vector.shape_cast %reduce_sum3A_238 : vector<1xf32> to vector<1x1x1xf32>
    %reduce_sum3A_240 = vector.extract %reduce_sum3A_239[0, 0, 0] : f32 from vector<1x1x1xf32>
    %div3A_241 = arith.constant 2.048000e+05 : f32
    %div3A_242 = arith.divf %reduce_sum3A_240, %div3A_241 : f32
    %mul3A_243 = arith.mulf %sub3A, %sub3A : vector<200x1024xf32>
    %reduce_sum3A_244 = vector.shape_cast %mul3A_243 : vector<200x1024xf32> to vector<1x200x1024xf32>
    %reduce_sum3A_245 = arith.constant dense<0.000000e+00> : vector<1xf32>
    %reduce_sum3A_246 = vector.multi_reduction <add>, %reduce_sum3A_244, %reduce_sum3A_245 [1, 2] : vector<1x200x1024xf32> to vector<1xf32>
    %reduce_sum3A_247 = vector.shape_cast %reduce_sum3A_246 : vector<1xf32> to vector<1x1x1xf32>
    %reduce_sum3A_248 = vector.extract %reduce_sum3A_247[0, 0, 0] : f32 from vector<1x1x1xf32>
    %div3A_249 = arith.constant 2.048000e+05 : f32
    %div3A_250 = arith.divf %reduce_sum3A_248, %div3A_249 : f32
    %mul3A_251 = arith.mulf %div3A_242, %div3A_242 : f32
    %sub3A_252 = arith.subf %div3A_250, %mul3A_251 : f32
    %add3A_253 = arith.constant 9.99999974E-6 : f32
    %add3A_254 = arith.addf %sub3A_252, %add3A_253 : f32
    %rsqrt3A_255 = math.rsqrt %add3A_254 : f32
    %get3A_256 = arith.constant 4 : index
    %get3A_257 = arith.constant 0 : index
    %get3A_258 = vector.load %arg5[%get3A_256, %get3A_257] : memref<6x64xf32, #tpu.memory_space<vmem>>, vector<1x64xf32>
    %get3A_259 = vector.shape_cast %get3A_258 : vector<1x64xf32> to vector<64xf32>
    %mul3A_260 = vector.broadcast %rsqrt3A_255 : f32 to vector<64xf32>
    %mul3A_261 = arith.mulf %get3A_259, %mul3A_260 : vector<64xf32>
    %get3A_262 = arith.constant 4 : index
    %get3A_263 = arith.constant 0 : index
    %get3A_264 = vector.load %arg3[%get3A_262, %get3A_263] : memref<6x64xf32, #tpu.memory_space<vmem>>, vector<1x64xf32>
    %get3A_265 = vector.shape_cast %get3A_264 : vector<1x64xf32> to vector<64xf32>
    %mul3A_266 = arith.mulf %get3A_265, %mul3A_261 : vector<64xf32>
    %swap3A_267 = arith.constant 4 : index
    %swap3A_268 = arith.constant 0 : index
    %swap3A_269 = vector.load %arg7[%swap3A_267, %swap3A_268] : memref<6x64xf32, #tpu.memory_space<vmem>>, vector<1x64xf32>
    %swap3A_270 = vector.shape_cast %swap3A_269 : vector<1x64xf32> to vector<64xf32>
    %swap3A_271 = vector.shape_cast %mul3A_266 : vector<64xf32> to vector<1x64xf32>
    tpu.vector_store %arg7[%swap3A_267, %swap3A_268], %swap3A_271 {strides = array<i32>} : memref<6x64xf32, #tpu.memory_space<vmem>>, vector<1x64xf32>,
    %get3A_272 = arith.constant 4 : index
    %get3A_273 = arith.constant 0 : index
    %get3A_274 = vector.load %arg6[%get3A_272, %get3A_273] : memref<6x64xf32, #tpu.memory_space<vmem>>, vector<1x64xf32>
    %get3A_275 = vector.shape_cast %get3A_274 : vector<1x64xf32> to vector<64xf32>
    %mul3A_276 = vector.broadcast %div3A_242 : f32 to vector<64xf32>
    %mul3A_277 = arith.mulf %mul3A_276, %mul3A_261 : vector<64xf32>
    %sub3A_278 = arith.subf %get3A_275, %mul3A_277 : vector<64xf32>
    %mul3A_279 = arith.mulf %sub3A_278, %get3A_265 : vector<64xf32>
    %get3A_280 = arith.constant 4 : index
    %get3A_281 = arith.constant 0 : index
    %get3A_282 = vector.load %arg4[%get3A_280, %get3A_281] : memref<6x64xf32, #tpu.memory_space<vmem>>, vector<1x64xf32>
    %get3A_283 = vector.shape_cast %get3A_282 : vector<1x64xf32> to vector<64xf32>
    %add3A_284 = arith.addf %mul3A_279, %get3A_283 : vector<64xf32>
    %swap3A_285 = arith.constant 4 : index
    %swap3A_286 = arith.constant 0 : index
    %swap3A_287 = vector.load %arg8[%swap3A_285, %swap3A_286] : memref<6x64xf32, #tpu.memory_space<vmem>>, vector<1x64xf32>
    %swap3A_288 = vector.shape_cast %swap3A_287 : vector<1x64xf32> to vector<64xf32>
    %swap3A_289 = vector.shape_cast %add3A_284 : vector<64xf32> to vector<1x64xf32>
    tpu.vector_store %arg8[%swap3A_285, %swap3A_286], %swap3A_289 {strides = array<i32>} : memref<6x64xf32, #tpu.memory_space<vmem>>, vector<1x64xf32>,
    %get3A_290 = arith.constant 0 : index
    %get3A_291 = arith.constant 0 : index
    %get3A_292 = vector.load %arg2[%get3A_290, %get3A_291] : memref<8x128xf32, #tpu.memory_space<vmem>>, vector<8x128xf32>
    %reduce_sum3A_293 = vector.shape_cast %get3A_292 : vector<8x128xf32> to vector<1x8x128xf32>
    %reduce_sum3A_294 = arith.constant dense<0.000000e+00> : vector<1xf32>
    %reduce_sum3A_295 = vector.multi_reduction <add>, %reduce_sum3A_293, %reduce_sum3A_294 [1, 2] : vector<1x8x128xf32> to vector<1xf32>
    %reduce_sum3A_296 = vector.shape_cast %reduce_sum3A_295 : vector<1xf32> to vector<1x1x1xf32>
    %reduce_sum3A_297 = vector.extract %reduce_sum3A_296[0, 0, 0] : f32 from vector<1x1x1xf32>
    %div3A_298 = arith.constant 1.024000e+03 : f32
    %div3A_299 = arith.divf %reduce_sum3A_297, %div3A_298 : f32
    %mul3A_300 = arith.mulf %get3A_292, %get3A_292 : vector<8x128xf32>
    %reduce_sum3A_301 = vector.shape_cast %mul3A_300 : vector<8x128xf32> to vector<1x8x128xf32>
    %reduce_sum3A_302 = arith.constant dense<0.000000e+00> : vector<1xf32>
    %reduce_sum3A_303 = vector.multi_reduction <add>, %reduce_sum3A_301, %reduce_sum3A_302 [1, 2] : vector<1x8x128xf32> to vector<1xf32>
    %reduce_sum3A_304 = vector.shape_cast %reduce_sum3A_303 : vector<1xf32> to vector<1x1x1xf32>
    %reduce_sum3A_305 = vector.extract %reduce_sum3A_304[0, 0, 0] : f32 from vector<1x1x1xf32>
    %div3A_306 = arith.constant 1.024000e+03 : f32
    %div3A_307 = arith.divf %reduce_sum3A_305, %div3A_306 : f32
    %mul3A_308 = arith.mulf %div3A_299, %div3A_299 : f32
    %sub3A_309 = arith.subf %div3A_307, %mul3A_308 : f32
    %add3A_310 = arith.constant 9.99999974E-6 : f32
    %add3A_311 = arith.addf %sub3A_309, %add3A_310 : f32
    %rsqrt3A_312 = math.rsqrt %add3A_311 : f32
    %get3A_313 = arith.constant 5 : index
    %get3A_314 = arith.constant 0 : index
    %get3A_315 = vector.load %arg5[%get3A_313, %get3A_314] : memref<6x64xf32, #tpu.memory_space<vmem>>, vector<1x64xf32>
    %get3A_316 = vector.shape_cast %get3A_315 : vector<1x64xf32> to vector<64xf32>
    %mul3A_317 = vector.broadcast %rsqrt3A_312 : f32 to vector<64xf32>
    %mul3A_318 = arith.mulf %get3A_316, %mul3A_317 : vector<64xf32>
    %get3A_319 = arith.constant 5 : index
    %get3A_320 = arith.constant 0 : index
    %get3A_321 = vector.load %arg3[%get3A_319, %get3A_320] : memref<6x64xf32, #tpu.memory_space<vmem>>, vector<1x64xf32>
    %get3A_322 = vector.shape_cast %get3A_321 : vector<1x64xf32> to vector<64xf32>
    %mul3A_323 = arith.mulf %get3A_322, %mul3A_318 : vector<64xf32>
    %swap3A_324 = arith.constant 5 : index
    %swap3A_325 = arith.constant 0 : index
    %swap3A_326 = vector.load %arg7[%swap3A_324, %swap3A_325] : memref<6x64xf32, #tpu.memory_space<vmem>>, vector<1x64xf32>
    %swap3A_327 = vector.shape_cast %swap3A_326 : vector<1x64xf32> to vector<64xf32>
    %swap3A_328 = vector.shape_cast %mul3A_323 : vector<64xf32> to vector<1x64xf32>
    tpu.vector_store %arg7[%swap3A_324, %swap3A_325], %swap3A_328 {strides = array<i32>} : memref<6x64xf32, #tpu.memory_space<vmem>>, vector<1x64xf32>,
    %get3A_329 = arith.constant 5 : index
    %get3A_330 = arith.constant 0 : index
    %get3A_331 = vector.load %arg6[%get3A_329, %get3A_330] : memref<6x64xf32, #tpu.memory_space<vmem>>, vector<1x64xf32>
    %get3A_332 = vector.shape_cast %get3A_331 : vector<1x64xf32> to vector<64xf32>
    %mul3A_333 = vector.broadcast %div3A_299 : f32 to vector<64xf32>
    %mul3A_334 = arith.mulf %mul3A_333, %mul3A_318 : vector<64xf32>
    %sub3A_335 = arith.subf %get3A_332, %mul3A_334 : vector<64xf32>
    %mul3A_336 = arith.mulf %sub3A_335, %get3A_322 : vector<64xf32>
    %get3A_337 = arith.constant 5 : index
    %get3A_338 = arith.constant 0 : index
    %get3A_339 = vector.load %arg4[%get3A_337, %get3A_338] : memref<6x64xf32, #tpu.memory_space<vmem>>, vector<1x64xf32>
    %get3A_340 = vector.shape_cast %get3A_339 : vector<1x64xf32> to vector<64xf32>
    %add3A_341 = arith.addf %mul3A_336, %get3A_340 : vector<64xf32>
    %swap3A_342 = arith.constant 5 : index
    %swap3A_343 = arith.constant 0 : index
    %swap3A_344 = vector.load %arg8[%swap3A_342, %swap3A_343] : memref<6x64xf32, #tpu.memory_space<vmem>>, vector<1x64xf32>
    %swap3A_345 = vector.shape_cast %swap3A_344 : vector<1x64xf32> to vector<64xf32>
    %swap3A_346 = vector.shape_cast %add3A_341 : vector<64xf32> to vector<1x64xf32>
    tpu.vector_store %arg8[%swap3A_342, %swap3A_343], %swap3A_346 {strides = array<i32>} : memref<6x64xf32, #tpu.memory_space<vmem>>, vector<1x64xf32>,
    return
  }
}

</mosaic_0001>

<sc_bundles>
// kernel: kernel.4.cloned.1.call-start
scs
__scs_entry_jumppad:
0x0: {  	(pc) =	sbr.rel $0x88, $3  }
0x1: {  	(tag) =	ssettag $0x0;
	lr =	simm.s32 $0x1  }
0x2: {  	[smem:$0x3F73] =	sst lr;
	_ =	strace $0xD0000000  }
0x3: {  	_ = 	snop  }
0x4: {  	_ = 	snop  }
0x5: {  	_ = 	snop  }
0x6: {  	_ = 	snop  }
0x7: {  	_ = 	snop  }
__scs_overlays_trampoline_lowered:
0x8: {  	[smem:$0x3F82] =	sst s0  }
0x9: {  	[smem:$0x3F83] =	sst s1  }
0xa: {  	[smem:$0x3F84] =	sst s2  }
0xb: {  	[smem:$0x3F85] =	sst s3  }
0xc: {  	[smem:$0x3F86] =	sst s4  }
0xd: {  	[smem:$0x3F87] =	sst s5  }
0xe: {  	[smem:$0x3F88] =	sst s6  }
0xf: {  	[smem:$0x3F89] =	sst s7  }
0x10: {  	[smem:$0x3F8A] =	sst s8  }
0x11: {  	[smem:$0x3F8B] =	sst s9;
	s0 =	simm.s32 @!p0 $0x0  }
0x12: {  	s1 =	sld [smem:$0x3F71];
	s0 =	simm.s32 @p0 $0x1  }
0x13: {  	[smem:$0x3F8C] =	sst s0;
	s0 =	simm.s32 @!p1 $0x0  }
0x14: {  	s2 =	sld [smem:$0x3F70];
	s0 =	simm.s32 @p1 $0x1  }
0x15: {  	[smem:$0x3F8D] =	sst s0;
	s0 =	simm.s32 @!p2 $0x0  }
0x16: {  	s3 =	sld [smem:$0x3FDB];
	s0 =	simm.s32 @p2 $0x1  }
0x17: {  	s4 =	simm.s32 $0x1BF5;
	[smem:$0x3F8F] =	sst s0  }
0x18: {  	s0 =	sld [smem:$0x3F72];
	_ =	swait.ge [sflag:s4], $0x0  }
0x19: {  	s7 =	sld [smem:$0x3F73]  }
0x1a: {  	s8 =	sadd.s32 $0xFFFFE003, lr  }
0x1b: {  	s9 =	sadd.s32 $0xFFFFFEF7, lr;
	s5 =	simm.s32 $0xFFFFFFFF;
	p2 =	slt.u32 s8, $0xFFFFF086  }
0x1c: {  	p1 =	slt.u32 s9, $0xF7A;
	s5 =	simm.s32 @!p2 $0x0  }
0x1d: {  	s5 =	simm.s32 @p1 $0x1;
	p0 =	seq.s32 s7, s2  }
0x1e: {  	s7 =	smul.u32 @!p0 $0xF7A, s2;
	p2 =	seq.s32 @!p0 s5, $0x0  }
0x1f: {  	s9 =	smul.u32 $0xF7A, s1;
	s8 =	simm.s32 @!p0 $0x1BF5;
	p2 =	por !p2, p0  }
0x20: {  	[sflag:s8] =	ssyncset.s32 @!p0 $0xFFFFF086;
	s6 =	sadd.s32 @!p0 s3, s7;
	s7 =	simm.s32 @!p0 $0x108  }
0x21: {  	s3 =	sadd.s32 s3, s9;
	s6 =	sadd.s32 @!p0 $0x88, s6;
	s7 =	simm.s32 @p2 $0x1082  }
0x22: {  	[simem:s7], [sflag:s8] =	dma.local @!p0 [hbm:s6], $0xF7A  }
0x23: {  	s9 =	sor.u32 $0xD0000000, s2;
	s6 =	simm.s32 $0x108;
	_ =	swait.ge @!p0 [sflag:s8], $0x0  }
0x24: {  	s3 =	sadd.s32 $0x88, s3;
	s6 =	simm.s32 @!p1 $0x1082;
	[sflag:s4] =	ssyncset.s32 $0xFFFFF086  }
0x25: {  	[simem:s6], [sflag:s4] =	dma.local [hbm:s3], $0xF7A  }
0x26: {  	[smem:$0x3F73] =	sst s1;
	(tag) =	ssettag s2;
	_ =	strace s9  }
0x27: {  	s1 =	sld [smem:$0x3F83]  }
0x28: {  	s2 =	sld [smem:$0x3F84]  }
0x29: {  	s4 =	sld [smem:$0x3F86]  }
0x2a: {  	p0 =	seq.s32 s5, $0x0;
	s5 =	sld [smem:$0x3F87]  }
0x2b: {  	s6 =	sld [smem:$0x3F88]  }
0x2c: {  	s7 =	sld [smem:$0x3F89]  }
0x2d: {  	s3 =	simm.s32 $0x108;
	s8 =	sld [smem:$0x3F8A]  }
0x2e: {  	s3 =	simm.s32 @!p0 $0x1082;
	s9 =	sld [smem:$0x3F8B]  }
0x2f: {  	lr =	sadd.s32 s0, s3;
	s0 =	sld [smem:$0x3F82]  }
0x30: {  	s3 =	sld [smem:$0x3F85]  }
0x31: {  	[smem:$0x3F8E] =	sst s10  }
0x32: {  	s10 =	sld [smem:$0x3F8C];
	_ =	sdelay $0x3  }
0x33: {  	p0 =	seq.s32 s10, $0x1;
	s10 =	sld [smem:$0x3F8E];
	_ =	sdelay $0x3  }
0x34: {  	[smem:$0x3F8E] =	sst s10  }
0x35: {  	s10 =	sld [smem:$0x3F8D];
	_ =	sdelay $0x3  }
0x36: {  	p1 =	seq.s32 s10, $0x1;
	s10 =	sld [smem:$0x3F8E];
	_ =	sdelay $0x3  }
0x37: {  	[smem:$0x3F8E] =	sst s10  }
0x38: {  	s10 =	sld [smem:$0x3F8F]  }
0x39: {  	_ = 	snop;
	(pc) =	sbr.ind lr, $3  }
0x3a: {  	_ = 	snop  }
0x3b: {  	_ = 	snop  }
0x3c: {  	p2 =	seq.s32 s10, $0x1;
	s10 =	sld [smem:$0x3F8E]  }
0x3d: {  	_ =	shalt  }
0x3e: {  	_ =	shalt  }
0x3f: {  	_ =	shalt  }
0x40: {  	_ =	shalt  }
0x41: {  	_ =	shalt  }
0x42: {  	_ =	shalt  }
0x43: {  	_ =	shalt  }
0x44: {  	_ =	shalt  }
0x45: {  	_ =	shalt  }
0x46: {  	_ =	shalt  }
0x47: {  	_ =	shalt  }
0x48: {  	_ =	shalt  }
0x49: {  	_ =	shalt  }
0x4a: {  	_ =	shalt  }
0x4b: {  	_ =	shalt  }
0x4c: {  	_ =	shalt  }
0x4d: {  	_ =	shalt  }
0x4e: {  	_ =	shalt  }
0x4f: {  	_ =	shalt  }
0x50: {  	_ =	shalt  }
0x51: {  	_ =	shalt  }
0x52: {  	_ =	shalt  }
0x53: {  	_ =	shalt  }
0x54: {  	_ =	shalt  }
0x55: {  	_ =	shalt  }
0x56: {  	_ =	shalt  }
0x57: {  	_ =	shalt  }
0x58: {  	_ =	shalt  }
0x59: {  	_ =	shalt  }
0x5a: {  	_ =	shalt  }
0x5b: {  	_ =	shalt  }
0x5c: {  	_ =	shalt  }
0x5d: {  	_ =	shalt  }
0x5e: {  	_ =	shalt  }
0x5f: {  	_ =	shalt  }
0x60: {  	_ =	shalt  }
0x61: {  	_ =	shalt  }
0x62: {  	_ =	shalt  }
0x63: {  	_ =	shalt  }
0x64: {  	_ =	shalt  }
0x65: {  	_ =	shalt  }
0x66: {  	_ =	shalt  }
0x67: {  	_ =	shalt  }
0x68: {  	_ =	shalt  }
0x69: {  	_ =	shalt  }
0x6a: {  	_ =	shalt  }
0x6b: {  	_ =	shalt  }
0x6c: {  	_ =	shalt  }
0x6d: {  	_ =	shalt  }
0x6e: {  	_ =	shalt  }
0x6f: {  	_ =	shalt  }
0x70: {  	_ =	shalt  }
0x71: {  	_ =	shalt  }
0x72: {  	_ =	shalt  }
0x73: {  	_ =	shalt  }
0x74: {  	_ =	shalt  }
0x75: {  	_ =	shalt  }
0x76: {  	_ =	shalt  }
0x77: {  	_ =	shalt  }
0x78: {  	_ =	shalt  }
0x79: {  	_ =	shalt  }
0x7a: {  	_ =	shalt  }
0x7b: {  	_ =	shalt  }
0x7c: {  	_ =	shalt  }
0x7d: {  	_ =	shalt  }
0x7e: {  	_ =	shalt  }
0x7f: {  	_ =	shalt  }
0x80: {  	_ =	shalt  }
0x81: {  	_ =	shalt  }
0x82: {  	_ =	shalt  }
0x83: {  	_ =	shalt  }
0x84: {  	_ =	shalt  }
0x85: {  	_ =	shalt  }
0x86: {  	_ =	shalt  }
0x87: {  	_ =	shalt  }
.Lfunc_end0:
.L_simem_size_0:
called_computation.1_lowered:
.L_overlay_start_0:
0x88: {  	s2 =	sld [smem:$0x3FD9]  }
0x89: {  	s3 =	sld [smem:$0x3FFE];
	_ =	sdelay $0x1  }
0x8a: {  	s1 =	srdreg.scid  }
0x8b: {  	s0 =	sand.u32 $0x1, s1  }
0x8c: {  	s14 =	sshll.u32 s0, $0xA;
	s2 =	sadd.s32 s3, s2  }
0x8d: {  	s2 =	sadd.s32 s2, s14  }
0x8e: {  	[smem:$0x3F9A] =	sst s2  }
0x8f: {  	_ = 	snop  }
0x90: {  	s2 =	sld [smem:$0x3FD0]  }
0x91: {  	s15 =	sld [smem:$0x3FBE]  }
0x92: {  	s4 =	sld [smem:$0x3FBD]  }
0x93: {  	s6 =	simm.s32 $0xA;
	s7 =	simm.s32 $0x10;
	s5 =	sld [smem:$0x3FBC]  }
0x94: {  	[smem:s7], [sflag:s6] =	dma.local [hbm:s2], $0x1  }
0x95: {  	_ =	swait.eq [sflag:s6], $0x1  }
0x96: {  	[sflag:s6] =	ssyncset.done $0x0  }
0x97: {  	s16 =	sld [smem:$0x10];
	[sflag:s6] =	ssyncadd.s32 $0xFFFFFFFF  }
0x98: {  	s17 =	sld [smem:$0x11];
	(tm) =	ssettm $0x1  }
0x99: {  	s18 =	sld [smem:$0x3FFB];
	_ =	sdelay $0x3  }
0x9a: {  	_ =	strace s18  }
0x9b: {  	s7 =	sld [smem:$0x3FFC];
	_ =	sdelay $0x3  }
0x9c: {  	_ =	strace s7  }
0x9d: {  	s7 =	sld [smem:$0x3FFD];
	_ =	sdelay $0x3  }
0x9e: {  	_ =	strace s7  }
0x9f: {  	_ =	strace $0x8FFFFFFF  }
0xa0: {  	s19 =	sld [smem:$0x3FDB];
	_ =	sdelay $0x1  }
0xa1: {  	s8 =	simm.s32 $_scs_section_size  }
0xa2: {  	s9 =	simm.s32 $_size__tile_overlayer_lowered;
	s10 =	simm.s32 $_tile_overlayer_lowered  }
0xa3: {  	s22 =	simm.s32 $0x1BFF;
	s21 =	sshll.u32 s10, $0x1;
	s7 =	sadd.s32 s8, s19  }
0xa4: {  	s11 =	simm.s32 $0x0;
	s20 =	sshll.u32 s9, $0x1;
	s9 =	sadd.s32 s21, s7  }
0xa5: {  	[timem:s11], [sflag:s22] =	dma.local [hbm:s9], s20  }
0xa6: {  	_ =	swait.ge [sflag:s22], s20  }
0xa7: {  	s8 =	ssub.s32 $0x0, s20;
	[sflag:s22] =	ssyncset.done $0x0  }
0xa8: {  	[sflag:s22] =	ssyncadd.s32 s8;
	_ =	sdelay $0x1  }
0xa9: {  	s23 =	simm.s32 $0x1B8B  }
0xaa: {  	_ =	swait.ge [sflag:s23], $0x1  }
0xab: {  	[sflag:s23] =	ssyncset.done $0x0  }
0xac: {  	s25 =	simm.s32 $0x1B8E;
	s24 =	sld [smem:$0x3FFE];
	[sflag:s23] =	ssyncadd.s32 $0xFFFFFFFF  }
0xad: {  	s26 =	simm.s32 $execute0_lowered;
	[smem:$0x3FD2] =	sst s25  }
0xae: {  	s9 =	sshll.u32 s26, $0x1;
	_ =	strace $0x80000046;
	[dreg:$0x1] =	wrdreg $0xFFFFFFFF  }
0xaf: {  	s28 =	simm.s32 $_size_execute0_lowered;
	s7 =	sadd.s32 s7, s9;
	[dreg:$0x0] =	wrdreg $0x0  }
0xb0: {  	s9 =	sshll.u32 s28, $0x1;
	[dreg:$0x2] =	wrdreg s7  }
0xb1: {  	[dreg:$0x3] =	wrdreg s9  }
0xb2: {  	[dreg:$0x4] =	wrdreg $0xC0  }
0xb3: {  	_ =	task [dreg:s11], $0x5FFFF  }
0xb4: {  	[dreg:$0x1] =	wrdreg $0xFFFFFFFF  }
0xb5: {  	[dreg:$0x0] =	wrdreg $0x60  }
0xb6: {  	[dreg:$0x2] =	wrdreg s24  }
0xb7: {  	[dreg:$0x3] =	wrdreg s15  }
0xb8: {  	[dreg:$0x4] =	wrdreg s4  }
0xb9: {  	[dreg:$0x5] =	wrdreg s5  }
0xba: {  	[dreg:$0x6] =	wrdreg s17  }
0xbb: {  	[dreg:$0x7] =	wrdreg s16  }
0xbc: {  	[dreg:$0x8] =	wrdreg $0x9  }
0xbd: {  	_ =	task.clear_ibuf [dreg:s11], $0x9FFFF;
	_ =	strace $0x90000046  }
0xbe: {  	s29 =	simm.s32 $0x9;
	_ =	strace $0x80000048  }
0xbf: {  	_ =	swait.ge [sflag:s29], $0x1  }
0xc0: {  	[sflag:s29] =	ssyncadd.s32 $0xFFFFFFFF  }
0xc1: {  	_ =	strace $0x90000048  }
0xc2: {  	_ =	sfence  }
0xc3: {  	s30 =	sld [smem:$0x0];
	_ =	sdelay $0x2  }
0xc4: {  	s31 =	sshll.u32 s1, $0xD;
	s1 =	sshrl.u32 s1, $0x2  }
0xc5: {  	s3 =	sand.u32 $0x4000, s31;
	s1 =	sadd.s32 s1, s30  }
0xc6: {  	s0 =	sor.u32 s3, s0;
	s1 =	sshll.u32 s1, $0x11  }
0xc7: {  	s0 =	sor.u32 s1, s0  }
0xc8: {  	s0 =	sadd.s32 $0x8F2B, s0  }
0xc9: {  	[sflag:s0] =	ssyncadd.remote.s32 $0x1  }
0xca: {  	_ =	sfence.sel $0xFFFF  }
0xcb: {  	[dreg:$0x0] =	wrdreg $0xFFFFFFFF;
	(pc) =	sbr.abs _section_cstart, $3  }
0xcc: {  	[dreg:$0x1] =	wrdreg $0xFFFFFFFF  }
0xcd: {  	_ =	task.clear_ibuf [dreg:s11], $0x2FFFF;
	_ =	strace $0x9FFFFFFF  }
0xce: {  	(tm) =	ssettm $0x7FFFFFFF  }
0xcf: {  	_ =	shalt  }
tec
execute0_lowered:
.L_overlay_start_1:
0x0: {  	(tag) =	ssettag $0x1  }
0x1: {  	s0 =	rddreg [dreg:$0x0]  }
0x2: {  	s1 =	rddreg [dreg:$0x1]  }
0x3: {  	s2 =	rddreg [dreg:$0x2]  }
0x4: {  	s3 =	rddreg [dreg:$0x3]  }
0x5: {  	s9 =	rddreg [dreg:$0x4]  }
0x6: {  	s4 =	rddreg [dreg:$0x5];
	s5 =	simm.s32 $0x0;
	s17 =	srdreg.scid  }
0x7: {  	s6 =	stileid.u32;
	[smem:$0x7FF] =	sst s5;
	s11 =	sadd.s32 $0x120A00, s0  }
0x8: {  	s12 =	sadd.s32 $0x5D400, s0;
	_ =	strace $0x80000047;
	[dreg:$0x7] =	wrdreg s11  }
0x9: {  	s31 =	simm.s32 $0x380;
	s13 =	sadd.s32 $0x1E4000, s0;
	[dreg:$0x8] =	wrdreg s12  }
0xa: {  	s14 =	sadd.s32 $0x2A7600, s0;
	s15 =	sadd.s32 $0x36AC00, s0;
	[dreg:$0x9] =	wrdreg s13  }
0xb: {  	s16 =	sadd.s32 $0x42E200, s0;
	s10 =	sadd.s32 $0x18800, s0;
	[dreg:$0xa] =	wrdreg s14  }
0xc: {  	s7 =	sadd.s32 $0x3E000, s0;
	s5 =	sand.u32 $0x1, s17;
	[dreg:$0xb] =	wrdreg s15  }
0xd: {  	s6 =	sshll.u32 s6, $0x1;
	s18 =	sadd.s32 $0xA000, s0;
	[dreg:$0xc] =	wrdreg s16  }
0xe: {  	s19 =	sadd.s32 $0x9E00, s0;
	s20 =	sadd.s32 $0x8800, s0;
	[dreg:$0x19] =	wrdreg s7  }
0xf: {  	s0 =	sadd.s32 $0x8A00, s0;
	s28 =	sadd.s32 $0x20, s9;
	[dreg:$0xd] =	wrdreg s18  }
0x10: {  	s29 =	sadd.s32 $0x28, s9;
	s30 =	sadd.s32 $0x30, s9;
	[dreg:$0xe] =	wrdreg s19  }
0x11: {  	s17 =	simm.s32 $0x340;
	s6 =	sor.u32 s5, s6;
	[dreg:$0xf] =	wrdreg s20  }
0x12: {  	s5 =	ssub.s32 $0x2, s5;
	[dreg:$0x10] =	wrdreg s0;
	s12 =	simm.s32 $0x165C0  }
0x13: {  	s15 =	simm.s32 $0x1;
	s16 =	simm.s32 $0x40;
	s18 =	simm.s32 $0x32000  }
0x14: {  	s7 =	simm.s32 $0x300;
	s19 =	simm.s32 $0x2C0;
	s13 =	simm.s32 $0x440  }
0x15: {  	s20 =	simm.s32 $0x4C0;
	s14 =	simm.s32 $0x540;
	s8 =	sshll.u32 s6, $0x2  }
0x16: {  	s21 =	smul.u32 $0x300, s6;
	s22 =	sshrl.u32 s5, $0x1;
	s1 =	sadd.s32 s1, s8  }
0x17: {  	s26 =	smul.u32 $0x64, s6;
	s2 =	sadd.s32 s2, s8;
	[dreg:$0x11] =	wrdreg s1  }
0x18: {  	s0 =	ssub.s32 s5, s22;
	s24 =	sadd.s32 s3, s8;
	[dreg:$0x13] =	wrdreg s2  }
0x19: {  	s8 =	simm.s32 $0x168E0;
	s22 =	simm.s32 $0x400;
	[dreg:$0x14] =	wrdreg s24  }
0x1a: {  	s23 =	sadd.s32 s4, s21;
	[dreg:$0x17] =	wrdreg s26;
	s24 =	sadd.s32 $0x10, s9  }
0x1b: {  	s0 =	smax.u32 s0, $0x1;
	s26 =	sadd.s32 $0x18, s9;
	s21 =	simm.s32 $0x480  }
0x1c: {  	s4 =	simm.s32 $0x0;
	s25 =	sadd.s32 $0x8, s23;
	[dreg:$0x12] =	wrdreg s23  }
0x1d: {  	s1 =	sadd.s32 $0x10, s23;
	s23 =	sadd.s32 $0x8, s9;
	[dreg:$0x18] =	wrdreg s0  }
0x1e: {  	s0 =	simm.s32 $0x4;
	s9 =	simm.s32 $0x140;
	[dreg:$0x15] =	wrdreg s25  }
0x1f: {  	[dreg:$0x16] =	wrdreg s1;
	s1 =	simm.s32 $0x3C0;
	s25 =	simm.s32 $0x500  }
.LBB2_1:
0x20: {  	[dreg:$0x1a] =	wrdreg s4  }
0x21: {  	s2 =	simm.s32 $0x0;
	s3 =	rddreg [dreg:$0x11];
	s4 =	simm.s32 $0x16580  }
0x22: {  	[tilespmem:s4], [sflag:$0x4] =	stream.linear.gather [hbm4b:s3+s2], $0x20, $0x38;
	[tilespmem:$0x170E0] =	vst v63  }
0x23: {  	_ =	swait.ge [sflag:s0], $0x20  }
0x24: {  	[sflag:s0] =	ssyncset.done $0x0  }
0x25: {  	s5 =	simm.s32 $0x165A0;
	s11 =	rddreg [dreg:$0x13];
	[sflag:s0] =	ssyncadd.s32 $0xFFFFFFE0  }
0x26: {  	[tilespmem:s5], [sflag:$0x4] =	stream.linear.gather [hbm4b:s11+s2], $0x20, $0x38;
	[tilespmem:$0x170E0] =	vst v63  }
0x27: {  	_ =	swait.ge [sflag:s0], $0x20  }
0x28: {  	[sflag:s0] =	ssyncset.done $0x0  }
0x29: {  	s6 =	rddreg [dreg:$0x14];
	[sflag:s0] =	ssyncadd.s32 $0xFFFFFFE0  }
0x2a: {  	[tilespmem:s12], [sflag:$0x4] =	stream.linear.gather [hbm4b:s6+s2], $0x20, $0x38;
	[tilespmem:$0x170E0] =	vst v63  }
0x2b: {  	_ =	swait.ge [sflag:s0], $0x20  }
0x2c: {  	[sflag:s0] =	ssyncset.done $0x0  }
0x2d: {  	s6 =	simm.s32 $0x165E0;
	s11 =	rddreg [dreg:$0xf];
	[sflag:s0] =	ssyncadd.s32 $0xFFFFFFE0  }
0x2e: {  	[tilespmem:s6], [sflag:$0x4] =	stream.linear.gather [hbm4b:s11+s2], $0x180, $0x38;
	[tilespmem:$0x170E0] =	vst v63  }
0x2f: {  	_ =	swait.ge [sflag:s0], $0x180  }
0x30: {  	[sflag:s0] =	ssyncset.done $0x0  }
0x31: {  	s11 =	simm.s32 $0x16760;
	s6 =	rddreg [dreg:$0x10];
	[sflag:s0] =	ssyncadd.s32 $0xFFFFFE80  }
0x32: {  	[tilespmem:s11], [sflag:$0x4] =	stream.linear.gather [hbm4b:s6+s2], $0x180, $0x38;
	[tilespmem:$0x170E0] =	vst v63  }
0x33: {  	_ =	swait.ge [sflag:s0], $0x180  }
0x34: {  	[sflag:s0] =	ssyncset.done $0x0  }
0x35: {  	s6 =	simm.s32 $0x20;
	s11 =	rddreg [dreg:$0xd];
	[sflag:s0] =	ssyncadd.s32 $0xFFFFFE80  }
0x36: {  	[tilespmem:s8], [sflag:$0x1] =	stream.indirect.gather [hbm4b:s11+s6], $0x40, s4, s6, $0xb8;
	[tilespmem:$0x170E0] =	vst v63  }
0x37: {  	_ =	swait.ge [sflag:s15], $0x800  }
0x38: {  	[sflag:s15] =	ssyncset.done $0x0  }
0x39: {  	s4 =	simm.s32 $0xC0;
	s11 =	rddreg [dreg:$0x12];
	[sflag:s15] =	ssyncadd.s32 $0xFFFFF800  }
0x3a: {  	[hbm4b:s11+s16] =	stream.strided.scatter [tilespmem:s8], [sflag:$0x4], $0x800, s4, s16, $0x38;
	[tilespmem:$0x170E0] =	vst v63  }
0x3b: {  	_ =	swait.ge [sflag:s0], $0x800  }
0x3c: {  	[sflag:s0] =	ssyncset.done $0x0  }
0x3d: {  	s11 =	rddreg [dreg:$0xe];
	[sflag:s0] =	ssyncadd.s32 $0xFFFFF800  }
0x3e: {  	[tilespmem:s8], [sflag:$0x1] =	stream.indirect.gather [hbm4b:s11+s6], $0x40, s5, s6, $0xb8;
	[tilespmem:$0x170E0] =	vst v63  }
0x3f: {  	_ =	swait.ge [sflag:s15], $0x800  }
0x40: {  	[sflag:s15] =	ssyncset.done $0x0  }
0x41: {  	s6 =	rddreg [dreg:$0x15];
	[sflag:s15] =	ssyncadd.s32 $0xFFFFF800  }
0x42: {  	[hbm4b:s6+s16] =	stream.strided.scatter [tilespmem:s8], [sflag:$0x4], $0x800, s4, s16, $0x38;
	[tilespmem:$0x170E0] =	vst v63  }
0x43: {  	_ =	swait.ge [sflag:s0], $0x800  }
0x44: {  	[sflag:s0] =	ssyncset.done $0x0  }
0x45: {  	[sflag:s0] =	ssyncadd.s32 $0xFFFFF800  }
0x46: {  	v2 =	vmov s2;
	v0 =	vld [tilespmem:$0x16720]  }
0x47: {  	v3 =	vld [tilespmem:$0x16730]  }
0x48: {  	v4 =	vld [tilespmem:$0x16740]  }
0x49: {  	v1 =	vld [tilespmem:$0x16750]  }
0x4a: {  	v6 =	vld [tilespmem:$0x168A0]  }
0x4b: {  	v8 =	vld.idx.msk [tilespmem:v2+s12+$0x0], $0xffff  }
0x4c: {  	v7 =	vld [tilespmem:$0x168B0]  }
0x4d: {  	v5 =	vld [tilespmem:$0x168C0]  }
0x4e: {  	v2 =	vld [tilespmem:$0x168D0];
	_ =	sdelay $0x1  }
0x4f: {  	v9 =	vmul.f32 v8, v0;
	v11 =	vmul.f32 v8, v3  }
0x50: {  	v12 =	vmul.f32 v8, v4;
	v13 =	vmul.f32 v8, v1  }
0x51: {  	s11 =	simm.s32 $0x1;
	v10 =	vadd.f32 v9, v6;
	v9 =	vadd.f32 v11, v7  }
0x52: {  	s3 =	simm.s32 $0x2;
	s2 =	simm.s32 $0x16900;
	v8 =	vmov s11;
	v12 =	vadd.f32 v12, v5;
	v11 =	vadd.f32 v13, v2  }
.LBB2_2:
0x53: {  	p0 =	sne.s32 s3, $0x1F;
	[tilespmem:s2+$0xFFFFFFE0] =	vst v10  }
0x54: {  	[tilespmem:s2+$0xFFFFFFF0] =	vst v9  }
0x55: {  	[tilespmem:s2+$0x0] =	vst v12  }
0x56: {  	[tilespmem:s2+$0x10] =	vst v11  }
0x57: {  	v8 =	vld.idx.msk [tilespmem:v8+s12+$0x0], $0xffff;
	_ =	sdelay $0x4  }
.Ltmp0:
0x58: {  	(pc) =	sbr.rel @p0 .LBB2_2-.Ltmp0, $4  }
0x59: {  	v9 =	vmul.f32 v8, v0;
	v11 =	vmul.f32 v8, v3  }
0x5a: {  	v12 =	vmul.f32 v8, v4;
	v13 =	vmul.f32 v8, v1  }
0x5b: {  	v10 =	vadd.f32 v9, v6;
	v9 =	vadd.f32 v11, v7  }
0x5c: {  	s2 =	sadd.s32 $0x40, s2;
	v8 =	vmov s3;
	s3 =	sadd.s32 $0x1, s3;
	v12 =	vadd.f32 v12, v5;
	v11 =	vadd.f32 v13, v2  }
0x5d: {  	[tilespmem:s2+$0xFFFFFFE0] =	vst v10  }
0x5e: {  	[tilespmem:s2+$0xFFFFFFF0] =	vst v9  }
0x5f: {  	[tilespmem:s2+$0x0] =	vst v12  }
0x60: {  	[tilespmem:s2+$0x10] =	vst v11  }
0x61: {  	v8 =	vld.idx.msk [tilespmem:v8+s12+$0x0], $0xffff;
	_ =	sdelay $0x4  }
0x62: {  	v0 =	vmul.f32 v8, v0  }
0x63: {  	v3 =	vmul.f32 v8, v3  }
0x64: {  	v4 =	vmul.f32 v8, v4;
	v0 =	vadd.f32 v0, v6  }
0x65: {  	s6 =	sadd.s32 $0x40, s2;
	v1 =	vmul.f32 v8, v1;
	v3 =	vadd.f32 v3, v7  }
0x66: {  	v4 =	vadd.f32 v4, v5;
	[tilespmem:s6+$0xFFFFFFE0] =	vst v0  }
0x67: {  	v0 =	vadd.f32 v1, v2;
	[tilespmem:s6+$0xFFFFFFF0] =	vst v3  }
0x68: {  	[tilespmem:s6+$0x0] =	vst v4  }
0x69: {  	s11 =	rddreg [dreg:$0x16];
	s3 =	simm.s32 $0xC0;
	[tilespmem:s6+$0x10] =	vst v0  }
0x6a: {  	[hbm4b:s11+s16] =	stream.strided.scatter [tilespmem:s8], [sflag:$0x4], $0x800, s3, s16, $0x38;
	[tilespmem:$0x170E0] =	vst v63  }
0x6b: {  	_ =	swait.ge [sflag:s0], $0x800  }
0x6c: {  	[sflag:s0] =	ssyncset.done $0x0  }
0x6d: {  	[sflag:s0] =	ssyncadd.s32 $0xFFFFF800  }
0x6e: {  	v0 =	vld [tilespmem:$0x165E0]  }
0x6f: {  	v1 =	vld [tilespmem:$0x165F0]  }
0x70: {  	v2 =	vld [tilespmem:$0x16600]  }
0x71: {  	v3 =	vld [tilespmem:$0x16610]  }
0x72: {  	v4 =	vld [tilespmem:$0x16620]  }
0x73: {  	v5 =	vld [tilespmem:$0x16630]  }
0x74: {  	v6 =	vld [tilespmem:$0x16640]  }
0x75: {  	v7 =	vld [tilespmem:$0x16650]  }
0x76: {  	v8 =	vld [tilespmem:$0x16660]  }
0x77: {  	v9 =	vld [tilespmem:$0x16670]  }
0x78: {  	v10 =	vld [tilespmem:$0x16680]  }
0x79: {  	v11 =	vld [tilespmem:$0x16690]  }
0x7a: {  	v12 =	vld [tilespmem:$0x166A0]  }
0x7b: {  	v13 =	vld [tilespmem:$0x166B0]  }
0x7c: {  	v14 =	vld [tilespmem:$0x166C0]  }
0x7d: {  	v15 =	vld [tilespmem:$0x166D0]  }
0x7e: {  	v16 =	vld [tilespmem:$0x166E0]  }
0x7f: {  	v17 =	vld [tilespmem:$0x166F0]  }
0x80: {  	v18 =	vld [tilespmem:$0x16700]  }
0x81: {  	v19 =	vld [tilespmem:$0x16710]  }
0x82: {  	v20 =	vld [tilespmem:$0x16760]  }
0x83: {  	v21 =	vld [tilespmem:$0x16770]  }
0x84: {  	v22 =	vld [tilespmem:$0x16780]  }
0x85: {  	v23 =	vld [tilespmem:$0x16790]  }
0x86: {  	v24 =	vld [tilespmem:$0x167A0]  }
0x87: {  	v25 =	vld [tilespmem:$0x167B0]  }
0x88: {  	v26 =	vld [tilespmem:$0x167C0]  }
0x89: {  	v27 =	vld [tilespmem:$0x167D0]  }
0x8a: {  	v28 =	vld [tilespmem:$0x167E0]  }
0x8b: {  	v29 =	vld [tilespmem:$0x167F0]  }
0x8c: {  	v30 =	vld [tilespmem:$0x16800]  }
0x8d: {  	v31 =	vld [tilespmem:$0x16810]  }
0x8e: {  	v32 =	vld [tilespmem:$0x16820]  }
0x8f: {  	v33 =	vld [tilespmem:$0x16830]  }
0x90: {  	v34 =	vld [tilespmem:$0x16840]  }
0x91: {  	v35 =	vld [tilespmem:$0x16850]  }
0x92: {  	v36 =	vld [tilespmem:$0x16860]  }
0x93: {  	v37 =	vld [tilespmem:$0x16870]  }
0x94: {  	v38 =	vld [tilespmem:$0x16880]  }
0x95: {  	s2 =	simm.s32 $0x0;
	s3 =	simm.s32 $0x0;
	v39 =	vld [tilespmem:$0x16890]  }
.LBB2_4:
0x96: {  	p0 =	seq.s32 s3, $0x0  }
0x97: {  	s5 =	simm.s32 @!p0 $0x2  }
0x98: {  	_ =	swait.ge @!p0 [sflag:s5], $0x1000  }
0x99: {  	[sflag:s5] =	ssyncset.done @!p0 $0x0  }
0x9a: {  	[sflag:s5] =	ssyncadd.s32 @!p0 $0xFFFFF000  }
0x9b: {  	_ =	swait.ge @!p0 [sflag:s5], $0x1000  }
0x9c: {  	[sflag:s5] =	ssyncset.done @!p0 $0x0  }
0x9d: {  	[sflag:s5] =	ssyncadd.s32 @!p0 $0xFFFFF000  }
0x9e: {  	_ =	swait.ge @!p0 [sflag:s5], $0x1000  }
0x9f: {  	[sflag:s5] =	ssyncset.done @!p0 $0x0  }
0xa0: {  	[sflag:s5] =	ssyncadd.s32 @!p0 $0xFFFFF000  }
0xa1: {  	_ =	swait.ge @!p0 [sflag:s5], $0x1000  }
0xa2: {  	[sflag:s5] =	ssyncset.done @!p0 $0x0  }
0xa3: {  	[sflag:s5] =	ssyncadd.s32 @!p0 $0xFFFFF000  }
0xa4: {  	_ =	swait.ge @!p0 [sflag:s5], $0x1000  }
0xa5: {  	[sflag:s5] =	ssyncset.done @!p0 $0x0  }
0xa6: {  	[sflag:s5] =	ssyncadd.s32 @!p0 $0xFFFFF000  }
0xa7: {  	_ =	swait.ge @!p0 [sflag:s5], $0x1000  }
0xa8: {  	[sflag:s5] =	ssyncset.done @!p0 $0x0  }
0xa9: {  	s4 =	sshll.u32 s3, $0x1;
	s6 =	rddreg [dreg:$0x17];
	[sflag:s5] =	ssyncadd.s32 @!p0 $0xFFFFF000  }
0xaa: {  	s4 =	sadd.s32 s6, s4;
	_ =	swait.ge @!p0 [sflag:s5], $0x5000  }
0xab: {  	s6 =	sshll.u32 s4, $0x3;
	[sflag:s5] =	ssyncset.done @!p0 $0x0  }
0xac: {  	s8 =	sadd.s32 s10, s6;
	[sflag:s5] =	ssyncadd.s32 @!p0 $0xFFFFB000  }
0xad: {  	[tilespmem:s2], [sflag:$0x4] =	stream.strided.gather [hbm4b:s8+s16], $0x180, s18, s16, $0x38;
	[tilespmem:$0x170E0] =	vst v63  }
0xae: {  	_ =	swait.ge [sflag:s0], $0x180  }
0xaf: {  	s11 =	smov.u32 s10;
	[sflag:s0] =	ssyncset.done $0x0;
	s10 =	rddreg [dreg:$0x19]  }
0xb0: {  	[sflag:s0] =	ssyncadd.s32 $0xFFFFFE80;
	s5 =	sadd.s32 s10, s6  }
0xb1: {  	[tilespmem:s7], [sflag:$0x4] =	stream.strided.gather [hbm4b:s5+s16], $0x140, s18, s16, $0x38;
	[tilespmem:$0x170E0] =	vst v63  }
0xb2: {  	_ =	swait.ge [sflag:s0], $0x140  }
0xb3: {  	[sflag:s0] =	ssyncset.done $0x0  }
0xb4: {  	s10 =	simm.s32 $0x580;
	s8 =	rddreg [dreg:$0x8];
	[sflag:s0] =	ssyncadd.s32 $0xFFFFFEC0  }
0xb5: {  	[tilespmem:s10], [sflag:$0x1] =	stream.indirect.gather [hbm4b:s8+s16], $0x40, s2, s16, $0xb8;
	[tilespmem:$0x170E0] =	vst v63  }
0xb6: {  	s8 =	rddreg [dreg:$0x7];
	s10 =	simm.s32 $0x1580  }
0xb7: {  	[tilespmem:s10], [sflag:$0x1] =	stream.indirect.gather [hbm4b:s8+s16], $0x40, s16, s16, $0xb8;
	[tilespmem:$0x170E0] =	vst v63  }
0xb8: {  	s6 =	rddreg [dreg:$0x9];
	s10 =	simm.s32 $0x80;
	s8 =	simm.s32 $0x2580  }
0xb9: {  	[tilespmem:s8], [sflag:$0x1] =	stream.indirect.gather [hbm4b:s6+s16], $0x40, s10, s16, $0xb8;
	[tilespmem:$0x170E0] =	vst v63  }
0xba: {  	s6 =	rddreg [dreg:$0xa];
	s8 =	simm.s32 $0xC0;
	s10 =	simm.s32 $0x3580  }
0xbb: {  	v40 =	vmov s2;
	[tilespmem:s10], [sflag:$0x1] =	stream.indirect.gather [hbm4b:s6+s16], $0x40, s8, s16, $0xb8;
	[tilespmem:$0x170E0] =	vst v63  }
0xbc: {  	s6 =	rddreg [dreg:$0xb];
	s8 =	simm.s32 $0x100;
	s10 =	simm.s32 $0x4580  }
0xbd: {  	[tilespmem:s10], [sflag:$0x1] =	stream.indirect.gather [hbm4b:s6+s16], $0x40, s8, s16, $0xb8;
	[tilespmem:$0x170E0] =	vst v63  }
0xbe: {  	s6 =	rddreg [dreg:$0xc];
	s8 =	simm.s32 $0x5580  }
0xbf: {  	[tilespmem:s8], [sflag:$0x1] =	stream.indirect.gather [hbm4b:s6+s16], $0x40, s9, s16, $0xb8;
	[tilespmem:$0x170E0] =	vst v63  }
0xc0: {  	v41 =	vld.idx.msk [tilespmem:v40+s7+$0x0], $0xffff;
	_ =	sdelay $0x4  }
0xc1: {  	v42 =	vmul.f32 v41, v3  }
0xc2: {  	v43 =	vmul.f32 v41, v0  }
0xc3: {  	v44 =	vmul.f32 v41, v1;
	v42 =	vadd.f32 v42, v23  }
0xc4: {  	s5 =	simm.s32 $0xC620;
	v41 =	vmul.f32 v41, v2;
	v43 =	vadd.f32 v43, v20  }
0xc5: {  	v44 =	vadd.f32 v44, v21;
	[tilespmem:s5+$0xFFFFFF90] =	vst v42  }
0xc6: {  	v41 =	vadd.f32 v41, v22;
	[tilespmem:s5+$0xFFFFFF60] =	vst v43  }
0xc7: {  	[tilespmem:s5+$0xFFFFFF70] =	vst v44  }
0xc8: {  	[tilespmem:s5+$0xFFFFFF80] =	vst v41  }
0xc9: {  	v41 =	vld.idx.msk [tilespmem:v40+s17+$0x0], $0xffff;
	_ =	sdelay $0x4  }
0xca: {  	v55 =	vmul.f32 v41, v4  }
0xcb: {  	v56 =	vmul.f32 v41, v5  }
0xcc: {  	v57 =	vmul.f32 v41, v7;
	v42 =	vadd.f32 v55, v24  }
0xcd: {  	v41 =	vmul.f32 v41, v6;
	v43 =	vadd.f32 v56, v25  }
0xce: {  	v44 =	vadd.f32 v57, v27;
	[tilespmem:s5+$0xFFFFFFA0] =	vst v42  }
0xcf: {  	v41 =	vadd.f32 v41, v26;
	[tilespmem:s5+$0xFFFFFFB0] =	vst v43  }
0xd0: {  	[tilespmem:s5+$0xFFFFFFD0] =	vst v44  }
0xd1: {  	[tilespmem:s5+$0xFFFFFFC0] =	vst v41  }
0xd2: {  	v41 =	vld.idx.msk [tilespmem:v40+s31+$0x0], $0xffff;
	_ =	sdelay $0x4  }
0xd3: {  	v58 =	vmul.f32 v41, v9  }
0xd4: {  	v59 =	vmul.f32 v41, v8  }
0xd5: {  	v60 =	vmul.f32 v41, v10;
	v42 =	vadd.f32 v58, v29  }
0xd6: {  	v41 =	vmul.f32 v41, v11;
	v43 =	vadd.f32 v59, v28  }
0xd7: {  	v44 =	vadd.f32 v60, v30;
	[tilespmem:s5+$0xFFFFFFF0] =	vst v42  }
0xd8: {  	v41 =	vadd.f32 v41, v31;
	[tilespmem:s5+$0xFFFFFFE0] =	vst v43  }
0xd9: {  	[tilespmem:s5+$0x0] =	vst v44  }
0xda: {  	[tilespmem:s5+$0x10] =	vst v41  }
0xdb: {  	v41 =	vld.idx.msk [tilespmem:v40+s1+$0x0], $0xffff;
	_ =	sdelay $0x4  }
0xdc: {  	v61 =	vmul.f32 v41, v12  }
0xdd: {  	v62 =	vmul.f32 v41, v13  }
0xde: {  	v42 =	vadd.f32 v61, v32  }
0xdf: {  	v63 =	vmul.f32 v41, v14;
	v41 =	vmul.f32 v41, v15;
	v43 =	vadd.f32 v62, v33  }
0xe0: {  	[tilespmem:s5+$0x20] =	vst v42  }
0xe1: {  	s10 =	simm.s32 $0x140;
	s6 =	simm.s32 $0x1;
	s8 =	simm.s32 $0xC620;
	v41 =	vadd.f32 v41, v35;
	v42 =	vadd.f32 v63, v34;
	[tilespmem:s5+$0x30] =	vst v43  }
.LBB2_5:
0xe2: {  	p1 =	sne.s32 s6, $0x3F  }
0xe3: {  	[tilespmem:s5+$0x40] =	vst v42;
	s8 =	sadd.s32 $0x140, s8;
	s9 =	smov.u32 s6;
	s6 =	sadd.s32 $0x1, s6  }
0xe4: {  	[tilespmem:s5+$0x50] =	vst v41  }
0xe5: {  	v40 =	vld.idx.msk [tilespmem:v40+s22+$0x0], $0xffff;
	_ =	sdelay $0x5  }
0xe6: {  	v41 =	vmul.f32 v40, v16;
	v42 =	vmul.f32 v40, v17  }
0xe7: {  	v43 =	vmul.f32 v40, v18;
	v44 =	vmul.f32 v40, v19  }
0xe8: {  	v41 =	vadd.f32 v41, v36;
	v42 =	vadd.f32 v42, v37  }
0xe9: {  	v40 =	vmov s9;
	v43 =	vadd.f32 v43, v38;
	v44 =	vadd.f32 v44, v39  }
0xea: {  	[tilespmem:s5+$0x60] =	vst v41  }
0xeb: {  	[tilespmem:s5+$0x80] =	vst v43  }
0xec: {  	[tilespmem:s5+$0x70] =	vst v42  }
0xed: {  	[tilespmem:s5+$0x90] =	vst v44;
	s5 =	smov.u32 s8  }
0xee: {  	v41 =	vld.idx.msk [tilespmem:v40+s7+$0x0], $0xffff;
	_ =	sdelay $0x5  }
0xef: {  	v42 =	vmul.f32 v41, v0;
	v43 =	vmul.f32 v41, v3  }
0xf0: {  	v44 =	vmul.f32 v41, v1;
	v41 =	vmul.f32 v41, v2  }
0xf1: {  	v42 =	vadd.f32 v42, v20;
	v43 =	vadd.f32 v43, v23  }
0xf2: {  	v44 =	vadd.f32 v44, v21;
	v41 =	vadd.f32 v41, v22  }
0xf3: {  	[tilespmem:s8+$0xFFFFFF90] =	vst v43  }
0xf4: {  	[tilespmem:s8+$0xFFFFFF60] =	vst v42  }
0xf5: {  	[tilespmem:s8+$0xFFFFFF70] =	vst v44  }
0xf6: {  	[tilespmem:s8+$0xFFFFFF80] =	vst v41  }
0xf7: {  	v41 =	vld.idx.msk [tilespmem:v40+s17+$0x0], $0xffff;
	_ =	sdelay $0x5  }
0xf8: {  	v42 =	vmul.f32 v41, v4;
	v43 =	vmul.f32 v41, v5  }
0xf9: {  	v44 =	vmul.f32 v41, v6;
	v41 =	vmul.f32 v41, v7  }
0xfa: {  	v42 =	vadd.f32 v42, v24;
	v43 =	vadd.f32 v43, v25  }
0xfb: {  	v44 =	vadd.f32 v44, v26;
	v41 =	vadd.f32 v41, v27  }
0xfc: {  	[tilespmem:s8+$0xFFFFFFA0] =	vst v42  }
0xfd: {  	[tilespmem:s8+$0xFFFFFFB0] =	vst v43  }
0xfe: {  	[tilespmem:s8+$0xFFFFFFD0] =	vst v41  }
0xff: {  	[tilespmem:s8+$0xFFFFFFC0] =	vst v44  }
0x100: {  	v41 =	vld.idx.msk [tilespmem:v40+s31+$0x0], $0xffff;
	_ =	sdelay $0x5  }
0x101: {  	v42 =	vmul.f32 v41, v8;
	v43 =	vmul.f32 v41, v9  }
0x102: {  	v44 =	vmul.f32 v41, v10;
	v41 =	vmul.f32 v41, v11  }
0x103: {  	v42 =	vadd.f32 v42, v28;
	v43 =	vadd.f32 v43, v29  }
0x104: {  	v44 =	vadd.f32 v44, v30;
	v41 =	vadd.f32 v41, v31  }
0x105: {  	[tilespmem:s8+$0xFFFFFFF0] =	vst v43  }
0x106: {  	[tilespmem:s8+$0xFFFFFFE0] =	vst v42  }
0x107: {  	[tilespmem:s8+$0x0] =	vst v44  }
0x108: {  	[tilespmem:s8+$0x10] =	vst v41  }
0x109: {  	v41 =	vld.idx.msk [tilespmem:v40+s1+$0x0], $0xffff;
	_ =	sdelay $0x5  }
0x10a: {  	v42 =	vmul.f32 v41, v12;
	v43 =	vmul.f32 v41, v13  }
.Ltmp1:
0x10b: {  	v44 =	vmul.f32 v41, v14;
	v41 =	vmul.f32 v41, v15;
	(pc) =	sbr.rel @p1 .LBB2_5-.Ltmp1, $4  }
0x10c: {  	v45 =	vadd.f32 v42, v32;
	v43 =	vadd.f32 v43, v33  }
0x10d: {  	v42 =	vadd.f32 v44, v34;
	v41 =	vadd.f32 v41, v35  }
0x10e: {  	[tilespmem:s8+$0x20] =	vst v45  }
0x10f: {  	[tilespmem:s8+$0x30] =	vst v43  }
0x110: {  	_ =	sdelay $0x1  }
0x111: {  	[tilespmem:s5+$0x40] =	vst v42  }
0x112: {  	[tilespmem:s5+$0x50] =	vst v41  }
0x113: {  	v40 =	vld.idx.msk [tilespmem:v40+s22+$0x0], $0xffff;
	_ =	sdelay $0x4  }
0x114: {  	v50 =	vmul.f32 v40, v16  }
0x115: {  	v51 =	vmul.f32 v40, v18  }
0x116: {  	v43 =	vmul.f32 v40, v17;
	v41 =	vadd.f32 v50, v36  }
0x117: {  	v40 =	vmul.f32 v40, v19;
	v42 =	vadd.f32 v51, v38  }
0x118: {  	v43 =	vadd.f32 v43, v37;
	[tilespmem:s5+$0x60] =	vst v41  }
0x119: {  	v40 =	vadd.f32 v40, v39;
	[tilespmem:s5+$0x80] =	vst v42  }
0x11a: {  	[tilespmem:s5+$0x70] =	vst v43  }
0x11b: {  	[tilespmem:s5+$0x90] =	vst v40  }
0x11c: {  	_ =	swait.ge [sflag:s15], $0x1000  }
0x11d: {  	[sflag:s15] =	ssyncset.done $0x0  }
0x11e: {  	[sflag:s15] =	ssyncadd.s32 $0xFFFFF000  }
0x11f: {  	_ =	swait.ge [sflag:s15], $0x1000  }
0x120: {  	[sflag:s15] =	ssyncset.done $0x0  }
0x121: {  	[sflag:s15] =	ssyncadd.s32 $0xFFFFF000  }
0x122: {  	_ =	swait.ge [sflag:s15], $0x1000  }
0x123: {  	[sflag:s15] =	ssyncset.done $0x0  }
0x124: {  	[sflag:s15] =	ssyncadd.s32 $0xFFFFF000  }
0x125: {  	_ =	swait.ge [sflag:s15], $0x1000  }
0x126: {  	[sflag:s15] =	ssyncset.done $0x0  }
0x127: {  	[sflag:s15] =	ssyncadd.s32 $0xFFFFF000  }
0x128: {  	_ =	swait.ge [sflag:s15], $0x1000  }
0x129: {  	[sflag:s15] =	ssyncset.done $0x0  }
0x12a: {  	[sflag:s15] =	ssyncadd.s32 $0xFFFFF000  }
0x12b: {  	_ =	swait.ge [sflag:s15], $0x1000  }
0x12c: {  	[sflag:s15] =	ssyncset.done $0x0  }
0x12d: {  	s5 =	smul.u32 $0x1600, s4;
	[sflag:s15] =	ssyncadd.s32 $0xFFFFF000  }
0x12e: {  	s6 =	rddreg [dreg:$0x4]  }
0x12f: {  	s8 =	simm.s32 $0x580;
	s6 =	sadd.s32 s6, s5  }
0x130: {  	[hbm4b:s6+s16] =	stream.strided.scatter [tilespmem:s8], [sflag:$0x2], $0x1000, s19, s16, $0x38;
	[tilespmem:$0x170E0] =	vst v63  }
0x131: {  	s9 =	simm.s32 $0x1580;
	s8 =	sadd.s32 s5, s23  }
0x132: {  	[hbm4b:s8+s16] =	stream.strided.scatter [tilespmem:s9], [sflag:$0x2], $0x1000, s19, s16, $0x38;
	[tilespmem:$0x170E0] =	vst v63  }
0x133: {  	s8 =	sadd.s32 s5, s24;
	s9 =	simm.s32 $0x2580  }
0x134: {  	[hbm4b:s8+s16] =	stream.strided.scatter [tilespmem:s9], [sflag:$0x2], $0x1000, s19, s16, $0x38;
	[tilespmem:$0x170E0] =	vst v63  }
0x135: {  	s8 =	sadd.s32 s5, s26;
	s9 =	simm.s32 $0x3580  }
0x136: {  	[hbm4b:s8+s16] =	stream.strided.scatter [tilespmem:s9], [sflag:$0x2], $0x1000, s19, s16, $0x38;
	[tilespmem:$0x170E0] =	vst v63  }
0x137: {  	s8 =	sadd.s32 s5, s28;
	s9 =	simm.s32 $0x4580  }
0x138: {  	[hbm4b:s8+s16] =	stream.strided.scatter [tilespmem:s9], [sflag:$0x2], $0x1000, s19, s16, $0x38;
	[tilespmem:$0x170E0] =	vst v63  }
0x139: {  	s8 =	sadd.s32 s5, s29;
	s9 =	simm.s32 $0x5580  }
0x13a: {  	[hbm4b:s8+s16] =	stream.strided.scatter [tilespmem:s9], [sflag:$0x2], $0x1000, s19, s16, $0x38;
	[tilespmem:$0x170E0] =	vst v63  }
0x13b: {  	s5 =	sadd.s32 s5, s30;
	s9 =	simm.s32 $0xC580  }
0x13c: {  	[hbm4b:s5+s10] =	stream.strided.scatter [tilespmem:s9], [sflag:$0x2], $0x5000, s19, s10, $0x38;
	[tilespmem:$0x170E0] =	vst v63  }
0x13d: {  	s5 =	simm.s32 @!p0 $0x3  }
0x13e: {  	_ =	swait.ge @!p0 [sflag:s5], $0x1000  }
0x13f: {  	[sflag:s5] =	ssyncset.done @!p0 $0x0  }
0x140: {  	[sflag:s5] =	ssyncadd.s32 @!p0 $0xFFFFF000  }
0x141: {  	_ =	swait.ge @!p0 [sflag:s5], $0x1000  }
0x142: {  	[sflag:s5] =	ssyncset.done @!p0 $0x0  }
0x143: {  	[sflag:s5] =	ssyncadd.s32 @!p0 $0xFFFFF000  }
0x144: {  	_ =	swait.ge @!p0 [sflag:s5], $0x1000  }
0x145: {  	[sflag:s5] =	ssyncset.done @!p0 $0x0  }
0x146: {  	[sflag:s5] =	ssyncadd.s32 @!p0 $0xFFFFF000  }
0x147: {  	_ =	swait.ge @!p0 [sflag:s5], $0x1000  }
0x148: {  	[sflag:s5] =	ssyncset.done @!p0 $0x0  }
0x149: {  	[sflag:s5] =	ssyncadd.s32 @!p0 $0xFFFFF000  }
0x14a: {  	_ =	swait.ge @!p0 [sflag:s5], $0x1000  }
0x14b: {  	[sflag:s5] =	ssyncset.done @!p0 $0x0  }
0x14c: {  	[sflag:s5] =	ssyncadd.s32 @!p0 $0xFFFFF000  }
0x14d: {  	_ =	swait.ge @!p0 [sflag:s5], $0x1000  }
0x14e: {  	[sflag:s5] =	ssyncset.done @!p0 $0x0  }
0x14f: {  	s8 =	sshll.u32 s4, $0x6;
	[sflag:s5] =	ssyncadd.s32 @!p0 $0xFFFFF000  }
0x150: {  	s4 =	sor.u32 $0x40, s8;
	_ =	swait.ge @!p0 [sflag:s5], $0x5000  }
0x151: {  	s6 =	sshrl.u32 s4, $0x3;
	[sflag:s5] =	ssyncset.done @!p0 $0x0  }
0x152: {  	s8 =	simm.s32 $0x180;
	s9 =	sadd.s32 s11, s6;
	[sflag:s5] =	ssyncadd.s32 @!p0 $0xFFFFB000  }
0x153: {  	[tilespmem:s8], [sflag:$0x4] =	stream.strided.gather [hbm4b:s9+s16], $0x180, s18, s16, $0x38;
	[tilespmem:$0x170E0] =	vst v63  }
0x154: {  	_ =	swait.ge [sflag:s0], $0x180  }
0x155: {  	s10 =	smov.u32 s11;
	[sflag:s0] =	ssyncset.done $0x0;
	s11 =	rddreg [dreg:$0x19]  }
0x156: {  	[sflag:s0] =	ssyncadd.s32 $0xFFFFFE80;
	s5 =	sadd.s32 s11, s6  }
0x157: {  	[tilespmem:s13], [sflag:$0x4] =	stream.strided.gather [hbm4b:s5+s16], $0x140, s18, s16, $0x38;
	[tilespmem:$0x170E0] =	vst v63  }
0x158: {  	_ =	swait.ge [sflag:s0], $0x140  }
0x159: {  	s11 =	simm.s32 $0x6580;
	[sflag:s0] =	ssyncset.done $0x0  }
0x15a: {  	s5 =	simm.s32 $0x0;
	s9 =	rddreg [dreg:$0x8];
	[sflag:s0] =	ssyncadd.s32 $0xFFFFFEC0  }
0x15b: {  	[tilespmem:s11], [sflag:$0x1] =	stream.indirect.gather [hbm4b:s9+s16], $0x40, s8, s16, $0xb8;
	[tilespmem:$0x170E0] =	vst v63  }
0x15c: {  	s6 =	rddreg [dreg:$0x7];
	s8 =	simm.s32 $0x1C0;
	s9 =	simm.s32 $0x7580  }
0x15d: {  	[tilespmem:s9], [sflag:$0x1] =	stream.indirect.gather [hbm4b:s6+s16], $0x40, s8, s16, $0xb8;
	[tilespmem:$0x170E0] =	vst v63  }
0x15e: {  	s6 =	rddreg [dreg:$0x9];
	s8 =	simm.s32 $0x200;
	s9 =	simm.s32 $0x8580  }
0x15f: {  	[tilespmem:s9], [sflag:$0x1] =	stream.indirect.gather [hbm4b:s6+s16], $0x40, s8, s16, $0xb8;
	[tilespmem:$0x170E0] =	vst v63  }
0x160: {  	s6 =	rddreg [dreg:$0xa];
	s8 =	simm.s32 $0x240;
	s9 =	simm.s32 $0x9580  }
0x161: {  	v40 =	vmov s5;
	[tilespmem:s9], [sflag:$0x1] =	stream.indirect.gather [hbm4b:s6+s16], $0x40, s8, s16, $0xb8;
	[tilespmem:$0x170E0] =	vst v63  }
0x162: {  	s6 =	rddreg [dreg:$0xb];
	s8 =	simm.s32 $0x280;
	s9 =	simm.s32 $0xA580  }
0x163: {  	[tilespmem:s9], [sflag:$0x1] =	stream.indirect.gather [hbm4b:s6+s16], $0x40, s8, s16, $0xb8;
	[tilespmem:$0x170E0] =	vst v63  }
0x164: {  	s8 =	rddreg [dreg:$0xc];
	s9 =	simm.s32 $0xB580  }
0x165: {  	[tilespmem:s9], [sflag:$0x1] =	stream.indirect.gather [hbm4b:s8+s16], $0x40, s19, s16, $0xb8;
	[tilespmem:$0x170E0] =	vst v63  }
0x166: {  	v52 =	vld.idx.msk [tilespmem:v40+s13+$0x0], $0xffff;
	_ =	sdelay $0x4  }
0x167: {  	v53 =	vmul.f32 v52, v3  }
0x168: {  	v54 =	vmul.f32 v52, v0  }
0x169: {  	v44 =	vmul.f32 v52, v1;
	v42 =	vadd.f32 v53, v23  }
0x16a: {  	s5 =	simm.s32 $0x11620;
	v41 =	vmul.f32 v52, v2;
	v43 =	vadd.f32 v54, v20  }
0x16b: {  	v44 =	vadd.f32 v44, v21;
	[tilespmem:s5+$0xFFFFFF90] =	vst v42  }
0x16c: {  	v41 =	vadd.f32 v41, v22;
	[tilespmem:s5+$0xFFFFFF60] =	vst v43  }
0x16d: {  	[tilespmem:s5+$0xFFFFFF70] =	vst v44  }
0x16e: {  	[tilespmem:s5+$0xFFFFFF80] =	vst v41  }
0x16f: {  	v41 =	vld.idx.msk [tilespmem:v40+s21+$0x0], $0xffff;
	_ =	sdelay $0x4  }
0x170: {  	v55 =	vmul.f32 v41, v4  }
0x171: {  	v56 =	vmul.f32 v41, v5  }
0x172: {  	v57 =	vmul.f32 v41, v7;
	v42 =	vadd.f32 v55, v24  }
0x173: {  	v41 =	vmul.f32 v41, v6;
	v43 =	vadd.f32 v56, v25  }
0x174: {  	v44 =	vadd.f32 v57, v27;
	[tilespmem:s5+$0xFFFFFFA0] =	vst v42  }
0x175: {  	v41 =	vadd.f32 v41, v26;
	[tilespmem:s5+$0xFFFFFFB0] =	vst v43  }
0x176: {  	[tilespmem:s5+$0xFFFFFFD0] =	vst v44  }
0x177: {  	[tilespmem:s5+$0xFFFFFFC0] =	vst v41  }
0x178: {  	v41 =	vld.idx.msk [tilespmem:v40+s20+$0x0], $0xffff;
	_ =	sdelay $0x4  }
0x179: {  	v58 =	vmul.f32 v41, v9  }
0x17a: {  	v59 =	vmul.f32 v41, v8  }
0x17b: {  	v60 =	vmul.f32 v41, v10;
	v42 =	vadd.f32 v58, v29  }
0x17c: {  	v41 =	vmul.f32 v41, v11;
	v43 =	vadd.f32 v59, v28  }
0x17d: {  	v44 =	vadd.f32 v60, v30;
	[tilespmem:s5+$0xFFFFFFF0] =	vst v42  }
0x17e: {  	v41 =	vadd.f32 v41, v31;
	[tilespmem:s5+$0xFFFFFFE0] =	vst v43  }
0x17f: {  	[tilespmem:s5+$0x0] =	vst v44  }
0x180: {  	[tilespmem:s5+$0x10] =	vst v41  }
0x181: {  	v41 =	vld.idx.msk [tilespmem:v40+s25+$0x0], $0xffff;
	_ =	sdelay $0x4  }
0x182: {  	v61 =	vmul.f32 v41, v12  }
0x183: {  	v62 =	vmul.f32 v41, v13  }
0x184: {  	v42 =	vadd.f32 v61, v32  }
0x185: {  	v63 =	vmul.f32 v41, v14;
	v41 =	vmul.f32 v41, v15;
	v43 =	vadd.f32 v62, v33  }
0x186: {  	[tilespmem:s5+$0x20] =	vst v42  }
0x187: {  	s6 =	simm.s32 $0x1;
	s8 =	simm.s32 $0x11620;
	v41 =	vadd.f32 v41, v35;
	v42 =	vadd.f32 v63, v34;
	[tilespmem:s5+$0x30] =	vst v43  }
.LBB2_7:
0x188: {  	p0 =	sne.s32 s6, $0x3F  }
0x189: {  	[tilespmem:s5+$0x40] =	vst v42;
	s8 =	sadd.s32 $0x140, s8;
	s9 =	smov.u32 s6;
	s6 =	sadd.s32 $0x1, s6  }
0x18a: {  	[tilespmem:s5+$0x50] =	vst v41  }
0x18b: {  	v40 =	vld.idx.msk [tilespmem:v40+s14+$0x0], $0xffff;
	_ =	sdelay $0x5  }
0x18c: {  	v41 =	vmul.f32 v40, v16;
	v42 =	vmul.f32 v40, v17  }
0x18d: {  	v43 =	vmul.f32 v40, v18;
	v44 =	vmul.f32 v40, v19  }
0x18e: {  	v41 =	vadd.f32 v41, v36;
	v42 =	vadd.f32 v42, v37  }
0x18f: {  	v40 =	vmov s9;
	v43 =	vadd.f32 v43, v38;
	v44 =	vadd.f32 v44, v39  }
0x190: {  	[tilespmem:s5+$0x60] =	vst v41  }
0x191: {  	[tilespmem:s5+$0x80] =	vst v43  }
0x192: {  	[tilespmem:s5+$0x70] =	vst v42  }
0x193: {  	[tilespmem:s5+$0x90] =	vst v44;
	s5 =	smov.u32 s8  }
0x194: {  	v41 =	vld.idx.msk [tilespmem:v40+s13+$0x0], $0xffff;
	_ =	sdelay $0x5  }
0x195: {  	v42 =	vmul.f32 v41, v0;
	v43 =	vmul.f32 v41, v3  }
0x196: {  	v44 =	vmul.f32 v41, v1;
	v41 =	vmul.f32 v41, v2  }
0x197: {  	v42 =	vadd.f32 v42, v20;
	v43 =	vadd.f32 v43, v23  }
0x198: {  	v44 =	vadd.f32 v44, v21;
	v41 =	vadd.f32 v41, v22  }
0x199: {  	[tilespmem:s8+$0xFFFFFF90] =	vst v43  }
0x19a: {  	[tilespmem:s8+$0xFFFFFF60] =	vst v42  }
0x19b: {  	[tilespmem:s8+$0xFFFFFF70] =	vst v44  }
0x19c: {  	[tilespmem:s8+$0xFFFFFF80] =	vst v41  }
0x19d: {  	v41 =	vld.idx.msk [tilespmem:v40+s21+$0x0], $0xffff;
	_ =	sdelay $0x5  }
0x19e: {  	v42 =	vmul.f32 v41, v4;
	v43 =	vmul.f32 v41, v5  }
0x19f: {  	v44 =	vmul.f32 v41, v6;
	v41 =	vmul.f32 v41, v7  }
0x1a0: {  	v42 =	vadd.f32 v42, v24;
	v43 =	vadd.f32 v43, v25  }
0x1a1: {  	v44 =	vadd.f32 v44, v26;
	v41 =	vadd.f32 v41, v27  }
0x1a2: {  	[tilespmem:s8+$0xFFFFFFA0] =	vst v42  }
0x1a3: {  	[tilespmem:s8+$0xFFFFFFB0] =	vst v43  }
0x1a4: {  	[tilespmem:s8+$0xFFFFFFD0] =	vst v41  }
0x1a5: {  	[tilespmem:s8+$0xFFFFFFC0] =	vst v44  }
0x1a6: {  	v41 =	vld.idx.msk [tilespmem:v40+s20+$0x0], $0xffff;
	_ =	sdelay $0x5  }
0x1a7: {  	v42 =	vmul.f32 v41, v8;
	v43 =	vmul.f32 v41, v9  }
0x1a8: {  	v44 =	vmul.f32 v41, v10;
	v41 =	vmul.f32 v41, v11  }
0x1a9: {  	v42 =	vadd.f32 v42, v28;
	v43 =	vadd.f32 v43, v29  }
0x1aa: {  	v44 =	vadd.f32 v44, v30;
	v41 =	vadd.f32 v41, v31  }
0x1ab: {  	[tilespmem:s8+$0xFFFFFFF0] =	vst v43  }
0x1ac: {  	[tilespmem:s8+$0xFFFFFFE0] =	vst v42  }
0x1ad: {  	[tilespmem:s8+$0x0] =	vst v44  }
0x1ae: {  	[tilespmem:s8+$0x10] =	vst v41  }
0x1af: {  	v41 =	vld.idx.msk [tilespmem:v40+s25+$0x0], $0xffff;
	_ =	sdelay $0x5  }
0x1b0: {  	v42 =	vmul.f32 v41, v12;
	v43 =	vmul.f32 v41, v13  }
.Ltmp2:
0x1b1: {  	v44 =	vmul.f32 v41, v14;
	v41 =	vmul.f32 v41, v15;
	(pc) =	sbr.rel @p0 .LBB2_7-.Ltmp2, $4  }
0x1b2: {  	v45 =	vadd.f32 v42, v32;
	v43 =	vadd.f32 v43, v33  }
0x1b3: {  	v42 =	vadd.f32 v44, v34;
	v41 =	vadd.f32 v41, v35  }
0x1b4: {  	[tilespmem:s8+$0x20] =	vst v45  }
0x1b5: {  	[tilespmem:s8+$0x30] =	vst v43  }
0x1b6: {  	_ =	sdelay $0x1  }
0x1b7: {  	[tilespmem:s5+$0x40] =	vst v42  }
0x1b8: {  	[tilespmem:s5+$0x50] =	vst v41  }
0x1b9: {  	v40 =	vld.idx.msk [tilespmem:v40+s14+$0x0], $0xffff;
	_ =	sdelay $0x4  }
0x1ba: {  	v62 =	vmul.f32 v40, v16  }
0x1bb: {  	v63 =	vmul.f32 v40, v18  }
0x1bc: {  	v43 =	vmul.f32 v40, v17;
	v41 =	vadd.f32 v62, v36  }
0x1bd: {  	v40 =	vmul.f32 v40, v19;
	v42 =	vadd.f32 v63, v38  }
0x1be: {  	v43 =	vadd.f32 v43, v37;
	[tilespmem:s5+$0x60] =	vst v41  }
0x1bf: {  	v40 =	vadd.f32 v40, v39;
	[tilespmem:s5+$0x80] =	vst v42  }
0x1c0: {  	[tilespmem:s5+$0x70] =	vst v43  }
0x1c1: {  	[tilespmem:s5+$0x90] =	vst v40  }
0x1c2: {  	_ =	swait.ge [sflag:s15], $0x1000  }
0x1c3: {  	[sflag:s15] =	ssyncset.done $0x0  }
0x1c4: {  	[sflag:s15] =	ssyncadd.s32 $0xFFFFF000  }
0x1c5: {  	_ =	swait.ge [sflag:s15], $0x1000  }
0x1c6: {  	[sflag:s15] =	ssyncset.done $0x0  }
0x1c7: {  	[sflag:s15] =	ssyncadd.s32 $0xFFFFF000  }
0x1c8: {  	_ =	swait.ge [sflag:s15], $0x1000  }
0x1c9: {  	[sflag:s15] =	ssyncset.done $0x0  }
0x1ca: {  	[sflag:s15] =	ssyncadd.s32 $0xFFFFF000  }
0x1cb: {  	_ =	swait.ge [sflag:s15], $0x1000  }
0x1cc: {  	[sflag:s15] =	ssyncset.done $0x0  }
0x1cd: {  	[sflag:s15] =	ssyncadd.s32 $0xFFFFF000  }
0x1ce: {  	_ =	swait.ge [sflag:s15], $0x1000  }
0x1cf: {  	[sflag:s15] =	ssyncset.done $0x0  }
0x1d0: {  	[sflag:s15] =	ssyncadd.s32 $0xFFFFF000  }
0x1d1: {  	_ =	swait.ge [sflag:s15], $0x1000  }
0x1d2: {  	[sflag:s15] =	ssyncset.done $0x0  }
0x1d3: {  	s4 =	smul.u32 $0x58, s4;
	[sflag:s15] =	ssyncadd.s32 $0xFFFFF000  }
0x1d4: {  	s6 =	rddreg [dreg:$0x4]  }
0x1d5: {  	s5 =	sadd.s32 s6, s4  }
0x1d6: {  	[hbm4b:s5+s16] =	stream.strided.scatter [tilespmem:s11], [sflag:$0x3], $0x1000, s19, s16, $0x38;
	[tilespmem:$0x170E0] =	vst v63  }
0x1d7: {  	s8 =	sadd.s32 s4, s23;
	s6 =	simm.s32 $0x7580  }
0x1d8: {  	[hbm4b:s8+s16] =	stream.strided.scatter [tilespmem:s6], [sflag:$0x3], $0x1000, s19, s16, $0x38;
	[tilespmem:$0x170E0] =	vst v63  }
0x1d9: {  	s9 =	sadd.s32 s4, s24;
	s11 =	simm.s32 $0x8580  }
0x1da: {  	[hbm4b:s9+s16] =	stream.strided.scatter [tilespmem:s11], [sflag:$0x3], $0x1000, s19, s16, $0x38;
	[tilespmem:$0x170E0] =	vst v63  }
0x1db: {  	s3 =	sadd.s32 $0x1, s3;
	s6 =	sadd.s32 s4, s26;
	s8 =	simm.s32 $0x9580  }
0x1dc: {  	[hbm4b:s6+s16] =	stream.strided.scatter [tilespmem:s8], [sflag:$0x3], $0x1000, s19, s16, $0x38;
	[tilespmem:$0x170E0] =	vst v63  }
0x1dd: {  	p0 =	sne.s32 s3, $0x32;
	s9 =	sadd.s32 s4, s28;
	s11 =	simm.s32 $0xA580  }
0x1de: {  	[hbm4b:s9+s16] =	stream.strided.scatter [tilespmem:s11], [sflag:$0x3], $0x1000, s19, s16, $0x38;
	[tilespmem:$0x170E0] =	vst v63  }
.Ltmp3:
0x1df: {  	_ = 	snop;
	(pc) =	sbr.rel @p0 .LBB2_4-.Ltmp3, $4  }
0x1e0: {  	s8 =	sadd.s32 s4, s29;
	s9 =	simm.s32 $0xB580  }
0x1e1: {  	[hbm4b:s8+s16] =	stream.strided.scatter [tilespmem:s9], [sflag:$0x3], $0x1000, s19, s16, $0x38;
	[tilespmem:$0x170E0] =	vst v63  }
0x1e2: {  	s4 =	sadd.s32 s4, s30;
	s11 =	simm.s32 $0x11580;
	s9 =	simm.s32 $0x140  }
0x1e3: {  	[hbm4b:s4+s9] =	stream.strided.scatter [tilespmem:s11], [sflag:$0x3], $0x5000, s19, s9, $0x38;
	[tilespmem:$0x170E0] =	vst v63  }
0x1e4: {  	s2 =	simm.s32 $0x2  }
0x1e5: {  	_ =	swait.ge [sflag:s2], $0x1000  }
0x1e6: {  	[sflag:s2] =	ssyncset.done $0x0  }
0x1e7: {  	[sflag:s2] =	ssyncadd.s32 $0xFFFFF000  }
0x1e8: {  	_ =	swait.ge [sflag:s2], $0x1000  }
0x1e9: {  	[sflag:s2] =	ssyncset.done $0x0  }
0x1ea: {  	[sflag:s2] =	ssyncadd.s32 $0xFFFFF000  }
0x1eb: {  	_ =	swait.ge [sflag:s2], $0x1000  }
0x1ec: {  	[sflag:s2] =	ssyncset.done $0x0  }
0x1ed: {  	[sflag:s2] =	ssyncadd.s32 $0xFFFFF000  }
0x1ee: {  	_ =	swait.ge [sflag:s2], $0x1000  }
0x1ef: {  	[sflag:s2] =	ssyncset.done $0x0  }
0x1f0: {  	[sflag:s2] =	ssyncadd.s32 $0xFFFFF000  }
0x1f1: {  	_ =	swait.ge [sflag:s2], $0x1000  }
0x1f2: {  	[sflag:s2] =	ssyncset.done $0x0  }
0x1f3: {  	[sflag:s2] =	ssyncadd.s32 $0xFFFFF000  }
0x1f4: {  	_ =	swait.ge [sflag:s2], $0x1000  }
0x1f5: {  	[sflag:s2] =	ssyncset.done $0x0  }
0x1f6: {  	[sflag:s2] =	ssyncadd.s32 $0xFFFFF000  }
0x1f7: {  	_ =	swait.ge [sflag:s2], $0x5000  }
0x1f8: {  	[sflag:s2] =	ssyncset.done $0x0  }
0x1f9: {  	s3 =	simm.s32 $0x3;
	[sflag:s2] =	ssyncadd.s32 $0xFFFFB000  }
0x1fa: {  	_ =	swait.ge [sflag:s3], $0x1000  }
0x1fb: {  	[sflag:s3] =	ssyncset.done $0x0  }
0x1fc: {  	[sflag:s3] =	ssyncadd.s32 $0xFFFFF000  }
0x1fd: {  	_ =	swait.ge [sflag:s3], $0x1000  }
0x1fe: {  	[sflag:s3] =	ssyncset.done $0x0  }
0x1ff: {  	[sflag:s3] =	ssyncadd.s32 $0xFFFFF000  }
0x200: {  	_ =	swait.ge [sflag:s3], $0x1000  }
0x201: {  	[sflag:s3] =	ssyncset.done $0x0  }
0x202: {  	[sflag:s3] =	ssyncadd.s32 $0xFFFFF000  }
0x203: {  	_ =	swait.ge [sflag:s3], $0x1000  }
0x204: {  	[sflag:s3] =	ssyncset.done $0x0  }
0x205: {  	[sflag:s3] =	ssyncadd.s32 $0xFFFFF000  }
0x206: {  	_ =	swait.ge [sflag:s3], $0x1000  }
0x207: {  	[sflag:s3] =	ssyncset.done $0x0  }
0x208: {  	[sflag:s3] =	ssyncadd.s32 $0xFFFFF000  }
0x209: {  	_ =	swait.ge [sflag:s3], $0x1000  }
0x20a: {  	[sflag:s3] =	ssyncset.done $0x0  }
0x20b: {  	[sflag:s3] =	ssyncadd.s32 $0xFFFFF000  }
0x20c: {  	_ =	swait.ge [sflag:s3], $0x5000  }
0x20d: {  	s4 =	rddreg [dreg:$0x1a]  }
0x20e: {  	s11 =	rddreg [dreg:$0x18];
	s4 =	sadd.s32 $0x1, s4  }
0x20f: {  	p0 =	sne.s32 s4, s11  }
.Ltmp4:
0x210: {  	_ = 	snop;
	(pc) =	sbr.rel @p0 .LBB2_1-.Ltmp4, $3  }
0x211: {  	_ =	sdelay $0x1  }
0x212: {  	[sflag:s3] =	ssyncset.done $0x0  }
0x213: {  	s8 =	simm.s32 $0x168E0;
	[sflag:s3] =	ssyncadd.s32 $0xFFFFB000  }
0x214: {  	_ =	sfence.sel $0x180000  }
0x215: {  	[bflag:$0x0] =	sbarrier.arrive $0xFFFF  }
0x216: {  	_ =	strace $0x90000047  }
0x217: {  	s0 =	stileid.u32;
	[bflag:$0x2] =	sbarrier.arrive $0xFFFF  }
0x218: {  	p0 =	sne.s32 s0, $0x0;
	s0 =	rddreg [dreg:$0x6]  }
0x219: {  	s0 =	sadd.s32 @!p0 $0x100000, s0  }
0x21a: {  	[sflag:s0] =	ssyncadd.tile.s32 @!p0 $0x1;
	_ =	shalt  }
.Lfunc_end2:
_tile_overlayer_lowered:
.L_overlay_start_2:
0x21b: {  	(tag) =	ssettag $0x2  }
0x21c: {  	s0 =	rddreg [dreg:$0x0];
	s2 =	stileid.u32  }
0x21d: {  	s1 =	rddreg [dreg:$0x1];
	p0 =	sne.s32 s2, $0x0  }
0x21e: {  	s3 =	rddreg [dreg:$0x2];
	[bflag:$0x3] =	sbarrier.arrive $0xFFFF;
	s2 =	simm.s32 @!p0 $0x1C04  }
0x21f: {  	[timem:s3], [sflag:s2] =	dma.local @!p0 [hbm:s0], s1  }
0x220: {  	s0 =	simm.s32 @!p0 $0x4  }
0x221: {  	_ =	swait.ge @!p0 [sflag:s0], s1  }
0x222: {  	s1 =	ssub.s32 @!p0 $0x0, s1;
	[sflag:s0] =	ssyncset.done @!p0 $0x0  }
0x223: {  	[sflag:s0] =	ssyncadd.s32 @!p0 s1  }
0x224: {  	[bflag:$0x3] =	sbarrier.arrive $0xFFFF  }
0x225: {  	_ =	shalt  }

// kernel: sparse-core-data-format-call.cloned.1.call-start
scs
called_computation_lowered:
.L_overlay_start_0:
0x0: {  	s2 =	sld [smem:$0x3FD9]  }
0x1: {  	s3 =	sld [smem:$0x3FFE];
	_ =	sdelay $0x1  }
0x2: {  	s1 =	srdreg.scid  }
0x3: {  	s0 =	sand.u32 $0x1, s1  }
0x4: {  	s15 =	sshll.u32 s0, $0xA;
	s2 =	sadd.s32 s3, s2  }
0x5: {  	s2 =	sadd.s32 s2, s15  }
0x6: {  	[smem:$0x3F9A] =	sst s2  }
0x7: {  	_ = 	snop  }
0x8: {  	s2 =	sld [smem:$0x3FD0];
	_ =	sdelay $0x2  }
0x9: {  	s16 =	simm.s32 $0xA;
	s4 =	simm.s32 $0x10  }
0xa: {  	[smem:s4], [sflag:s16] =	dma.local [hbm:s2], $0x1  }
0xb: {  	_ =	swait.eq [sflag:s16], $0x1  }
0xc: {  	[sflag:s16] =	ssyncset.done $0x0  }
0xd: {  	[sflag:s16] =	ssyncadd.s32 $0xFFFFFFFF  }
0xe: {  	s17 =	sld [smem:$0x11];
	(tm) =	ssettm $0x1  }
0xf: {  	s18 =	sld [smem:$0x3FFB];
	_ =	sdelay $0x3  }
0x10: {  	_ =	strace s18  }
0x11: {  	s3 =	sld [smem:$0x3FFC];
	_ =	sdelay $0x3  }
0x12: {  	_ =	strace s3  }
0x13: {  	s3 =	sld [smem:$0x3FFD];
	_ =	sdelay $0x3  }
0x14: {  	_ =	strace s3  }
0x15: {  	_ =	strace $0x8FFFFFFF  }
0x16: {  	s19 =	sld [smem:$0x3FDB];
	_ =	sdelay $0x1  }
0x17: {  	s20 =	simm.s32 $_scs_section_size  }
0x18: {  	s5 =	simm.s32 $_size__tile_overlayer_lowered;
	s6 =	simm.s32 $_tile_overlayer_lowered  }
0x19: {  	s23 =	simm.s32 $0x1BFF;
	s22 =	sshll.u32 s6, $0x1;
	s3 =	sadd.s32 s20, s19  }
0x1a: {  	s7 =	simm.s32 $0x0;
	s21 =	sshll.u32 s5, $0x1;
	s5 =	sadd.s32 s22, s3  }
0x1b: {  	[timem:s7], [sflag:s23] =	dma.local [hbm:s5], s21  }
0x1c: {  	_ =	swait.ge [sflag:s23], s21  }
0x1d: {  	s4 =	ssub.s32 $0x0, s21;
	[sflag:s23] =	ssyncset.done $0x0  }
0x1e: {  	[sflag:s23] =	ssyncadd.s32 s4;
	_ =	sdelay $0x1  }
0x1f: {  	s24 =	simm.s32 $0x1B8B  }
0x20: {  	_ =	swait.ge [sflag:s24], $0x1  }
0x21: {  	[sflag:s24] =	ssyncset.done $0x0  }
0x22: {  	s26 =	simm.s32 $0x1B8E;
	s25 =	sld [smem:$0x3FFE];
	[sflag:s24] =	ssyncadd.s32 $0xFFFFFFFF  }
0x23: {  	s27 =	simm.s32 $execute0_lowered;
	[smem:$0x3FD2] =	sst s26  }
0x24: {  	s5 =	sshll.u32 s27, $0x1;
	_ =	strace $0x80000049;
	[dreg:$0x1] =	wrdreg $0xFFFFFFFF  }
0x25: {  	s28 =	simm.s32 $_size_execute0_lowered;
	s3 =	sadd.s32 s3, s5;
	[dreg:$0x0] =	wrdreg $0x0  }
0x26: {  	s5 =	sshll.u32 s28, $0x1;
	[dreg:$0x2] =	wrdreg s3  }
0x27: {  	[dreg:$0x3] =	wrdreg s5  }
0x28: {  	[dreg:$0x4] =	wrdreg $0xC0  }
0x29: {  	_ =	task [dreg:s7], $0x5FFFF  }
0x2a: {  	[dreg:$0x1] =	wrdreg $0xFFFFFFFF  }
0x2b: {  	[dreg:$0x0] =	wrdreg $0x60  }
0x2c: {  	[dreg:$0x2] =	wrdreg s25  }
0x2d: {  	[dreg:$0x3] =	wrdreg s17  }
0x2e: {  	[dreg:$0x4] =	wrdreg $0x9  }
0x2f: {  	_ =	task.clear_ibuf [dreg:s7], $0x5FFFF;
	_ =	strace $0x90000049  }
0x30: {  	s29 =	simm.s32 $0x9;
	_ =	strace $0x8000004B  }
0x31: {  	_ =	swait.ge [sflag:s29], $0x1  }
0x32: {  	[sflag:s29] =	ssyncadd.s32 $0xFFFFFFFF  }
0x33: {  	_ =	strace $0x9000004B  }
0x34: {  	_ =	sfence  }
0x35: {  	s30 =	sld [smem:$0x0];
	_ =	sdelay $0x2  }
0x36: {  	s31 =	sshll.u32 s1, $0xD;
	s1 =	sshrl.u32 s1, $0x2  }
0x37: {  	s3 =	sand.u32 $0x4000, s31;
	s1 =	sadd.s32 s1, s30  }
0x38: {  	s0 =	sor.u32 s3, s0;
	s1 =	sshll.u32 s1, $0x11  }
0x39: {  	s0 =	sor.u32 s1, s0  }
0x3a: {  	s0 =	sadd.s32 $0x8F2B, s0  }
0x3b: {  	[sflag:s0] =	ssyncadd.remote.s32 $0x1  }
0x3c: {  	_ =	sfence.sel $0xFFFF  }
0x3d: {  	[dreg:$0x0] =	wrdreg $0xFFFFFFFF;
	(pc) =	sbr.abs _section_cstart, $3  }
0x3e: {  	[dreg:$0x1] =	wrdreg $0xFFFFFFFF  }
0x3f: {  	_ =	task.clear_ibuf [dreg:s7], $0x2FFFF;
	_ =	strace $0x9FFFFFFF  }
0x40: {  	(tm) =	ssettm $0x7FFFFFFF  }
0x41: {  	_ =	shalt  }
tec
execute0_lowered:
.L_overlay_start_1:
0x0: {  	(tag) =	ssettag $0x1  }
0x1: {  	s0 =	stileid.u32;
	s5 =	rddreg [dreg:$0x0]  }
0x2: {  	s1 =	srdreg.scid;
	s3 =	rddreg [dreg:$0x1];
	s6 =	simm.s32 $0x1  }
0x3: {  	s8 =	simm.s32 $0x2;
	s2 =	sshll.u32 s0, $0x5;
	s1 =	sshll.u32 s1, $0x9  }
0x4: {  	s17 =	simm.s32 $0x0;
	s9 =	simm.s32 $0x2000;
	s1 =	sor.u32 s2, s1  }
0x5: {  	s18 =	simm.s32 $0x0;
	s19 =	simm.s32 $0x0;
	s2 =	sand.u32 $0x380, s1  }
0x6: {  	s10 =	simm.s32 $0x0;
	s11 =	simm.s32 $0x0;
	s4 =	ssub.s32 $0x400, s2  }
0x7: {  	s12 =	simm.s32 $0x0;
	s13 =	simm.s32 $0x0;
	s31 =	sand.u32 $0x380, s4  }
0x8: {  	s16 =	simm.s32 $0x0;
	s7 =	sand.u32 $0x3, s0;
	p0 =	sne.s32 s31, $0x0  }
.Ltmp0:
0x9: {  	s4 =	sshrl.u32 s4, $0xA;
	s6 =	simm.s32 @!p0 $0x0;
	(pc) =	sbr.rel .LBB1_1-.Ltmp0, $4  }
0xa: {  	s1 =	rddreg [dreg:$0x2];
	_ =	strace $0x8000004A;
	s6 =	sadd.s32 s6, s4  }
0xb: {  	s4 =	sadd.s32 $0x8800, s5;
	s5 =	simm.s32 $0x1;
	s6 =	smul.u32 $0x12C, s6  }
0xc: {  	s15 =	smov.u32 s7;
	s14 =	smov.u32 s2;
	[sflag:s5] =	ssyncpa.u1 $0x0  }
0xd: {  	p0 =	por $0x0, $0x0;
	[sflag:s8] =	ssyncpa.u1 $0x0;
	s8 =	sor.u32 $0x1, s6  }
.LBB1_4:
0xe: {  	s25 =	sshll.u32 s10, $0xA;
	s24 =	sshra.s32 s24, $0x2;
	s26 =	sshll.u32 s11, $0x3  }
0xf: {  	p1 =	sgt.s32 s12, $0xC7;
	s27 =	smov.u32 s12;
	s28 =	sshra.s32 s12, $0x1F  }
0x10: {  	p2 =	sgt.s32 s11, $0x380;
	s31 =	sshra.s32 s11, $0x1F;
	s25 =	sand.u32 $0xFFFFE000, s25  }
0x11: {  	s26 =	sand.u32 $0xFFFFFC00, s26;
	s27 =	simm.s32 @!p1 $0xC7;
	s28 =	sand.u32 s28, s12  }
0x12: {  	[tilespmem:s22+$0x2040 ss:$0x81] =	vst.msk $0xffff, v4;
	s23 =	sadd.s32 s24, s23;
	s29 =	sadd.s32 s26, s25;
	s25 =	ssub.s32 s27, s28  }
0x13: {  	[tilespmem:s22+$0x2850 ss:$0x81] =	vst.msk $0xffff, v3;
	s27 =	smov.u32 s11;
	s28 =	smov.u32 s10;
	s26 =	sand.u32 s31, s11  }
0x14: {  	[tilespmem:s22+$0x3060 ss:$0x81] =	vst.msk $0xffff, v2;
	s24 =	sshrl.u32 s29, $0xA;
	s30 =	sadd.s32 $0xFFFFFF39, s25;
	s27 =	simm.s32 @!p2 $0x380  }
0x15: {  	v5 =	vld [tilespmem:s21+$0xFFFFFFD0];
	[tilespmem:s22+$0x0 ss:$0x81] =	vst.msk $0xffff, v1;
	p2 =	sgt.s32 s10, $0x240;
	s29 =	sshra.s32 s10, $0x1F;
	s22 =	ssub.s32 $0xC8, s25  }
0x16: {  	v58 =	vld [tilespmem:s21+$0xFFFFFFE0];
	p1 =	sgt.s32 s30, $0x0;
	s28 =	simm.s32 @!p2 $0x240;
	s29 =	sand.u32 s29, s10  }
0x17: {  	v59 =	vld [tilespmem:s21+$0xFFFFFFF0];
	s26 =	ssub.s32 s27, s26;
	s27 =	smulhi.u32 $0x5D1746, s24;
	s28 =	ssub.s32 s28, s29  }
0x18: {  	v60 =	vld [tilespmem:s21+$0x0];
	s30 =	sadd.s32 $0xFFFFFC80, s26;
	s25 =	ssub.s32 $0x400, s26;
	s22 =	simm.s32 @p1 $0x0  }
0x19: {  	v61 =	vld [tilespmem:s21+$0x10];
	[tilespmem:s23+$0x3870 ss:$0x81] =	vst.msk $0xffff, v0;
	s29 =	sand.u32 $0x78, s11;
	p2 =	sgt.s32 s30, $0x7F;
	s31 =	sadd.s32 $0xFFFFFDC0, s28  }
0x1a: {  	v62 =	vld [tilespmem:s21+$0x20];
	[tilespmem:s23+$0x810 ss:$0x81] =	vst.msk $0xffff, v5;
	s27 =	smul.u32 $0x2C0, s27;
	s30 =	sshll.u32 s10, $0x7;
	s28 =	ssub.s32 $0x2C0, s28  }
0x1b: {  	v63 =	vld [tilespmem:s21+$0xFFFFFFC0];
	[tilespmem:s23+$0x1020 ss:$0x81] =	vst.msk $0xffff, v58;
	s25 =	simm.s32 @p2 $0x0;
	p1 =	sgt.s32 s31, $0x7F;
	s31 =	smul.u32 $0x16000, s12  }
0x1c: {  	[tilespmem:s23+$0x1830 ss:$0x81] =	vst.msk $0xffff, v59;
	s21 =	sand.u32 $0x380, s30;
	s22 =	smul.u32 s22, s25;
	s28 =	simm.s32 @p1 $0x0  }
0x1d: {  	[tilespmem:s23+$0x2040 ss:$0x81] =	vst.msk $0xffff, v60;
	s21 =	sor.u32 s29, s21;
	s24 =	ssub.s32 s24, s27;
	s29 =	sand.u32 $0x7, s11  }
0x1e: {  	[tilespmem:s23+$0x2850 ss:$0x81] =	vst.msk $0xffff, v61;
	s21 =	sshrl.u32 s21, $0x3;
	s25 =	sadd.s32 s3, s31;
	s22 =	smul.u32 s28, s22  }
0x1f: {  	[tilespmem:s23+$0x3060 ss:$0x81] =	vst.msk $0xffff, v62;
	s24 =	sshll.u32 s24, $0x7;
	s30 =	sshll.u32 s29, $0x12;
	s21 =	sadd.s32 s21, s25  }
0x20: {  	[tilespmem:s23+$0x0 ss:$0x81] =	vst.msk $0xffff, v63;
	s31 =	sor.u32 $0x400, s30;
	s21 =	sadd.s32 s24, s21;
	s22 =	sand.u32 $0x3FFFFFFF, s22  }
0x21: {  	[hbm4b:s21+s31] =	stream.strided.scatter [tilespmem:s20], [sflag:$0x2], s22, s9, s31, $0x20;
	[tilespmem:$0x10100] =	vst v63  }
.LBB1_5:
0x22: {  	p1 =	slt.u32 s16, $0x2  }
0x23: {  	p2 =	sgt.s32 @!p1 s19, $0xC7  }
0x24: {  	s20 =	smov.u32 s19;
	s21 =	sshra.s32 @!p1 s19, $0x1F;
	p2 =	por !p2, p1  }
0x25: {  	s19 =	sand.u32 @!p1 s21, s19;
	s20 =	simm.s32 @p2 $0xC7  }
0x26: {  	p3 =	sgt.s32 @!p1 s18, $0x380;
	s19 =	ssub.s32 @!p1 s20, s19  }
0x27: {  	p3 =	por !p3, p1;
	s21 =	sshra.s32 @!p1 s18, $0x1F;
	s20 =	sadd.s32 @!p1 $0xFFFFFF39, s19  }
0x28: {  	s19 =	ssub.s32 @!p1 $0xC8, s19;
	p2 =	sgt.s32 @!p1 s20, $0x0;
	s20 =	smov.u32 s18  }
0x29: {  	s18 =	sand.u32 @!p1 s21, s18;
	s20 =	simm.s32 @p3 $0x380;
	p3 =	sgt.s32 @!p1 s17, $0x240  }
0x2a: {  	s21 =	smov.u32 s17;
	p2 =	por !p2, p1;
	p3 =	por !p3, p1  }
0x2b: {  	s18 =	ssub.s32 @!p1 s20, s18;
	s20 =	sshra.s32 @!p1 s17, $0x1F;
	s19 =	simm.s32 @!p2 $0x0  }
0x2c: {  	s21 =	simm.s32 @p3 $0x240;
	s17 =	sand.u32 @!p1 s20, s17;
	s20 =	sadd.s32 @!p1 $0xFFFFFC80, s18  }
0x2d: {  	s18 =	ssub.s32 @!p1 $0x400, s18;
	s17 =	ssub.s32 @!p1 s21, s17;
	p2 =	sgt.s32 @!p1 s20, $0x7F  }
0x2e: {  	s21 =	smov.u32 s14;
	s20 =	sadd.s32 @!p1 $0xFFFFFDC0, s17;
	p2 =	por !p2, p1  }
0x2f: {  	s17 =	ssub.s32 @!p1 $0x2C0, s17;
	p3 =	sgt.s32 @!p1 s20, $0x7F;
	s18 =	simm.s32 @!p2 $0x0  }
0x30: {  	s20 =	sadd.s32 $0x80, s13;
	p2 =	por !p3, p1;
	s18 =	smul.u32 @!p1 s19, s18  }
0x31: {  	s19 =	sadd.s32 $0x400, s14;
	s17 =	simm.s32 @!p2 $0x0;
	p2 =	sgt.s32 s20, $0x2BF  }
0x32: {  	s22 =	smov.u32 s15;
	s21 =	smov.u32 @p2 s19  }
0x33: {  	s17 =	smul.u32 @!p1 s17, s18;
	s18 =	sadd.s32 $0x4, s15;
	p3 =	sgt.s32 s21, $0x3FF  }
0x34: {  	p0 =	por !p0, !p0;
	s23 =	simm.s32 @!p1 $0x2;
	s22 =	smov.u32 @p3 s18  }
0x35: {  	s20 =	simm.s32 @p2 $0x0;
	s19 =	smov.u32 s12;
	p2 =	sgt.s32 s22, $0xC7  }
0x36: {  	s12 =	smov.u32 s15;
	s22 =	smov.u32 @p2 s7;
	p2 =	sne.s32 s16, s8  }
.Ltmp1:
0x37: {  	s17 =	sand.u32 @!p1 $0x3FFFFFFF, s17;
	s21 =	smov.u32 @p3 s2;
	(pc) =	sbr.rel @!p2 .LBB1_6-.Ltmp1, $4  }
0x38: {  	s18 =	smov.u32 s11;
	s11 =	smov.u32 s14;
	_ =	swait.ge @!p1 [sflag:s23], s17  }
0x39: {  	s24 =	ssub.s32 @!p1 $0x0, s17;
	s17 =	smov.u32 s10;
	s10 =	smov.u32 s13  }
0x3a: {  	s13 =	smov.u32 s20;
	s14 =	smov.u32 s21;
	[sflag:s23] =	ssyncset.done @!p1 $0x0  }
0x3b: {  	s16 =	sadd.s32 $0x1, s16;
	[sflag:s23] =	ssyncadd.s32 @!p1 s24;
	s15 =	smov.u32 s22  }
.LBB1_1:
0x3c: {  	p1 =	sge.u32 s16, s6  }
0x3d: {  	s20 =	sshrl.u32 @!p1 s14, $0x3  }
0x3e: {  	s21 =	sshll.u32 @!p1 s13, $0x3;
	s20 =	smul.u32 @!p1 $0x1800, s20  }
0x3f: {  	s22 =	sshll.u32 @!p1 s14, $0x7;
	s21 =	sand.u32 @!p1 $0xFFFFFC00, s21  }
0x40: {  	s20 =	sadd.s32 @!p1 s20, s21;
	s21 =	sand.u32 @!p1 $0x380, s22  }
0x41: {  	s22 =	sand.u32 @!p1 $0x7F, s13;
	s20 =	sor.u32 @!p1 s21, s20  }
0x42: {  	s21 =	sor.u32 @!p1 s22, s20  }
0x43: {  	s22 =	smulhi.u32 @!p1 $0xAAAAAAAB, s21  }
0x44: {  	s20 =	smulhi.u32 @!p1 $0xAAAAAAAB, s20  }
0x45: {  	s22 =	sshrl.u32 @!p1 s22, $0x9  }
0x46: {  	s31 =	sadd.s32 $0xFFFFFFFF, s16;
	s20 =	sshrl.u32 @!p1 s20, $0x9;
	s22 =	smul.u32 @!p1 $0x300, s22  }
0x47: {  	s23 =	sxor.u32 @!p1 $0xFFFFFFFF, s16;
	s24 =	smul.u32 @!p1 $0x18000, s15;
	s20 =	sand.u32 @!p1 $0x3FF, s20  }
0x48: {  	s23 =	sshll.u32 @!p1 s23, $0xE;
	s20 =	smul.u32 @!p1 $0x60, s20;
	s21 =	ssub.s32 @!p1 s21, s22  }
0x49: {  	s22 =	sand.u32 @!p1 $0x4000, s23;
	s23 =	sadd.s32 @!p1 s4, s24;
	s24 =	sand.u32 @!p1 $0x7, s21  }
0x4a: {  	s21 =	sshrl.u32 @!p1 s21, $0x3;
	s20 =	sadd.s32 @!p1 s20, s23;
	s23 =	sshll.u32 @!p1 s24, $0x12  }
0x4b: {  	s20 =	sadd.s32 @!p1 s21, s20;
	s21 =	sor.u32 @!p1 $0x400, s23;
	s23 =	simm.s32 @!p1 $0x1800  }
0x4c: {  	[tilespmem:s22], [sflag:$0x1] =	stream.strided.gather @!p1 [hbm4b:s20+s21], $0x4000, s23, s21, $0x38;
	[tilespmem:$0x10100] =	vst v63  }
0x4d: {  	p1 =	sge.u32 s31, s6  }
.Ltmp2:
0x4e: {  	_ = 	snop;
	(pc) =	sbr.rel @p1 .LBB1_5-.Ltmp2, $1  }
0x4f: {  	_ =	sdelay $0x3  }
0x50: {  	s20 =	simm.s32 $0x1  }
0x51: {  	_ =	swait.ge [sflag:s5], $0x4000;
	s20 =	simm.s32 @!p0 $0x0  }
0x52: {  	[sflag:s5] =	ssyncset.done $0x0;
	s21 =	sshll.u32 s20, $0xE  }
0x53: {  	[sflag:s5] =	ssyncadd.s32 $0xFFFFC000;
	s21 =	sor.u32 $0x40, s21  }
0x54: {  	s20 =	smul.u32 $0x10200, s20;
	v0 =	vld [tilespmem:s21+$0x30]  }
0x55: {  	v1 =	vld [tilespmem:s21+$0xFFFFFFD0]  }
0x56: {  	s20 =	sshrl.u32 s20, $0x2;
	v5 =	vld [tilespmem:s21+$0xFFFFFFE0]  }
0x57: {  	v6 =	vld [tilespmem:s21+$0xFFFFFFF0];
	s23 =	sor.u32 $0x8000, s20  }
0x58: {  	s31 =	sand.u32 $0x1, s16;
	v4 =	vld [tilespmem:s21+$0x0];
	s22 =	sadd.s32 $0x0, s23  }
0x59: {  	v3 =	vld [tilespmem:s21+$0x10];
	s20 =	smul.u32 $0x10200, s31;
	[tilespmem:s22+$0x3870 ss:$0x81] =	vst.msk $0xffff, v0  }
0x5a: {  	v2 =	vld [tilespmem:s21+$0x20];
	[tilespmem:s22+$0x810 ss:$0x81] =	vst.msk $0xffff, v1  }
0x5b: {  	s20 =	sshrl.u32 s20, $0x2;
	v1 =	vld [tilespmem:s21+$0xFFFFFFC0];
	[tilespmem:s22+$0x1020 ss:$0x81] =	vst.msk $0xffff, v5;
	s21 =	sadd.s32 $0x80, s21  }
0x5c: {  	s24 =	simm.s32 $0x4;
	s25 =	simm.s32 $0x8;
	s20 =	sor.u32 $0x8000, s20;
	[tilespmem:s22+$0x1830 ss:$0x81] =	vst.msk $0xffff, v6;
	v0 =	vld [tilespmem:s21+$0x30]  }
.LBB1_3:
0x5d: {  	p1 =	sne.s32 s25, $0x1FC;
	v5 =	vld [tilespmem:s21+$0xFFFFFFD0];
	[tilespmem:s22+$0x2040 ss:$0x81] =	vst.msk $0xffff, v4  }
0x5e: {  	v6 =	vld [tilespmem:s21+$0xFFFFFFE0];
	[tilespmem:s22+$0x2850 ss:$0x81] =	vst.msk $0xffff, v3  }
0x5f: {  	s26 =	sshra.s32 s24, $0x2;
	s24 =	smov.u32 s25;
	v7 =	vld [tilespmem:s21+$0xFFFFFFF0];
	[tilespmem:s22+$0x3060 ss:$0x81] =	vst.msk $0xffff, v2  }
.Ltmp3:
0x60: {  	v4 =	vld [tilespmem:s21+$0x0];
	[tilespmem:s22+$0x0 ss:$0x81] =	vst.msk $0xffff, v1;
	s22 =	sadd.s32 s26, s23;
	(pc) =	sbr.rel @p1 .LBB1_3-.Ltmp3, $4  }
0x61: {  	v3 =	vld [tilespmem:s21+$0x10];
	[tilespmem:s22+$0x3870 ss:$0x81] =	vst.msk $0xffff, v0  }
0x62: {  	[tilespmem:s22+$0x810 ss:$0x81] =	vst.msk $0xffff, v5;
	v2 =	vld [tilespmem:s21+$0x20]  }
0x63: {  	v1 =	vld [tilespmem:s21+$0xFFFFFFC0];
	[tilespmem:s22+$0x1020 ss:$0x81] =	vst.msk $0xffff, v6;
	s21 =	sadd.s32 $0x80, s21  }
0x64: {  	s25 =	sadd.s32 $0x4, s25;
	v0 =	vld [tilespmem:s21+$0x30];
	[tilespmem:s22+$0x1830 ss:$0x81] =	vst.msk $0xffff, v7  }
.Ltmp4:
0x65: {  	_ = 	snop;
	(pc) =	sbr.rel .LBB1_4-.Ltmp4, $1  }
0x66: {  	_ =	sdelay $0x3  }
.LBB1_6:
0x67: {  	_ =	sfence.sel $0x180000  }
0x68: {  	s2 =	simm.s32 $0x1;
	[bflag:$0x0] =	sbarrier.arrive $0xFFFF  }
0x69: {  	s31 =	simm.s32 $0x2;
	[sflag:s2] =	ssyncpa.u1 $0x1  }
0x6a: {  	[sflag:s31] =	ssyncpa.u1 $0x1  }
0x6b: {  	p0 =	sne.s32 s0, $0x0;
	_ =	strace $0x9000004A  }
0x6c: {  	s0 =	sadd.s32 @!p0 $0x100000, s1;
	[bflag:$0x2] =	sbarrier.arrive $0xFFFF  }
0x6d: {  	[sflag:s0] =	ssyncadd.tile.s32 @!p0 $0x1;
	_ =	shalt  }
.Lfunc_end1:
_tile_overlayer_lowered:
.L_overlay_start_2:
0x6e: {  	(tag) =	ssettag $0x2  }
0x6f: {  	s0 =	rddreg [dreg:$0x0];
	s2 =	stileid.u32  }
0x70: {  	s1 =	rddreg [dreg:$0x1];
	p0 =	sne.s32 s2, $0x0  }
0x71: {  	s3 =	rddreg [dreg:$0x2];
	[bflag:$0x3] =	sbarrier.arrive $0xFFFF;
	s2 =	simm.s32 @!p0 $0x1C01  }
0x72: {  	[timem:s3], [sflag:s2] =	dma.local @!p0 [hbm:s0], s1  }
0x73: {  	s0 =	simm.s32 @!p0 $0x1  }
0x74: {  	_ =	swait.ge @!p0 [sflag:s0], s1  }
0x75: {  	s1 =	ssub.s32 @!p0 $0x0, s1;
	[sflag:s0] =	ssyncset.done @!p0 $0x0  }
0x76: {  	[sflag:s0] =	ssyncadd.s32 @!p0 s1  }
0x77: {  	[bflag:$0x3] =	sbarrier.arrive $0xFFFF  }
0x78: {  	_ =	shalt  }

</sc_bundles>
